<compile_context>
chip_gen: v7x
topology: tpu7x:2x2x1
jax: 0.10.2.dev20260603
libtpu: 0.0.44.dev20260713+nightly
codegen_flags: <defaults>
</compile_context>

<pallas_src>
import functools

import jax
import jax.numpy as jnp
from jax import lax
from jax.experimental import pallas as pl
from jax.experimental.pallas import tpu as pltpu
from jax.experimental.pallas import tpu_sc as plsc

N_NODES = 1024
DIM = 64
L = 16
CH = 256
NCH = N_NODES // CH
G = CH // L

_info = plsc.get_sparse_core_info()
_NC, _NS = _info.num_cores, _info.num_subcores
NW = _NC * _NS
RPW = N_NODES // NW


def _sc_scores(context_rep, W):
    mesh = plsc.VectorSubcoreMesh(core_axis_name="c", subcore_axis_name="s")

    @functools.partial(
        pl.kernel,
        mesh=mesh,
        out_type=jax.ShapeDtypeStruct((N_NODES, N_NODES), jnp.float32),
        compiler_params=pltpu.CompilerParams(needs_layout_passes=False),
        scratch_types=[
            pltpu.VMEM((CH, DIM), jnp.float32),
            pltpu.VMEM((CH, DIM), jnp.float32),
            pltpu.VMEM((N_NODES,), jnp.float32),
            pltpu.VMEM((DIM,), jnp.float32),
            pltpu.VMEM((G * L * L,), jnp.float32),
            pltpu.SemaphoreType.DMA((2,)),
        ],
    )
    def score(wf_hbm, c_hbm, out_hbm, buf0, buf1, e_v, cb_v, p_v, sems):
        bufs = (buf0, buf1)
        wid = lax.axis_index("s") * _NC + lax.axis_index("c")
        r0 = wid * RPW
        pltpu.sync_copy(c_hbm, cb_v)
        cvs = [cb_v[pl.ds(k * L, L)] for k in range(DIM // L)]
        nbase = lax.iota(jnp.int32, L)
        mask0 = nbase == 0
        UNR = 4

        def chunk_cp(r, ci, slot):
            return pltpu.make_async_copy(
                wf_hbm.at[r0 + r, pl.ds(ci * CH, CH)],
                bufs[slot],
                sems.at[slot],
            )

        colidx = nbase * L

        def compute_chunk(ci, slot):
            buf = bufs[slot]

            @plsc.parallel_loop(0, G, 1, unroll=4)
            def _gbody(g):
                base = g * L
                stage = g * (L * L)
                for j in range(L):
                    row = base + j
                    s = buf[row, pl.ds(0, L)] * cvs[0]
                    for k in range(1, DIM // L):
                        s = s + buf[row, pl.ds(k * L, L)] * cvs[k]
                    p_v[pl.ds(stage + j * L, L)] = s
                cols = [
                    plsc.load_gather(p_v, [colidx + (stage + ccol)])
                    for ccol in range(L)
                ]
                while len(cols) > 1:
                    cols = [
                        cols[z] + cols[z + 1] for z in range(0, len(cols) - 1, 2)
                    ] + (cols[-1:] if len(cols) % 2 else [])
                e_v[pl.ds(ci * CH + g * L, L)] = cols[0]

        chunk_cp(0, 0, 0).start()
        chunk_cp(0, 1, 1).start()

        def row_step(r, carry):
            chunk_cp(r, 0, 0).wait()
            compute_chunk(0, 0)

            @pl.when(r + 1 < RPW)
            def _():
                chunk_cp(r + 1, 0, 0).start()

            chunk_cp(r, 1, 1).wait()
            compute_chunk(1, 1)

            @pl.when(r + 1 < RPW)
            def _():
                chunk_cp(r + 1, 1, 1).start()

            def expstep(i, s):
                ex = jnp.exp(e_v[pl.ds(i * L, L)])
                e_v[pl.ds(i * L, L)] = ex
                return s + ex

            svec = lax.fori_loop(
                0, N_NODES // L, expstep, jnp.zeros((L,), jnp.float32)
            )
            ssum = lax.reduce_sum(svec, axes=(0,))
            rvec = jnp.ones((L,), jnp.float32) / (jnp.zeros((L,), jnp.float32) + ssum)

            def sclstep(i, c):
                e_v[pl.ds(i * L, L)] = e_v[pl.ds(i * L, L)] * rvec
                return c

            lax.fori_loop(0, N_NODES // L, sclstep, 0)
            pltpu.sync_copy(e_v, out_hbm.at[r0 + r])
            return carry

        lax.fori_loop(0, RPW, row_step, 0)

    return score(W, context_rep)


def _make_sc_gather(B, D):
    b_per_w = B // NW
    mesh = plsc.VectorSubcoreMesh(core_axis_name="c", subcore_axis_name="s")

    @functools.partial(
        pl.kernel,
        mesh=mesh,
        out_type=jax.ShapeDtypeStruct((B, D), jnp.float32),
        compiler_params=pltpu.CompilerParams(needs_layout_passes=False),
        scratch_types=[
            pltpu.VMEM((b_per_w,), jnp.int32),
            pltpu.VMEM((b_per_w, D), jnp.float32),
            pltpu.SemaphoreType.DMA,
        ],
    )
    def gather(table_hbm, idx_hbm, out_hbm, idx_v, rows_v, sem):
        wid = lax.axis_index("s") * _NC + lax.axis_index("c")
        base = wid * b_per_w
        pltpu.sync_copy(idx_hbm.at[pl.ds(base, b_per_w)], idx_v)
        pltpu.async_copy(table_hbm.at[idx_v], rows_v, sem).wait()
        pltpu.sync_copy(rows_v, out_hbm.at[pl.ds(base, b_per_w)])

    return gather


def kernel(node_indices, context_vector, W):
    scores = _sc_scores(context_vector, W)
    idx = node_indices.astype(jnp.int32)
    gather = _make_sc_gather(node_indices.shape[0], N_NODES)
    return gather(scores, idx)

# --- scband reference (transcript-rebuilt; emitter-appended) ---
"""Pipeline reference for scband-resonance-engine-2276332667136 (READ-ONLY COPY).

The authoritative reference and input builder live on the scoring server;
editing this copy changes nothing except your own understanding.
"""

import jax, jax.numpy as jnp
import numpy as np

NUM_NODES = 1024
DIM = 64
TAU = 1.0

def setup_inputs(seed: int = 0) -> dict:
    key = jax.random.key(seed)
    k1, k2, k3 = jax.random.split(key, 3)
    node_indices = jax.random.randint(k1, (1024,), 0, NUM_NODES, dtype=jnp.int64 if jax.config.jax_enable_x64 else jnp.int32)
    context_vector = jax.random.normal(k2, (DIM,), dtype=jnp.float32)
    limit = jnp.sqrt(2.0 / (2 * NUM_NODES))
    W = jax.random.normal(k3, (NUM_NODES, NUM_NODES, DIM), dtype=jnp.float32) * limit
    return {"node_indices": node_indices, "context_vector": context_vector, "W": W}

def reference(node_indices, context_vector, W):
    # w_ij = self.W[node_indices]  -> gather rows: [B, N, d]
    w_ij = jnp.take(W, node_indices, axis=0)
    # resonance_energy = einsum('bnd,d->bn')
    resonance_energy = jnp.einsum('bnd,d->bn', w_ij, context_vector)
    resonance_scores = jax.nn.softmax(resonance_energy / TAU, axis=-1)
    return resonance_scores

if __name__ == "__main__":
    import jax
    _d = setup_inputs()
    print(jax.jit(kernel)(*tuple(_d.values())))

</pallas_src>

<mosaic_0001>
#map = affine_map<(d0, d1) -> (0, 0, 0)>
#map1 = affine_map<(d0, d1) -> (0)>
#map2 = affine_map<(d0, d1) -> (0, 0)>
module attributes {stable_mosaic.version = 14 : i64} {
  func.func @score(%arg0: i32, %arg1: i32, %arg2: memref<1024x1024x64xf32, #tpu.memory_space<hbm>>, %arg3: memref<64xf32, #tpu.memory_space<hbm>>, %arg4: memref<1024x1024xf32, #tpu.memory_space<hbm>>, %arg5: memref<256x64xf32, #tpu.memory_space<vmem>>, %arg6: memref<256x64xf32, #tpu.memory_space<vmem>>, %arg7: memref<1024xf32, #tpu.memory_space<vmem>>, %arg8: memref<64xf32, #tpu.memory_space<vmem>>, %arg9: memref<4096xf32, #tpu.memory_space<vmem>>, %arg10: memref<2x!tpu.dma_semaphore, #tpu.memory_space<semaphore_mem>>) attributes {dimension_semantics = [#tpu.dimension_semantics<core_parallel>, #tpu.dimension_semantics<subcore_parallel>], iteration_bounds = array<i64: 2, 16>, scalar_prefetch = 0 : i64, scratch_operands = 6 : i64, tpu.core_type = #tpu.core_type<sc_vector_subcore>, window_params = [{transform_indices = #map}, {transform_indices = #map1}, {transform_indices = #map2}]} {
    %mul3A = arith.constant 2 : i32
    %mul3A_0 = arith.muli %arg1, %mul3A : i32
    %add3A = arith.addi %mul3A_0, %arg0 : i32
    %mul3A_1 = arith.constant 32 : i32
    %mul3A_2 = arith.muli %add3A, %mul3A_1 : i32
    "tpu.region"() ({
      %run_scoped3A = tpu.sem_alloc : memref<!tpu.dma_semaphore, #tpu.memory_space<semaphore_mem>>
      tpu.enqueue_dma source(%arg3 : memref<64xf32, #tpu.memory_space<hbm>>) target(%arg8 : memref<64xf32, #tpu.memory_space<vmem>>) target_semaphore(%run_scoped3A : memref<!tpu.dma_semaphore, #tpu.memory_space<semaphore_mem>>)
      tpu.wait_dma2 semaphore(%run_scoped3A : memref<!tpu.dma_semaphore, #tpu.memory_space<semaphore_mem>>) src(%arg3 : memref<64xf32, #tpu.memory_space<hbm>>) dst(%arg8 : memref<64xf32, #tpu.memory_space<vmem>>)
      tpu.yield
    }) : () -> ()
    %get3A = arith.constant 0 : index
    %get3A_3 = tpu.vector_load %arg8[%get3A] {strides = array<i32>} : memref<64xf32, #tpu.memory_space<vmem>>, vector<16xf32>,
    %get3A_4 = arith.constant 16 : index
    %get3A_5 = tpu.vector_load %arg8[%get3A_4] {strides = array<i32>} : memref<64xf32, #tpu.memory_space<vmem>>, vector<16xf32>,
    %get3A_6 = arith.constant 32 : index
    %get3A_7 = tpu.vector_load %arg8[%get3A_6] {strides = array<i32>} : memref<64xf32, #tpu.memory_space<vmem>>, vector<16xf32>,
    %get3A_8 = arith.constant 48 : index
    %get3A_9 = tpu.vector_load %arg8[%get3A_8] {strides = array<i32>} : memref<64xf32, #tpu.memory_space<vmem>>, vector<16xf32>,
    %iota3A = tpu.iota {dimensions = array<i32: 0>} : vector<16xi32>
    %eq3A = arith.constant 0 : i32
    %eq3A_10 = vector.broadcast %eq3A : i32 to vector<16xi32>
    %eq3A_11 = arith.cmpi eq, %iota3A, %eq3A_10 : vector<16xi32>
    %mul3A_12 = arith.constant 16 : i32
    %mul3A_13 = vector.broadcast %mul3A_12 : i32 to vector<16xi32>
    %mul3A_14 = arith.muli %iota3A, %mul3A_13 : vector<16xi32>
    %add3A_15 = arith.constant 0 : i32
    %add3A_16 = arith.addi %mul3A_2, %add3A_15 : i32
    %dma_start3A = arith.constant 0 : i32
    %dma_start3A_17 = arith.constant 0 : i32
    %dma_start3A_18 = arith.constant 0 : i32
    %dma_start3A_19 = tpu.memref_slice %arg2[%add3A_16, %dma_start3A_17, %dma_start3A_18] : memref<1024x1024x64xf32, #tpu.memory_space<hbm>> -> memref<1x256x64xf32, #tpu.memory_space<hbm>>
    %dma_start3A_20 = tpu.memref_squeeze %dma_start3A_19 : memref<1x256x64xf32, #tpu.memory_space<hbm>> -> memref<256x64xf32, #tpu.memory_space<hbm>>
    %dma_start3A_21 = tpu.memref_slice %arg10[%dma_start3A] : memref<2x!tpu.dma_semaphore, #tpu.memory_space<semaphore_mem>> -> memref<1x!tpu.dma_semaphore, #tpu.memory_space<semaphore_mem>>
    %dma_start3A_22 = tpu.memref_squeeze %dma_start3A_21 : memref<1x!tpu.dma_semaphore, #tpu.memory_space<semaphore_mem>> -> memref<!tpu.dma_semaphore, #tpu.memory_space<semaphore_mem>>
    %dma_start3A_23 = arith.constant 0 : i32
    %dma_start3A_24 = arith.constant 0 : i32
    %dma_start3A_25 = tpu.memref_slice %arg2[%add3A_16, %dma_start3A_23, %dma_start3A_24] : memref<1024x1024x64xf32, #tpu.memory_space<hbm>> -> memref<1x256x64xf32, #tpu.memory_space<hbm>>
    %dma_start3A_26 = tpu.memref_squeeze %dma_start3A_25 : memref<1x256x64xf32, #tpu.memory_space<hbm>> -> memref<256x64xf32, #tpu.memory_space<hbm>>
    tpu.enqueue_dma source(%dma_start3A_26 : memref<256x64xf32, #tpu.memory_space<hbm>>) target(%arg5 : memref<256x64xf32, #tpu.memory_space<vmem>>) target_semaphore(%dma_start3A_22 : memref<!tpu.dma_semaphore, #tpu.memory_space<semaphore_mem>>)
    %add3A_27 = arith.constant 0 : i32
    %add3A_28 = arith.addi %mul3A_2, %add3A_27 : i32
    %dma_start3A_29 = arith.constant 1 : i32
    %dma_start3A_30 = arith.constant 256 : i32
    %dma_start3A_31 = arith.constant 0 : i32
    %dma_start3A_32 = tpu.memref_slice %arg2[%add3A_28, %dma_start3A_30, %dma_start3A_31] : memref<1024x1024x64xf32, #tpu.memory_space<hbm>> -> memref<1x256x64xf32, #tpu.memory_space<hbm>>
    %dma_start3A_33 = tpu.memref_squeeze %dma_start3A_32 : memref<1x256x64xf32, #tpu.memory_space<hbm>> -> memref<256x64xf32, #tpu.memory_space<hbm>>
    %dma_start3A_34 = tpu.memref_slice %arg10[%dma_start3A_29] : memref<2x!tpu.dma_semaphore, #tpu.memory_space<semaphore_mem>> -> memref<1x!tpu.dma_semaphore, #tpu.memory_space<semaphore_mem>>
    %dma_start3A_35 = tpu.memref_squeeze %dma_start3A_34 : memref<1x!tpu.dma_semaphore, #tpu.memory_space<semaphore_mem>> -> memref<!tpu.dma_semaphore, #tpu.memory_space<semaphore_mem>>
    %dma_start3A_36 = arith.constant 256 : i32
    %dma_start3A_37 = arith.constant 0 : i32
    %dma_start3A_38 = tpu.memref_slice %arg2[%add3A_28, %dma_start3A_36, %dma_start3A_37] : memref<1024x1024x64xf32, #tpu.memory_space<hbm>> -> memref<1x256x64xf32, #tpu.memory_space<hbm>>
    %dma_start3A_39 = tpu.memref_squeeze %dma_start3A_38 : memref<1x256x64xf32, #tpu.memory_space<hbm>> -> memref<256x64xf32, #tpu.memory_space<hbm>>
    tpu.enqueue_dma source(%dma_start3A_39 : memref<256x64xf32, #tpu.memory_space<hbm>>) target(%arg6 : memref<256x64xf32, #tpu.memory_space<vmem>>) target_semaphore(%dma_start3A_35 : memref<!tpu.dma_semaphore, #tpu.memory_space<semaphore_mem>>)
    %scan3A = arith.constant 0 : i32
    %scan3A_40 = arith.constant 0 : i32
    %scan3A_41 = arith.constant 32 : i32
    %scan3A_42 = arith.addi %scan3A_40, %scan3A_41 : i32
    %scan3A_43 = arith.constant 1 : i32
    scf.for %scan3A_45 = %scan3A_40 to %scan3A_42 step %scan3A_43  : i32 {
      %add3A_46 = arith.addi %mul3A_2, %scan3A_45 : i32
      %dma_wait3A = arith.constant 0 : i32
      %dma_wait3A_47 = arith.constant 0 : i32
      %dma_wait3A_48 = arith.constant 0 : i32
      %dma_wait3A_49 = tpu.memref_slice %arg2[%add3A_46, %dma_wait3A_47, %dma_wait3A_48] : memref<1024x1024x64xf32, #tpu.memory_space<hbm>> -> memref<1x256x64xf32, #tpu.memory_space<hbm>>
      %dma_wait3A_50 = tpu.memref_squeeze %dma_wait3A_49 : memref<1x256x64xf32, #tpu.memory_space<hbm>> -> memref<256x64xf32, #tpu.memory_space<hbm>>
      %dma_wait3A_51 = tpu.memref_slice %arg10[%dma_wait3A] : memref<2x!tpu.dma_semaphore, #tpu.memory_space<semaphore_mem>> -> memref<1x!tpu.dma_semaphore, #tpu.memory_space<semaphore_mem>>
      %dma_wait3A_52 = tpu.memref_squeeze %dma_wait3A_51 : memref<1x!tpu.dma_semaphore, #tpu.memory_space<semaphore_mem>> -> memref<!tpu.dma_semaphore, #tpu.memory_space<semaphore_mem>>
      %dma_wait3A_53 = arith.constant 0 : i32
      %dma_wait3A_54 = arith.constant 0 : i32
      %dma_wait3A_55 = tpu.memref_slice %arg2[%add3A_46, %dma_wait3A_53, %dma_wait3A_54] : memref<1024x1024x64xf32, #tpu.memory_space<hbm>> -> memref<1x256x64xf32, #tpu.memory_space<hbm>>
      %dma_wait3A_56 = tpu.memref_squeeze %dma_wait3A_55 : memref<1x256x64xf32, #tpu.memory_space<hbm>> -> memref<256x64xf32, #tpu.memory_space<hbm>>
      tpu.wait_dma2 semaphore(%dma_wait3A_52 : memref<!tpu.dma_semaphore, #tpu.memory_space<semaphore_mem>>) src(%dma_wait3A_56 : memref<256x64xf32, #tpu.memory_space<hbm>>) dst(%arg5 : memref<256x64xf32, #tpu.memory_space<vmem>>)
      %parallel_loop3A = arith.constant 0 : i32
      %parallel_loop3A_57 = arith.constant 16 : i32
      %parallel_loop3A_58 = arith.constant 1 : i32
      scf.for %parallel_loop3A_108 = %parallel_loop3A to %parallel_loop3A_57 step %parallel_loop3A_58  : i32 {
        %parallel_loop3A_109 = arith.constant 16 : i32
        %parallel_loop3A_110 = arith.muli %parallel_loop3A_108, %parallel_loop3A_109 : i32
        %parallel_loop3A_111 = arith.constant 256 : i32
        %parallel_loop3A_112 = arith.muli %parallel_loop3A_108, %parallel_loop3A_111 : i32
        %parallel_loop3A_113 = arith.constant 0 : i32
        %parallel_loop3A_114 = arith.addi %parallel_loop3A_110, %parallel_loop3A_113 : i32
        %parallel_loop3A_115 = arith.index_cast %parallel_loop3A_114 : i32 to index
        %parallel_loop3A_116 = arith.constant 0 : index
        %parallel_loop3A_117 = tpu.vector_load %arg5[%parallel_loop3A_115, %parallel_loop3A_116] {strides = array<i32>} : memref<256x64xf32, #tpu.memory_space<vmem>>, vector<16xf32>,
        %parallel_loop3A_118 = arith.mulf %parallel_loop3A_117, %get3A_3 : vector<16xf32>
        %parallel_loop3A_119 = arith.index_cast %parallel_loop3A_114 : i32 to index
        %parallel_loop3A_120 = arith.constant 16 : index
        %parallel_loop3A_121 = tpu.vector_load %arg5[%parallel_loop3A_119, %parallel_loop3A_120] {strides = array<i32>} : memref<256x64xf32, #tpu.memory_space<vmem>>, vector<16xf32>,
        %parallel_loop3A_122 = arith.mulf %parallel_loop3A_121, %get3A_5 : vector<16xf32>
        %parallel_loop3A_123 = arith.addf %parallel_loop3A_118, %parallel_loop3A_122 : vector<16xf32>
        %parallel_loop3A_124 = arith.index_cast %parallel_loop3A_114 : i32 to index
        %parallel_loop3A_125 = arith.constant 32 : index
        %parallel_loop3A_126 = tpu.vector_load %arg5[%parallel_loop3A_124, %parallel_loop3A_125] {strides = array<i32>} : memref<256x64xf32, #tpu.memory_space<vmem>>, vector<16xf32>,
        %parallel_loop3A_127 = arith.mulf %parallel_loop3A_126, %get3A_7 : vector<16xf32>
        %parallel_loop3A_128 = arith.addf %parallel_loop3A_123, %parallel_loop3A_127 : vector<16xf32>
        %parallel_loop3A_129 = arith.index_cast %parallel_loop3A_114 : i32 to index
        %parallel_loop3A_130 = arith.constant 48 : index
        %parallel_loop3A_131 = tpu.vector_load %arg5[%parallel_loop3A_129, %parallel_loop3A_130] {strides = array<i32>} : memref<256x64xf32, #tpu.memory_space<vmem>>, vector<16xf32>,
        %parallel_loop3A_132 = arith.mulf %parallel_loop3A_131, %get3A_9 : vector<16xf32>
        %parallel_loop3A_133 = arith.addf %parallel_loop3A_128, %parallel_loop3A_132 : vector<16xf32>
        %parallel_loop3A_134 = arith.constant 0 : i32
        %parallel_loop3A_135 = arith.addi %parallel_loop3A_112, %parallel_loop3A_134 : i32
        %parallel_loop3A_136 = arith.index_cast %parallel_loop3A_135 : i32 to index
        %parallel_loop3A_137 = tpu.vector_load %arg9[%parallel_loop3A_136] {strides = array<i32>} : memref<4096xf32, #tpu.memory_space<vmem>>, vector<16xf32>,
        tpu.vector_store %arg9[%parallel_loop3A_136], %parallel_loop3A_133 {strides = array<i32>} : memref<4096xf32, #tpu.memory_space<vmem>>, vector<16xf32>,
        %parallel_loop3A_138 = arith.constant 1 : i32
        %parallel_loop3A_139 = arith.addi %parallel_loop3A_110, %parallel_loop3A_138 : i32
        %parallel_loop3A_140 = arith.index_cast %parallel_loop3A_139 : i32 to index
        %parallel_loop3A_141 = arith.constant 0 : index
        %parallel_loop3A_142 = tpu.vector_load %arg5[%parallel_loop3A_140, %parallel_loop3A_141] {strides = array<i32>} : memref<256x64xf32, #tpu.memory_space<vmem>>, vector<16xf32>,
        %parallel_loop3A_143 = arith.mulf %parallel_loop3A_142, %get3A_3 : vector<16xf32>
        %parallel_loop3A_144 = arith.index_cast %parallel_loop3A_139 : i32 to index
        %parallel_loop3A_145 = arith.constant 16 : index
        %parallel_loop3A_146 = tpu.vector_load %arg5[%parallel_loop3A_144, %parallel_loop3A_145] {strides = array<i32>} : memref<256x64xf32, #tpu.memory_space<vmem>>, vector<16xf32>,
        %parallel_loop3A_147 = arith.mulf %parallel_loop3A_146, %get3A_5 : vector<16xf32>
        %parallel_loop3A_148 = arith.addf %parallel_loop3A_143, %parallel_loop3A_147 : vector<16xf32>
        %parallel_loop3A_149 = arith.index_cast %parallel_loop3A_139 : i32 to index
        %parallel_loop3A_150 = arith.constant 32 : index
        %parallel_loop3A_151 = tpu.vector_load %arg5[%parallel_loop3A_149, %parallel_loop3A_150] {strides = array<i32>} : memref<256x64xf32, #tpu.memory_space<vmem>>, vector<16xf32>,
        %parallel_loop3A_152 = arith.mulf %parallel_loop3A_151, %get3A_7 : vector<16xf32>
        %parallel_loop3A_153 = arith.addf %parallel_loop3A_148, %parallel_loop3A_152 : vector<16xf32>
        %parallel_loop3A_154 = arith.index_cast %parallel_loop3A_139 : i32 to index
        %parallel_loop3A_155 = arith.constant 48 : index
        %parallel_loop3A_156 = tpu.vector_load %arg5[%parallel_loop3A_154, %parallel_loop3A_155] {strides = array<i32>} : memref<256x64xf32, #tpu.memory_space<vmem>>, vector<16xf32>,
        %parallel_loop3A_157 = arith.mulf %parallel_loop3A_156, %get3A_9 : vector<16xf32>
        %parallel_loop3A_158 = arith.addf %parallel_loop3A_153, %parallel_loop3A_157 : vector<16xf32>
        %parallel_loop3A_159 = arith.constant 16 : i32
        %parallel_loop3A_160 = arith.addi %parallel_loop3A_112, %parallel_loop3A_159 : i32
        %parallel_loop3A_161 = arith.index_cast %parallel_loop3A_160 : i32 to index
        %parallel_loop3A_162 = tpu.vector_load %arg9[%parallel_loop3A_161] {strides = array<i32>} : memref<4096xf32, #tpu.memory_space<vmem>>, vector<16xf32>,
        tpu.vector_store %arg9[%parallel_loop3A_161], %parallel_loop3A_158 {strides = array<i32>} : memref<4096xf32, #tpu.memory_space<vmem>>, vector<16xf32>,
        %parallel_loop3A_163 = arith.constant 2 : i32
        %parallel_loop3A_164 = arith.addi %parallel_loop3A_110, %parallel_loop3A_163 : i32
        %parallel_loop3A_165 = arith.index_cast %parallel_loop3A_164 : i32 to index
        %parallel_loop3A_166 = arith.constant 0 : index
        %parallel_loop3A_167 = tpu.vector_load %arg5[%parallel_loop3A_165, %parallel_loop3A_166] {strides = array<i32>} : memref<256x64xf32, #tpu.memory_space<vmem>>, vector<16xf32>,
        %parallel_loop3A_168 = arith.mulf %parallel_loop3A_167, %get3A_3 : vector<16xf32>
        %parallel_loop3A_169 = arith.index_cast %parallel_loop3A_164 : i32 to index
        %parallel_loop3A_170 = arith.constant 16 : index
        %parallel_loop3A_171 = tpu.vector_load %arg5[%parallel_loop3A_169, %parallel_loop3A_170] {strides = array<i32>} : memref<256x64xf32, #tpu.memory_space<vmem>>, vector<16xf32>,
        %parallel_loop3A_172 = arith.mulf %parallel_loop3A_171, %get3A_5 : vector<16xf32>
        %parallel_loop3A_173 = arith.addf %parallel_loop3A_168, %parallel_loop3A_172 : vector<16xf32>
        %parallel_loop3A_174 = arith.index_cast %parallel_loop3A_164 : i32 to index
        %parallel_loop3A_175 = arith.constant 32 : index
        %parallel_loop3A_176 = tpu.vector_load %arg5[%parallel_loop3A_174, %parallel_loop3A_175] {strides = array<i32>} : memref<256x64xf32, #tpu.memory_space<vmem>>, vector<16xf32>,
        %parallel_loop3A_177 = arith.mulf %parallel_loop3A_176, %get3A_7 : vector<16xf32>
        %parallel_loop3A_178 = arith.addf %parallel_loop3A_173, %parallel_loop3A_177 : vector<16xf32>
        %parallel_loop3A_179 = arith.index_cast %parallel_loop3A_164 : i32 to index
        %parallel_loop3A_180 = arith.constant 48 : index
        %parallel_loop3A_181 = tpu.vector_load %arg5[%parallel_loop3A_179, %parallel_loop3A_180] {strides = array<i32>} : memref<256x64xf32, #tpu.memory_space<vmem>>, vector<16xf32>,
        %parallel_loop3A_182 = arith.mulf %parallel_loop3A_181, %get3A_9 : vector<16xf32>
        %parallel_loop3A_183 = arith.addf %parallel_loop3A_178, %parallel_loop3A_182 : vector<16xf32>
        %parallel_loop3A_184 = arith.constant 32 : i32
        %parallel_loop3A_185 = arith.addi %parallel_loop3A_112, %parallel_loop3A_184 : i32
        %parallel_loop3A_186 = arith.index_cast %parallel_loop3A_185 : i32 to index
        %parallel_loop3A_187 = tpu.vector_load %arg9[%parallel_loop3A_186] {strides = array<i32>} : memref<4096xf32, #tpu.memory_space<vmem>>, vector<16xf32>,
        tpu.vector_store %arg9[%parallel_loop3A_186], %parallel_loop3A_183 {strides = array<i32>} : memref<4096xf32, #tpu.memory_space<vmem>>, vector<16xf32>,
        %parallel_loop3A_188 = arith.constant 3 : i32
        %parallel_loop3A_189 = arith.addi %parallel_loop3A_110, %parallel_loop3A_188 : i32
        %parallel_loop3A_190 = arith.index_cast %parallel_loop3A_189 : i32 to index
        %parallel_loop3A_191 = arith.constant 0 : index
        %parallel_loop3A_192 = tpu.vector_load %arg5[%parallel_loop3A_190, %parallel_loop3A_191] {strides = array<i32>} : memref<256x64xf32, #tpu.memory_space<vmem>>, vector<16xf32>,
        %parallel_loop3A_193 = arith.mulf %parallel_loop3A_192, %get3A_3 : vector<16xf32>
        %parallel_loop3A_194 = arith.index_cast %parallel_loop3A_189 : i32 to index
        %parallel_loop3A_195 = arith.constant 16 : index
        %parallel_loop3A_196 = tpu.vector_load %arg5[%parallel_loop3A_194, %parallel_loop3A_195] {strides = array<i32>} : memref<256x64xf32, #tpu.memory_space<vmem>>, vector<16xf32>,
        %parallel_loop3A_197 = arith.mulf %parallel_loop3A_196, %get3A_5 : vector<16xf32>
        %parallel_loop3A_198 = arith.addf %parallel_loop3A_193, %parallel_loop3A_197 : vector<16xf32>
        %parallel_loop3A_199 = arith.index_cast %parallel_loop3A_189 : i32 to index
        %parallel_loop3A_200 = arith.constant 32 : index
        %parallel_loop3A_201 = tpu.vector_load %arg5[%parallel_loop3A_199, %parallel_loop3A_200] {strides = array<i32>} : memref<256x64xf32, #tpu.memory_space<vmem>>, vector<16xf32>,
        %parallel_loop3A_202 = arith.mulf %parallel_loop3A_201, %get3A_7 : vector<16xf32>
        %parallel_loop3A_203 = arith.addf %parallel_loop3A_198, %parallel_loop3A_202 : vector<16xf32>
        %parallel_loop3A_204 = arith.index_cast %parallel_loop3A_189 : i32 to index
        %parallel_loop3A_205 = arith.constant 48 : index
        %parallel_loop3A_206 = tpu.vector_load %arg5[%parallel_loop3A_204, %parallel_loop3A_205] {strides = array<i32>} : memref<256x64xf32, #tpu.memory_space<vmem>>, vector<16xf32>,
        %parallel_loop3A_207 = arith.mulf %parallel_loop3A_206, %get3A_9 : vector<16xf32>
        %parallel_loop3A_208 = arith.addf %parallel_loop3A_203, %parallel_loop3A_207 : vector<16xf32>
        %parallel_loop3A_209 = arith.constant 48 : i32
        %parallel_loop3A_210 = arith.addi %parallel_loop3A_112, %parallel_loop3A_209 : i32
        %parallel_loop3A_211 = arith.index_cast %parallel_loop3A_210 : i32 to index
        %parallel_loop3A_212 = tpu.vector_load %arg9[%parallel_loop3A_211] {strides = array<i32>} : memref<4096xf32, #tpu.memory_space<vmem>>, vector<16xf32>,
        tpu.vector_store %arg9[%parallel_loop3A_211], %parallel_loop3A_208 {strides = array<i32>} : memref<4096xf32, #tpu.memory_space<vmem>>, vector<16xf32>,
        %parallel_loop3A_213 = arith.constant 4 : i32
        %parallel_loop3A_214 = arith.addi %parallel_loop3A_110, %parallel_loop3A_213 : i32
        %parallel_loop3A_215 = arith.index_cast %parallel_loop3A_214 : i32 to index
        %parallel_loop3A_216 = arith.constant 0 : index
        %parallel_loop3A_217 = tpu.vector_load %arg5[%parallel_loop3A_215, %parallel_loop3A_216] {strides = array<i32>} : memref<256x64xf32, #tpu.memory_space<vmem>>, vector<16xf32>,
        %parallel_loop3A_218 = arith.mulf %parallel_loop3A_217, %get3A_3 : vector<16xf32>
        %parallel_loop3A_219 = arith.index_cast %parallel_loop3A_214 : i32 to index
        %parallel_loop3A_220 = arith.constant 16 : index
        %parallel_loop3A_221 = tpu.vector_load %arg5[%parallel_loop3A_219, %parallel_loop3A_220] {strides = array<i32>} : memref<256x64xf32, #tpu.memory_space<vmem>>, vector<16xf32>,
        %parallel_loop3A_222 = arith.mulf %parallel_loop3A_221, %get3A_5 : vector<16xf32>
        %parallel_loop3A_223 = arith.addf %parallel_loop3A_218, %parallel_loop3A_222 : vector<16xf32>
        %parallel_loop3A_224 = arith.index_cast %parallel_loop3A_214 : i32 to index
        %parallel_loop3A_225 = arith.constant 32 : index
        %parallel_loop3A_226 = tpu.vector_load %arg5[%parallel_loop3A_224, %parallel_loop3A_225] {strides = array<i32>} : memref<256x64xf32, #tpu.memory_space<vmem>>, vector<16xf32>,
        %parallel_loop3A_227 = arith.mulf %parallel_loop3A_226, %get3A_7 : vector<16xf32>
        %parallel_loop3A_228 = arith.addf %parallel_loop3A_223, %parallel_loop3A_227 : vector<16xf32>
        %parallel_loop3A_229 = arith.index_cast %parallel_loop3A_214 : i32 to index
        %parallel_loop3A_230 = arith.constant 48 : index
        %parallel_loop3A_231 = tpu.vector_load %arg5[%parallel_loop3A_229, %parallel_loop3A_230] {strides = array<i32>} : memref<256x64xf32, #tpu.memory_space<vmem>>, vector<16xf32>,
        %parallel_loop3A_232 = arith.mulf %parallel_loop3A_231, %get3A_9 : vector<16xf32>
        %parallel_loop3A_233 = arith.addf %parallel_loop3A_228, %parallel_loop3A_232 : vector<16xf32>
        %parallel_loop3A_234 = arith.constant 64 : i32
        %parallel_loop3A_235 = arith.addi %parallel_loop3A_112, %parallel_loop3A_234 : i32
        %parallel_loop3A_236 = arith.index_cast %parallel_loop3A_235 : i32 to index
        %parallel_loop3A_237 = tpu.vector_load %arg9[%parallel_loop3A_236] {strides = array<i32>} : memref<4096xf32, #tpu.memory_space<vmem>>, vector<16xf32>,
        tpu.vector_store %arg9[%parallel_loop3A_236], %parallel_loop3A_233 {strides = array<i32>} : memref<4096xf32, #tpu.memory_space<vmem>>, vector<16xf32>,
        %parallel_loop3A_238 = arith.constant 5 : i32
        %parallel_loop3A_239 = arith.addi %parallel_loop3A_110, %parallel_loop3A_238 : i32
        %parallel_loop3A_240 = arith.index_cast %parallel_loop3A_239 : i32 to index
        %parallel_loop3A_241 = arith.constant 0 : index
        %parallel_loop3A_242 = tpu.vector_load %arg5[%parallel_loop3A_240, %parallel_loop3A_241] {strides = array<i32>} : memref<256x64xf32, #tpu.memory_space<vmem>>, vector<16xf32>,
        %parallel_loop3A_243 = arith.mulf %parallel_loop3A_242, %get3A_3 : vector<16xf32>
        %parallel_loop3A_244 = arith.index_cast %parallel_loop3A_239 : i32 to index
        %parallel_loop3A_245 = arith.constant 16 : index
        %parallel_loop3A_246 = tpu.vector_load %arg5[%parallel_loop3A_244, %parallel_loop3A_245] {strides = array<i32>} : memref<256x64xf32, #tpu.memory_space<vmem>>, vector<16xf32>,
        %parallel_loop3A_247 = arith.mulf %parallel_loop3A_246, %get3A_5 : vector<16xf32>
        %parallel_loop3A_248 = arith.addf %parallel_loop3A_243, %parallel_loop3A_247 : vector<16xf32>
        %parallel_loop3A_249 = arith.index_cast %parallel_loop3A_239 : i32 to index
        %parallel_loop3A_250 = arith.constant 32 : index
        %parallel_loop3A_251 = tpu.vector_load %arg5[%parallel_loop3A_249, %parallel_loop3A_250] {strides = array<i32>} : memref<256x64xf32, #tpu.memory_space<vmem>>, vector<16xf32>,
        %parallel_loop3A_252 = arith.mulf %parallel_loop3A_251, %get3A_7 : vector<16xf32>
        %parallel_loop3A_253 = arith.addf %parallel_loop3A_248, %parallel_loop3A_252 : vector<16xf32>
        %parallel_loop3A_254 = arith.index_cast %parallel_loop3A_239 : i32 to index
        %parallel_loop3A_255 = arith.constant 48 : index
        %parallel_loop3A_256 = tpu.vector_load %arg5[%parallel_loop3A_254, %parallel_loop3A_255] {strides = array<i32>} : memref<256x64xf32, #tpu.memory_space<vmem>>, vector<16xf32>,
        %parallel_loop3A_257 = arith.mulf %parallel_loop3A_256, %get3A_9 : vector<16xf32>
        %parallel_loop3A_258 = arith.addf %parallel_loop3A_253, %parallel_loop3A_257 : vector<16xf32>
        %parallel_loop3A_259 = arith.constant 80 : i32
        %parallel_loop3A_260 = arith.addi %parallel_loop3A_112, %parallel_loop3A_259 : i32
        %parallel_loop3A_261 = arith.index_cast %parallel_loop3A_260 : i32 to index
        %parallel_loop3A_262 = tpu.vector_load %arg9[%parallel_loop3A_261] {strides = array<i32>} : memref<4096xf32, #tpu.memory_space<vmem>>, vector<16xf32>,
        tpu.vector_store %arg9[%parallel_loop3A_261], %parallel_loop3A_258 {strides = array<i32>} : memref<4096xf32, #tpu.memory_space<vmem>>, vector<16xf32>,
        %parallel_loop3A_263 = arith.constant 6 : i32
        %parallel_loop3A_264 = arith.addi %parallel_loop3A_110, %parallel_loop3A_263 : i32
        %parallel_loop3A_265 = arith.index_cast %parallel_loop3A_264 : i32 to index
        %parallel_loop3A_266 = arith.constant 0 : index
        %parallel_loop3A_267 = tpu.vector_load %arg5[%parallel_loop3A_265, %parallel_loop3A_266] {strides = array<i32>} : memref<256x64xf32, #tpu.memory_space<vmem>>, vector<16xf32>,
        %parallel_loop3A_268 = arith.mulf %parallel_loop3A_267, %get3A_3 : vector<16xf32>
        %parallel_loop3A_269 = arith.index_cast %parallel_loop3A_264 : i32 to index
        %parallel_loop3A_270 = arith.constant 16 : index
        %parallel_loop3A_271 = tpu.vector_load %arg5[%parallel_loop3A_269, %parallel_loop3A_270] {strides = array<i32>} : memref<256x64xf32, #tpu.memory_space<vmem>>, vector<16xf32>,
        %parallel_loop3A_272 = arith.mulf %parallel_loop3A_271, %get3A_5 : vector<16xf32>
        %parallel_loop3A_273 = arith.addf %parallel_loop3A_268, %parallel_loop3A_272 : vector<16xf32>
        %parallel_loop3A_274 = arith.index_cast %parallel_loop3A_264 : i32 to index
        %parallel_loop3A_275 = arith.constant 32 : index
        %parallel_loop3A_276 = tpu.vector_load %arg5[%parallel_loop3A_274, %parallel_loop3A_275] {strides = array<i32>} : memref<256x64xf32, #tpu.memory_space<vmem>>, vector<16xf32>,
        %parallel_loop3A_277 = arith.mulf %parallel_loop3A_276, %get3A_7 : vector<16xf32>
        %parallel_loop3A_278 = arith.addf %parallel_loop3A_273, %parallel_loop3A_277 : vector<16xf32>
        %parallel_loop3A_279 = arith.index_cast %parallel_loop3A_264 : i32 to index
        %parallel_loop3A_280 = arith.constant 48 : index
        %parallel_loop3A_281 = tpu.vector_load %arg5[%parallel_loop3A_279, %parallel_loop3A_280] {strides = array<i32>} : memref<256x64xf32, #tpu.memory_space<vmem>>, vector<16xf32>,
        %parallel_loop3A_282 = arith.mulf %parallel_loop3A_281, %get3A_9 : vector<16xf32>
        %parallel_loop3A_283 = arith.addf %parallel_loop3A_278, %parallel_loop3A_282 : vector<16xf32>
        %parallel_loop3A_284 = arith.constant 96 : i32
        %parallel_loop3A_285 = arith.addi %parallel_loop3A_112, %parallel_loop3A_284 : i32
        %parallel_loop3A_286 = arith.index_cast %parallel_loop3A_285 : i32 to index
        %parallel_loop3A_287 = tpu.vector_load %arg9[%parallel_loop3A_286] {strides = array<i32>} : memref<4096xf32, #tpu.memory_space<vmem>>, vector<16xf32>,
        tpu.vector_store %arg9[%parallel_loop3A_286], %parallel_loop3A_283 {strides = array<i32>} : memref<4096xf32, #tpu.memory_space<vmem>>, vector<16xf32>,
        %parallel_loop3A_288 = arith.constant 7 : i32
        %parallel_loop3A_289 = arith.addi %parallel_loop3A_110, %parallel_loop3A_288 : i32
        %parallel_loop3A_290 = arith.index_cast %parallel_loop3A_289 : i32 to index
        %parallel_loop3A_291 = arith.constant 0 : index
        %parallel_loop3A_292 = tpu.vector_load %arg5[%parallel_loop3A_290, %parallel_loop3A_291] {strides = array<i32>} : memref<256x64xf32, #tpu.memory_space<vmem>>, vector<16xf32>,
        %parallel_loop3A_293 = arith.mulf %parallel_loop3A_292, %get3A_3 : vector<16xf32>
        %parallel_loop3A_294 = arith.index_cast %parallel_loop3A_289 : i32 to index
        %parallel_loop3A_295 = arith.constant 16 : index
        %parallel_loop3A_296 = tpu.vector_load %arg5[%parallel_loop3A_294, %parallel_loop3A_295] {strides = array<i32>} : memref<256x64xf32, #tpu.memory_space<vmem>>, vector<16xf32>,
        %parallel_loop3A_297 = arith.mulf %parallel_loop3A_296, %get3A_5 : vector<16xf32>
        %parallel_loop3A_298 = arith.addf %parallel_loop3A_293, %parallel_loop3A_297 : vector<16xf32>
        %parallel_loop3A_299 = arith.index_cast %parallel_loop3A_289 : i32 to index
        %parallel_loop3A_300 = arith.constant 32 : index
        %parallel_loop3A_301 = tpu.vector_load %arg5[%parallel_loop3A_299, %parallel_loop3A_300] {strides = array<i32>} : memref<256x64xf32, #tpu.memory_space<vmem>>, vector<16xf32>,
        %parallel_loop3A_302 = arith.mulf %parallel_loop3A_301, %get3A_7 : vector<16xf32>
        %parallel_loop3A_303 = arith.addf %parallel_loop3A_298, %parallel_loop3A_302 : vector<16xf32>
        %parallel_loop3A_304 = arith.index_cast %parallel_loop3A_289 : i32 to index
        %parallel_loop3A_305 = arith.constant 48 : index
        %parallel_loop3A_306 = tpu.vector_load %arg5[%parallel_loop3A_304, %parallel_loop3A_305] {strides = array<i32>} : memref<256x64xf32, #tpu.memory_space<vmem>>, vector<16xf32>,
        %parallel_loop3A_307 = arith.mulf %parallel_loop3A_306, %get3A_9 : vector<16xf32>
        %parallel_loop3A_308 = arith.addf %parallel_loop3A_303, %parallel_loop3A_307 : vector<16xf32>
        %parallel_loop3A_309 = arith.constant 112 : i32
        %parallel_loop3A_310 = arith.addi %parallel_loop3A_112, %parallel_loop3A_309 : i32
        %parallel_loop3A_311 = arith.index_cast %parallel_loop3A_310 : i32 to index
        %parallel_loop3A_312 = tpu.vector_load %arg9[%parallel_loop3A_311] {strides = array<i32>} : memref<4096xf32, #tpu.memory_space<vmem>>, vector<16xf32>,
        tpu.vector_store %arg9[%parallel_loop3A_311], %parallel_loop3A_308 {strides = array<i32>} : memref<4096xf32, #tpu.memory_space<vmem>>, vector<16xf32>,
        %parallel_loop3A_313 = arith.constant 8 : i32
        %parallel_loop3A_314 = arith.addi %parallel_loop3A_110, %parallel_loop3A_313 : i32
        %parallel_loop3A_315 = arith.index_cast %parallel_loop3A_314 : i32 to index
        %parallel_loop3A_316 = arith.constant 0 : index
        %parallel_loop3A_317 = tpu.vector_load %arg5[%parallel_loop3A_315, %parallel_loop3A_316] {strides = array<i32>} : memref<256x64xf32, #tpu.memory_space<vmem>>, vector<16xf32>,
        %parallel_loop3A_318 = arith.mulf %parallel_loop3A_317, %get3A_3 : vector<16xf32>
        %parallel_loop3A_319 = arith.index_cast %parallel_loop3A_314 : i32 to index
        %parallel_loop3A_320 = arith.constant 16 : index
        %parallel_loop3A_321 = tpu.vector_load %arg5[%parallel_loop3A_319, %parallel_loop3A_320] {strides = array<i32>} : memref<256x64xf32, #tpu.memory_space<vmem>>, vector<16xf32>,
        %parallel_loop3A_322 = arith.mulf %parallel_loop3A_321, %get3A_5 : vector<16xf32>
        %parallel_loop3A_323 = arith.addf %parallel_loop3A_318, %parallel_loop3A_322 : vector<16xf32>
        %parallel_loop3A_324 = arith.index_cast %parallel_loop3A_314 : i32 to index
        %parallel_loop3A_325 = arith.constant 32 : index
        %parallel_loop3A_326 = tpu.vector_load %arg5[%parallel_loop3A_324, %parallel_loop3A_325] {strides = array<i32>} : memref<256x64xf32, #tpu.memory_space<vmem>>, vector<16xf32>,
        %parallel_loop3A_327 = arith.mulf %parallel_loop3A_326, %get3A_7 : vector<16xf32>
        %parallel_loop3A_328 = arith.addf %parallel_loop3A_323, %parallel_loop3A_327 : vector<16xf32>
        %parallel_loop3A_329 = arith.index_cast %parallel_loop3A_314 : i32 to index
        %parallel_loop3A_330 = arith.constant 48 : index
        %parallel_loop3A_331 = tpu.vector_load %arg5[%parallel_loop3A_329, %parallel_loop3A_330] {strides = array<i32>} : memref<256x64xf32, #tpu.memory_space<vmem>>, vector<16xf32>,
        %parallel_loop3A_332 = arith.mulf %parallel_loop3A_331, %get3A_9 : vector<16xf32>
        %parallel_loop3A_333 = arith.addf %parallel_loop3A_328, %parallel_loop3A_332 : vector<16xf32>
        %parallel_loop3A_334 = arith.constant 128 : i32
        %parallel_loop3A_335 = arith.addi %parallel_loop3A_112, %parallel_loop3A_334 : i32
        %parallel_loop3A_336 = arith.index_cast %parallel_loop3A_335 : i32 to index
        %parallel_loop3A_337 = tpu.vector_load %arg9[%parallel_loop3A_336] {strides = array<i32>} : memref<4096xf32, #tpu.memory_space<vmem>>, vector<16xf32>,
        tpu.vector_store %arg9[%parallel_loop3A_336], %parallel_loop3A_333 {strides = array<i32>} : memref<4096xf32, #tpu.memory_space<vmem>>, vector<16xf32>,
        %parallel_loop3A_338 = arith.constant 9 : i32
        %parallel_loop3A_339 = arith.addi %parallel_loop3A_110, %parallel_loop3A_338 : i32
        %parallel_loop3A_340 = arith.index_cast %parallel_loop3A_339 : i32 to index
        %parallel_loop3A_341 = arith.constant 0 : index
        %parallel_loop3A_342 = tpu.vector_load %arg5[%parallel_loop3A_340, %parallel_loop3A_341] {strides = array<i32>} : memref<256x64xf32, #tpu.memory_space<vmem>>, vector<16xf32>,
        %parallel_loop3A_343 = arith.mulf %parallel_loop3A_342, %get3A_3 : vector<16xf32>
        %parallel_loop3A_344 = arith.index_cast %parallel_loop3A_339 : i32 to index
        %parallel_loop3A_345 = arith.constant 16 : index
        %parallel_loop3A_346 = tpu.vector_load %arg5[%parallel_loop3A_344, %parallel_loop3A_345] {strides = array<i32>} : memref<256x64xf32, #tpu.memory_space<vmem>>, vector<16xf32>,
        %parallel_loop3A_347 = arith.mulf %parallel_loop3A_346, %get3A_5 : vector<16xf32>
        %parallel_loop3A_348 = arith.addf %parallel_loop3A_343, %parallel_loop3A_347 : vector<16xf32>
        %parallel_loop3A_349 = arith.index_cast %parallel_loop3A_339 : i32 to index
        %parallel_loop3A_350 = arith.constant 32 : index
        %parallel_loop3A_351 = tpu.vector_load %arg5[%parallel_loop3A_349, %parallel_loop3A_350] {strides = array<i32>} : memref<256x64xf32, #tpu.memory_space<vmem>>, vector<16xf32>,
        %parallel_loop3A_352 = arith.mulf %parallel_loop3A_351, %get3A_7 : vector<16xf32>
        %parallel_loop3A_353 = arith.addf %parallel_loop3A_348, %parallel_loop3A_352 : vector<16xf32>
        %parallel_loop3A_354 = arith.index_cast %parallel_loop3A_339 : i32 to index
        %parallel_loop3A_355 = arith.constant 48 : index
        %parallel_loop3A_356 = tpu.vector_load %arg5[%parallel_loop3A_354, %parallel_loop3A_355] {strides = array<i32>} : memref<256x64xf32, #tpu.memory_space<vmem>>, vector<16xf32>,
        %parallel_loop3A_357 = arith.mulf %parallel_loop3A_356, %get3A_9 : vector<16xf32>
        %parallel_loop3A_358 = arith.addf %parallel_loop3A_353, %parallel_loop3A_357 : vector<16xf32>
        %parallel_loop3A_359 = arith.constant 144 : i32
        %parallel_loop3A_360 = arith.addi %parallel_loop3A_112, %parallel_loop3A_359 : i32
        %parallel_loop3A_361 = arith.index_cast %parallel_loop3A_360 : i32 to index
        %parallel_loop3A_362 = tpu.vector_load %arg9[%parallel_loop3A_361] {strides = array<i32>} : memref<4096xf32, #tpu.memory_space<vmem>>, vector<16xf32>,
        tpu.vector_store %arg9[%parallel_loop3A_361], %parallel_loop3A_358 {strides = array<i32>} : memref<4096xf32, #tpu.memory_space<vmem>>, vector<16xf32>,
        %parallel_loop3A_363 = arith.constant 10 : i32
        %parallel_loop3A_364 = arith.addi %parallel_loop3A_110, %parallel_loop3A_363 : i32
        %parallel_loop3A_365 = arith.index_cast %parallel_loop3A_364 : i32 to index
        %parallel_loop3A_366 = arith.constant 0 : index
        %parallel_loop3A_367 = tpu.vector_load %arg5[%parallel_loop3A_365, %parallel_loop3A_366] {strides = array<i32>} : memref<256x64xf32, #tpu.memory_space<vmem>>, vector<16xf32>,
        %parallel_loop3A_368 = arith.mulf %parallel_loop3A_367, %get3A_3 : vector<16xf32>
        %parallel_loop3A_369 = arith.index_cast %parallel_loop3A_364 : i32 to index
        %parallel_loop3A_370 = arith.constant 16 : index
        %parallel_loop3A_371 = tpu.vector_load %arg5[%parallel_loop3A_369, %parallel_loop3A_370] {strides = array<i32>} : memref<256x64xf32, #tpu.memory_space<vmem>>, vector<16xf32>,
        %parallel_loop3A_372 = arith.mulf %parallel_loop3A_371, %get3A_5 : vector<16xf32>
        %parallel_loop3A_373 = arith.addf %parallel_loop3A_368, %parallel_loop3A_372 : vector<16xf32>
        %parallel_loop3A_374 = arith.index_cast %parallel_loop3A_364 : i32 to index
        %parallel_loop3A_375 = arith.constant 32 : index
        %parallel_loop3A_376 = tpu.vector_load %arg5[%parallel_loop3A_374, %parallel_loop3A_375] {strides = array<i32>} : memref<256x64xf32, #tpu.memory_space<vmem>>, vector<16xf32>,
        %parallel_loop3A_377 = arith.mulf %parallel_loop3A_376, %get3A_7 : vector<16xf32>
        %parallel_loop3A_378 = arith.addf %parallel_loop3A_373, %parallel_loop3A_377 : vector<16xf32>
        %parallel_loop3A_379 = arith.index_cast %parallel_loop3A_364 : i32 to index
        %parallel_loop3A_380 = arith.constant 48 : index
        %parallel_loop3A_381 = tpu.vector_load %arg5[%parallel_loop3A_379, %parallel_loop3A_380] {strides = array<i32>} : memref<256x64xf32, #tpu.memory_space<vmem>>, vector<16xf32>,
        %parallel_loop3A_382 = arith.mulf %parallel_loop3A_381, %get3A_9 : vector<16xf32>
        %parallel_loop3A_383 = arith.addf %parallel_loop3A_378, %parallel_loop3A_382 : vector<16xf32>
        %parallel_loop3A_384 = arith.constant 160 : i32
        %parallel_loop3A_385 = arith.addi %parallel_loop3A_112, %parallel_loop3A_384 : i32
        %parallel_loop3A_386 = arith.index_cast %parallel_loop3A_385 : i32 to index
        %parallel_loop3A_387 = tpu.vector_load %arg9[%parallel_loop3A_386] {strides = array<i32>} : memref<4096xf32, #tpu.memory_space<vmem>>, vector<16xf32>,
        tpu.vector_store %arg9[%parallel_loop3A_386], %parallel_loop3A_383 {strides = array<i32>} : memref<4096xf32, #tpu.memory_space<vmem>>, vector<16xf32>,
        %parallel_loop3A_388 = arith.constant 11 : i32
        %parallel_loop3A_389 = arith.addi %parallel_loop3A_110, %parallel_loop3A_388 : i32
        %parallel_loop3A_390 = arith.index_cast %parallel_loop3A_389 : i32 to index
        %parallel_loop3A_391 = arith.constant 0 : index
        %parallel_loop3A_392 = tpu.vector_load %arg5[%parallel_loop3A_390, %parallel_loop3A_391] {strides = array<i32>} : memref<256x64xf32, #tpu.memory_space<vmem>>, vector<16xf32>,
        %parallel_loop3A_393 = arith.mulf %parallel_loop3A_392, %get3A_3 : vector<16xf32>
        %parallel_loop3A_394 = arith.index_cast %parallel_loop3A_389 : i32 to index
        %parallel_loop3A_395 = arith.constant 16 : index
        %parallel_loop3A_396 = tpu.vector_load %arg5[%parallel_loop3A_394, %parallel_loop3A_395] {strides = array<i32>} : memref<256x64xf32, #tpu.memory_space<vmem>>, vector<16xf32>,
        %parallel_loop3A_397 = arith.mulf %parallel_loop3A_396, %get3A_5 : vector<16xf32>
        %parallel_loop3A_398 = arith.addf %parallel_loop3A_393, %parallel_loop3A_397 : vector<16xf32>
        %parallel_loop3A_399 = arith.index_cast %parallel_loop3A_389 : i32 to index
        %parallel_loop3A_400 = arith.constant 32 : index
        %parallel_loop3A_401 = tpu.vector_load %arg5[%parallel_loop3A_399, %parallel_loop3A_400] {strides = array<i32>} : memref<256x64xf32, #tpu.memory_space<vmem>>, vector<16xf32>,
        %parallel_loop3A_402 = arith.mulf %parallel_loop3A_401, %get3A_7 : vector<16xf32>
        %parallel_loop3A_403 = arith.addf %parallel_loop3A_398, %parallel_loop3A_402 : vector<16xf32>
        %parallel_loop3A_404 = arith.index_cast %parallel_loop3A_389 : i32 to index
        %parallel_loop3A_405 = arith.constant 48 : index
        %parallel_loop3A_406 = tpu.vector_load %arg5[%parallel_loop3A_404, %parallel_loop3A_405] {strides = array<i32>} : memref<256x64xf32, #tpu.memory_space<vmem>>, vector<16xf32>,
        %parallel_loop3A_407 = arith.mulf %parallel_loop3A_406, %get3A_9 : vector<16xf32>
        %parallel_loop3A_408 = arith.addf %parallel_loop3A_403, %parallel_loop3A_407 : vector<16xf32>
        %parallel_loop3A_409 = arith.constant 176 : i32
        %parallel_loop3A_410 = arith.addi %parallel_loop3A_112, %parallel_loop3A_409 : i32
        %parallel_loop3A_411 = arith.index_cast %parallel_loop3A_410 : i32 to index
        %parallel_loop3A_412 = tpu.vector_load %arg9[%parallel_loop3A_411] {strides = array<i32>} : memref<4096xf32, #tpu.memory_space<vmem>>, vector<16xf32>,
        tpu.vector_store %arg9[%parallel_loop3A_411], %parallel_loop3A_408 {strides = array<i32>} : memref<4096xf32, #tpu.memory_space<vmem>>, vector<16xf32>,
        %parallel_loop3A_413 = arith.constant 12 : i32
        %parallel_loop3A_414 = arith.addi %parallel_loop3A_110, %parallel_loop3A_413 : i32
        %parallel_loop3A_415 = arith.index_cast %parallel_loop3A_414 : i32 to index
        %parallel_loop3A_416 = arith.constant 0 : index
        %parallel_loop3A_417 = tpu.vector_load %arg5[%parallel_loop3A_415, %parallel_loop3A_416] {strides = array<i32>} : memref<256x64xf32, #tpu.memory_space<vmem>>, vector<16xf32>,
        %parallel_loop3A_418 = arith.mulf %parallel_loop3A_417, %get3A_3 : vector<16xf32>
        %parallel_loop3A_419 = arith.index_cast %parallel_loop3A_414 : i32 to index
        %parallel_loop3A_420 = arith.constant 16 : index
        %parallel_loop3A_421 = tpu.vector_load %arg5[%parallel_loop3A_419, %parallel_loop3A_420] {strides = array<i32>} : memref<256x64xf32, #tpu.memory_space<vmem>>, vector<16xf32>,
        %parallel_loop3A_422 = arith.mulf %parallel_loop3A_421, %get3A_5 : vector<16xf32>
        %parallel_loop3A_423 = arith.addf %parallel_loop3A_418, %parallel_loop3A_422 : vector<16xf32>
        %parallel_loop3A_424 = arith.index_cast %parallel_loop3A_414 : i32 to index
        %parallel_loop3A_425 = arith.constant 32 : index
        %parallel_loop3A_426 = tpu.vector_load %arg5[%parallel_loop3A_424, %parallel_loop3A_425] {strides = array<i32>} : memref<256x64xf32, #tpu.memory_space<vmem>>, vector<16xf32>,
        %parallel_loop3A_427 = arith.mulf %parallel_loop3A_426, %get3A_7 : vector<16xf32>
        %parallel_loop3A_428 = arith.addf %parallel_loop3A_423, %parallel_loop3A_427 : vector<16xf32>
        %parallel_loop3A_429 = arith.index_cast %parallel_loop3A_414 : i32 to index
        %parallel_loop3A_430 = arith.constant 48 : index
        %parallel_loop3A_431 = tpu.vector_load %arg5[%parallel_loop3A_429, %parallel_loop3A_430] {strides = array<i32>} : memref<256x64xf32, #tpu.memory_space<vmem>>, vector<16xf32>,
        %parallel_loop3A_432 = arith.mulf %parallel_loop3A_431, %get3A_9 : vector<16xf32>
        %parallel_loop3A_433 = arith.addf %parallel_loop3A_428, %parallel_loop3A_432 : vector<16xf32>
        %parallel_loop3A_434 = arith.constant 192 : i32
        %parallel_loop3A_435 = arith.addi %parallel_loop3A_112, %parallel_loop3A_434 : i32
        %parallel_loop3A_436 = arith.index_cast %parallel_loop3A_435 : i32 to index
        %parallel_loop3A_437 = tpu.vector_load %arg9[%parallel_loop3A_436] {strides = array<i32>} : memref<4096xf32, #tpu.memory_space<vmem>>, vector<16xf32>,
        tpu.vector_store %arg9[%parallel_loop3A_436], %parallel_loop3A_433 {strides = array<i32>} : memref<4096xf32, #tpu.memory_space<vmem>>, vector<16xf32>,
        %parallel_loop3A_438 = arith.constant 13 : i32
        %parallel_loop3A_439 = arith.addi %parallel_loop3A_110, %parallel_loop3A_438 : i32
        %parallel_loop3A_440 = arith.index_cast %parallel_loop3A_439 : i32 to index
        %parallel_loop3A_441 = arith.constant 0 : index
        %parallel_loop3A_442 = tpu.vector_load %arg5[%parallel_loop3A_440, %parallel_loop3A_441] {strides = array<i32>} : memref<256x64xf32, #tpu.memory_space<vmem>>, vector<16xf32>,
        %parallel_loop3A_443 = arith.mulf %parallel_loop3A_442, %get3A_3 : vector<16xf32>
        %parallel_loop3A_444 = arith.index_cast %parallel_loop3A_439 : i32 to index
        %parallel_loop3A_445 = arith.constant 16 : index
        %parallel_loop3A_446 = tpu.vector_load %arg5[%parallel_loop3A_444, %parallel_loop3A_445] {strides = array<i32>} : memref<256x64xf32, #tpu.memory_space<vmem>>, vector<16xf32>,
        %parallel_loop3A_447 = arith.mulf %parallel_loop3A_446, %get3A_5 : vector<16xf32>
        %parallel_loop3A_448 = arith.addf %parallel_loop3A_443, %parallel_loop3A_447 : vector<16xf32>
        %parallel_loop3A_449 = arith.index_cast %parallel_loop3A_439 : i32 to index
        %parallel_loop3A_450 = arith.constant 32 : index
        %parallel_loop3A_451 = tpu.vector_load %arg5[%parallel_loop3A_449, %parallel_loop3A_450] {strides = array<i32>} : memref<256x64xf32, #tpu.memory_space<vmem>>, vector<16xf32>,
        %parallel_loop3A_452 = arith.mulf %parallel_loop3A_451, %get3A_7 : vector<16xf32>
        %parallel_loop3A_453 = arith.addf %parallel_loop3A_448, %parallel_loop3A_452 : vector<16xf32>
        %parallel_loop3A_454 = arith.index_cast %parallel_loop3A_439 : i32 to index
        %parallel_loop3A_455 = arith.constant 48 : index
        %parallel_loop3A_456 = tpu.vector_load %arg5[%parallel_loop3A_454, %parallel_loop3A_455] {strides = array<i32>} : memref<256x64xf32, #tpu.memory_space<vmem>>, vector<16xf32>,
        %parallel_loop3A_457 = arith.mulf %parallel_loop3A_456, %get3A_9 : vector<16xf32>
        %parallel_loop3A_458 = arith.addf %parallel_loop3A_453, %parallel_loop3A_457 : vector<16xf32>
        %parallel_loop3A_459 = arith.constant 208 : i32
        %parallel_loop3A_460 = arith.addi %parallel_loop3A_112, %parallel_loop3A_459 : i32
        %parallel_loop3A_461 = arith.index_cast %parallel_loop3A_460 : i32 to index
        %parallel_loop3A_462 = tpu.vector_load %arg9[%parallel_loop3A_461] {strides = array<i32>} : memref<4096xf32, #tpu.memory_space<vmem>>, vector<16xf32>,
        tpu.vector_store %arg9[%parallel_loop3A_461], %parallel_loop3A_458 {strides = array<i32>} : memref<4096xf32, #tpu.memory_space<vmem>>, vector<16xf32>,
        %parallel_loop3A_463 = arith.constant 14 : i32
        %parallel_loop3A_464 = arith.addi %parallel_loop3A_110, %parallel_loop3A_463 : i32
        %parallel_loop3A_465 = arith.index_cast %parallel_loop3A_464 : i32 to index
        %parallel_loop3A_466 = arith.constant 0 : index
        %parallel_loop3A_467 = tpu.vector_load %arg5[%parallel_loop3A_465, %parallel_loop3A_466] {strides = array<i32>} : memref<256x64xf32, #tpu.memory_space<vmem>>, vector<16xf32>,
        %parallel_loop3A_468 = arith.mulf %parallel_loop3A_467, %get3A_3 : vector<16xf32>
        %parallel_loop3A_469 = arith.index_cast %parallel_loop3A_464 : i32 to index
        %parallel_loop3A_470 = arith.constant 16 : index
        %parallel_loop3A_471 = tpu.vector_load %arg5[%parallel_loop3A_469, %parallel_loop3A_470] {strides = array<i32>} : memref<256x64xf32, #tpu.memory_space<vmem>>, vector<16xf32>,
        %parallel_loop3A_472 = arith.mulf %parallel_loop3A_471, %get3A_5 : vector<16xf32>
        %parallel_loop3A_473 = arith.addf %parallel_loop3A_468, %parallel_loop3A_472 : vector<16xf32>
        %parallel_loop3A_474 = arith.index_cast %parallel_loop3A_464 : i32 to index
        %parallel_loop3A_475 = arith.constant 32 : index
        %parallel_loop3A_476 = tpu.vector_load %arg5[%parallel_loop3A_474, %parallel_loop3A_475] {strides = array<i32>} : memref<256x64xf32, #tpu.memory_space<vmem>>, vector<16xf32>,
        %parallel_loop3A_477 = arith.mulf %parallel_loop3A_476, %get3A_7 : vector<16xf32>
        %parallel_loop3A_478 = arith.addf %parallel_loop3A_473, %parallel_loop3A_477 : vector<16xf32>
        %parallel_loop3A_479 = arith.index_cast %parallel_loop3A_464 : i32 to index
        %parallel_loop3A_480 = arith.constant 48 : index
        %parallel_loop3A_481 = tpu.vector_load %arg5[%parallel_loop3A_479, %parallel_loop3A_480] {strides = array<i32>} : memref<256x64xf32, #tpu.memory_space<vmem>>, vector<16xf32>,
        %parallel_loop3A_482 = arith.mulf %parallel_loop3A_481, %get3A_9 : vector<16xf32>
        %parallel_loop3A_483 = arith.addf %parallel_loop3A_478, %parallel_loop3A_482 : vector<16xf32>
        %parallel_loop3A_484 = arith.constant 224 : i32
        %parallel_loop3A_485 = arith.addi %parallel_loop3A_112, %parallel_loop3A_484 : i32
        %parallel_loop3A_486 = arith.index_cast %parallel_loop3A_485 : i32 to index
        %parallel_loop3A_487 = tpu.vector_load %arg9[%parallel_loop3A_486] {strides = array<i32>} : memref<4096xf32, #tpu.memory_space<vmem>>, vector<16xf32>,
        tpu.vector_store %arg9[%parallel_loop3A_486], %parallel_loop3A_483 {strides = array<i32>} : memref<4096xf32, #tpu.memory_space<vmem>>, vector<16xf32>,
        %parallel_loop3A_488 = arith.constant 15 : i32
        %parallel_loop3A_489 = arith.addi %parallel_loop3A_110, %parallel_loop3A_488 : i32
        %parallel_loop3A_490 = arith.index_cast %parallel_loop3A_489 : i32 to index
        %parallel_loop3A_491 = arith.constant 0 : index
        %parallel_loop3A_492 = tpu.vector_load %arg5[%parallel_loop3A_490, %parallel_loop3A_491] {strides = array<i32>} : memref<256x64xf32, #tpu.memory_space<vmem>>, vector<16xf32>,
        %parallel_loop3A_493 = arith.mulf %parallel_loop3A_492, %get3A_3 : vector<16xf32>
        %parallel_loop3A_494 = arith.index_cast %parallel_loop3A_489 : i32 to index
        %parallel_loop3A_495 = arith.constant 16 : index
        %parallel_loop3A_496 = tpu.vector_load %arg5[%parallel_loop3A_494, %parallel_loop3A_495] {strides = array<i32>} : memref<256x64xf32, #tpu.memory_space<vmem>>, vector<16xf32>,
        %parallel_loop3A_497 = arith.mulf %parallel_loop3A_496, %get3A_5 : vector<16xf32>
        %parallel_loop3A_498 = arith.addf %parallel_loop3A_493, %parallel_loop3A_497 : vector<16xf32>
        %parallel_loop3A_499 = arith.index_cast %parallel_loop3A_489 : i32 to index
        %parallel_loop3A_500 = arith.constant 32 : index
        %parallel_loop3A_501 = tpu.vector_load %arg5[%parallel_loop3A_499, %parallel_loop3A_500] {strides = array<i32>} : memref<256x64xf32, #tpu.memory_space<vmem>>, vector<16xf32>,
        %parallel_loop3A_502 = arith.mulf %parallel_loop3A_501, %get3A_7 : vector<16xf32>
        %parallel_loop3A_503 = arith.addf %parallel_loop3A_498, %parallel_loop3A_502 : vector<16xf32>
        %parallel_loop3A_504 = arith.index_cast %parallel_loop3A_489 : i32 to index
        %parallel_loop3A_505 = arith.constant 48 : index
        %parallel_loop3A_506 = tpu.vector_load %arg5[%parallel_loop3A_504, %parallel_loop3A_505] {strides = array<i32>} : memref<256x64xf32, #tpu.memory_space<vmem>>, vector<16xf32>,
        %parallel_loop3A_507 = arith.mulf %parallel_loop3A_506, %get3A_9 : vector<16xf32>
        %parallel_loop3A_508 = arith.addf %parallel_loop3A_503, %parallel_loop3A_507 : vector<16xf32>
        %parallel_loop3A_509 = arith.constant 240 : i32
        %parallel_loop3A_510 = arith.addi %parallel_loop3A_112, %parallel_loop3A_509 : i32
        %parallel_loop3A_511 = arith.index_cast %parallel_loop3A_510 : i32 to index
        %parallel_loop3A_512 = tpu.vector_load %arg9[%parallel_loop3A_511] {strides = array<i32>} : memref<4096xf32, #tpu.memory_space<vmem>>, vector<16xf32>,
        tpu.vector_store %arg9[%parallel_loop3A_511], %parallel_loop3A_508 {strides = array<i32>} : memref<4096xf32, #tpu.memory_space<vmem>>, vector<16xf32>,
        %parallel_loop3A_513 = arith.constant 0 : i32
        %parallel_loop3A_514 = arith.addi %parallel_loop3A_112, %parallel_loop3A_513 : i32
        %parallel_loop3A_515 = vector.broadcast %parallel_loop3A_514 : i32 to vector<16xi32>
        %parallel_loop3A_516 = arith.addi %mul3A_14, %parallel_loop3A_515 : vector<16xi32>
        %parallel_loop3A_517 = tpu.vector_load_idx %arg9[%parallel_loop3A_516] : memref<4096xf32, #tpu.memory_space<vmem>>[vector<16xi32>], vector<16xf32>,
        %parallel_loop3A_518 = arith.constant 1 : i32
        %parallel_loop3A_519 = arith.addi %parallel_loop3A_112, %parallel_loop3A_518 : i32
        %parallel_loop3A_520 = vector.broadcast %parallel_loop3A_519 : i32 to vector<16xi32>
        %parallel_loop3A_521 = arith.addi %mul3A_14, %parallel_loop3A_520 : vector<16xi32>
        %parallel_loop3A_522 = tpu.vector_load_idx %arg9[%parallel_loop3A_521] : memref<4096xf32, #tpu.memory_space<vmem>>[vector<16xi32>], vector<16xf32>,
        %parallel_loop3A_523 = arith.constant 2 : i32
        %parallel_loop3A_524 = arith.addi %parallel_loop3A_112, %parallel_loop3A_523 : i32
        %parallel_loop3A_525 = vector.broadcast %parallel_loop3A_524 : i32 to vector<16xi32>
        %parallel_loop3A_526 = arith.addi %mul3A_14, %parallel_loop3A_525 : vector<16xi32>
        %parallel_loop3A_527 = tpu.vector_load_idx %arg9[%parallel_loop3A_526] : memref<4096xf32, #tpu.memory_space<vmem>>[vector<16xi32>], vector<16xf32>,
        %parallel_loop3A_528 = arith.constant 3 : i32
        %parallel_loop3A_529 = arith.addi %parallel_loop3A_112, %parallel_loop3A_528 : i32
        %parallel_loop3A_530 = vector.broadcast %parallel_loop3A_529 : i32 to vector<16xi32>
        %parallel_loop3A_531 = arith.addi %mul3A_14, %parallel_loop3A_530 : vector<16xi32>
        %parallel_loop3A_532 = tpu.vector_load_idx %arg9[%parallel_loop3A_531] : memref<4096xf32, #tpu.memory_space<vmem>>[vector<16xi32>], vector<16xf32>,
        %parallel_loop3A_533 = arith.constant 4 : i32
        %parallel_loop3A_534 = arith.addi %parallel_loop3A_112, %parallel_loop3A_533 : i32
        %parallel_loop3A_535 = vector.broadcast %parallel_loop3A_534 : i32 to vector<16xi32>
        %parallel_loop3A_536 = arith.addi %mul3A_14, %parallel_loop3A_535 : vector<16xi32>
        %parallel_loop3A_537 = tpu.vector_load_idx %arg9[%parallel_loop3A_536] : memref<4096xf32, #tpu.memory_space<vmem>>[vector<16xi32>], vector<16xf32>,
        %parallel_loop3A_538 = arith.constant 5 : i32
        %parallel_loop3A_539 = arith.addi %parallel_loop3A_112, %parallel_loop3A_538 : i32
        %parallel_loop3A_540 = vector.broadcast %parallel_loop3A_539 : i32 to vector<16xi32>
        %parallel_loop3A_541 = arith.addi %mul3A_14, %parallel_loop3A_540 : vector<16xi32>
        %parallel_loop3A_542 = tpu.vector_load_idx %arg9[%parallel_loop3A_541] : memref<4096xf32, #tpu.memory_space<vmem>>[vector<16xi32>], vector<16xf32>,
        %parallel_loop3A_543 = arith.constant 6 : i32
        %parallel_loop3A_544 = arith.addi %parallel_loop3A_112, %parallel_loop3A_543 : i32
        %parallel_loop3A_545 = vector.broadcast %parallel_loop3A_544 : i32 to vector<16xi32>
        %parallel_loop3A_546 = arith.addi %mul3A_14, %parallel_loop3A_545 : vector<16xi32>
        %parallel_loop3A_547 = tpu.vector_load_idx %arg9[%parallel_loop3A_546] : memref<4096xf32, #tpu.memory_space<vmem>>[vector<16xi32>], vector<16xf32>,
        %parallel_loop3A_548 = arith.constant 7 : i32
        %parallel_loop3A_549 = arith.addi %parallel_loop3A_112, %parallel_loop3A_548 : i32
        %parallel_loop3A_550 = vector.broadcast %parallel_loop3A_549 : i32 to vector<16xi32>
        %parallel_loop3A_551 = arith.addi %mul3A_14, %parallel_loop3A_550 : vector<16xi32>
        %parallel_loop3A_552 = tpu.vector_load_idx %arg9[%parallel_loop3A_551] : memref<4096xf32, #tpu.memory_space<vmem>>[vector<16xi32>], vector<16xf32>,
        %parallel_loop3A_553 = arith.constant 8 : i32
        %parallel_loop3A_554 = arith.addi %parallel_loop3A_112, %parallel_loop3A_553 : i32
        %parallel_loop3A_555 = vector.broadcast %parallel_loop3A_554 : i32 to vector<16xi32>
        %parallel_loop3A_556 = arith.addi %mul3A_14, %parallel_loop3A_555 : vector<16xi32>
        %parallel_loop3A_557 = tpu.vector_load_idx %arg9[%parallel_loop3A_556] : memref<4096xf32, #tpu.memory_space<vmem>>[vector<16xi32>], vector<16xf32>,
        %parallel_loop3A_558 = arith.constant 9 : i32
        %parallel_loop3A_559 = arith.addi %parallel_loop3A_112, %parallel_loop3A_558 : i32
        %parallel_loop3A_560 = vector.broadcast %parallel_loop3A_559 : i32 to vector<16xi32>
        %parallel_loop3A_561 = arith.addi %mul3A_14, %parallel_loop3A_560 : vector<16xi32>
        %parallel_loop3A_562 = tpu.vector_load_idx %arg9[%parallel_loop3A_561] : memref<4096xf32, #tpu.memory_space<vmem>>[vector<16xi32>], vector<16xf32>,
        %parallel_loop3A_563 = arith.constant 10 : i32
        %parallel_loop3A_564 = arith.addi %parallel_loop3A_112, %parallel_loop3A_563 : i32
        %parallel_loop3A_565 = vector.broadcast %parallel_loop3A_564 : i32 to vector<16xi32>
        %parallel_loop3A_566 = arith.addi %mul3A_14, %parallel_loop3A_565 : vector<16xi32>
        %parallel_loop3A_567 = tpu.vector_load_idx %arg9[%parallel_loop3A_566] : memref<4096xf32, #tpu.memory_space<vmem>>[vector<16xi32>], vector<16xf32>,
        %parallel_loop3A_568 = arith.constant 11 : i32
        %parallel_loop3A_569 = arith.addi %parallel_loop3A_112, %parallel_loop3A_568 : i32
        %parallel_loop3A_570 = vector.broadcast %parallel_loop3A_569 : i32 to vector<16xi32>
        %parallel_loop3A_571 = arith.addi %mul3A_14, %parallel_loop3A_570 : vector<16xi32>
        %parallel_loop3A_572 = tpu.vector_load_idx %arg9[%parallel_loop3A_571] : memref<4096xf32, #tpu.memory_space<vmem>>[vector<16xi32>], vector<16xf32>,
        %parallel_loop3A_573 = arith.constant 12 : i32
        %parallel_loop3A_574 = arith.addi %parallel_loop3A_112, %parallel_loop3A_573 : i32
        %parallel_loop3A_575 = vector.broadcast %parallel_loop3A_574 : i32 to vector<16xi32>
        %parallel_loop3A_576 = arith.addi %mul3A_14, %parallel_loop3A_575 : vector<16xi32>
        %parallel_loop3A_577 = tpu.vector_load_idx %arg9[%parallel_loop3A_576] : memref<4096xf32, #tpu.memory_space<vmem>>[vector<16xi32>], vector<16xf32>,
        %parallel_loop3A_578 = arith.constant 13 : i32
        %parallel_loop3A_579 = arith.addi %parallel_loop3A_112, %parallel_loop3A_578 : i32
        %parallel_loop3A_580 = vector.broadcast %parallel_loop3A_579 : i32 to vector<16xi32>
        %parallel_loop3A_581 = arith.addi %mul3A_14, %parallel_loop3A_580 : vector<16xi32>
        %parallel_loop3A_582 = tpu.vector_load_idx %arg9[%parallel_loop3A_581] : memref<4096xf32, #tpu.memory_space<vmem>>[vector<16xi32>], vector<16xf32>,
        %parallel_loop3A_583 = arith.constant 14 : i32
        %parallel_loop3A_584 = arith.addi %parallel_loop3A_112, %parallel_loop3A_583 : i32
        %parallel_loop3A_585 = vector.broadcast %parallel_loop3A_584 : i32 to vector<16xi32>
        %parallel_loop3A_586 = arith.addi %mul3A_14, %parallel_loop3A_585 : vector<16xi32>
        %parallel_loop3A_587 = tpu.vector_load_idx %arg9[%parallel_loop3A_586] : memref<4096xf32, #tpu.memory_space<vmem>>[vector<16xi32>], vector<16xf32>,
        %parallel_loop3A_588 = arith.constant 15 : i32
        %parallel_loop3A_589 = arith.addi %parallel_loop3A_112, %parallel_loop3A_588 : i32
        %parallel_loop3A_590 = vector.broadcast %parallel_loop3A_589 : i32 to vector<16xi32>
        %parallel_loop3A_591 = arith.addi %mul3A_14, %parallel_loop3A_590 : vector<16xi32>
        %parallel_loop3A_592 = tpu.vector_load_idx %arg9[%parallel_loop3A_591] : memref<4096xf32, #tpu.memory_space<vmem>>[vector<16xi32>], vector<16xf32>,
        %parallel_loop3A_593 = arith.addf %parallel_loop3A_517, %parallel_loop3A_522 : vector<16xf32>
        %parallel_loop3A_594 = arith.addf %parallel_loop3A_527, %parallel_loop3A_532 : vector<16xf32>
        %parallel_loop3A_595 = arith.addf %parallel_loop3A_537, %parallel_loop3A_542 : vector<16xf32>
        %parallel_loop3A_596 = arith.addf %parallel_loop3A_547, %parallel_loop3A_552 : vector<16xf32>
        %parallel_loop3A_597 = arith.addf %parallel_loop3A_557, %parallel_loop3A_562 : vector<16xf32>
        %parallel_loop3A_598 = arith.addf %parallel_loop3A_567, %parallel_loop3A_572 : vector<16xf32>
        %parallel_loop3A_599 = arith.addf %parallel_loop3A_577, %parallel_loop3A_582 : vector<16xf32>
        %parallel_loop3A_600 = arith.addf %parallel_loop3A_587, %parallel_loop3A_592 : vector<16xf32>
        %parallel_loop3A_601 = arith.addf %parallel_loop3A_593, %parallel_loop3A_594 : vector<16xf32>
        %parallel_loop3A_602 = arith.addf %parallel_loop3A_595, %parallel_loop3A_596 : vector<16xf32>
        %parallel_loop3A_603 = arith.addf %parallel_loop3A_597, %parallel_loop3A_598 : vector<16xf32>
        %parallel_loop3A_604 = arith.addf %parallel_loop3A_599, %parallel_loop3A_600 : vector<16xf32>
        %parallel_loop3A_605 = arith.addf %parallel_loop3A_601, %parallel_loop3A_602 : vector<16xf32>
        %parallel_loop3A_606 = arith.addf %parallel_loop3A_603, %parallel_loop3A_604 : vector<16xf32>
        %parallel_loop3A_607 = arith.addf %parallel_loop3A_605, %parallel_loop3A_606 : vector<16xf32>
        %parallel_loop3A_608 = arith.constant 16 : i32
        %parallel_loop3A_609 = arith.muli %parallel_loop3A_108, %parallel_loop3A_608 : i32
        %parallel_loop3A_610 = arith.constant 0 : i32
        %parallel_loop3A_611 = arith.addi %parallel_loop3A_610, %parallel_loop3A_609 : i32
        %parallel_loop3A_612 = arith.index_cast %parallel_loop3A_611 : i32 to index
        %parallel_loop3A_613 = tpu.vector_load %arg7[%parallel_loop3A_612] {strides = array<i32>} : memref<1024xf32, #tpu.memory_space<vmem>>, vector<16xf32>,
        tpu.vector_store %arg7[%parallel_loop3A_612], %parallel_loop3A_607 {strides = array<i32>} : memref<1024xf32, #tpu.memory_space<vmem>>, vector<16xf32>,
      } {sc.loop_unroll_factor = 4 : i64, sc.parallel_access}
      %add3A_59 = arith.constant 1 : i32
      %add3A_60 = arith.addi %scan3A_45, %add3A_59 : i32
      %lt3A = arith.constant 32 : i32
      %lt3A_61 = arith.cmpi slt, %add3A_60, %lt3A : i32
      %convert_element_type3A = arith.extui %lt3A_61 : i1 to i32
      %cond3A = arith.constant 0 : i32
      %cond3A_62 = arith.cmpi ne, %convert_element_type3A, %cond3A : i32
      scf.if %cond3A_62 {
        %add3A_108 = arith.constant 1 : i32
        %add3A_109 = arith.addi %scan3A_45, %add3A_108 : i32
        %add3A_110 = arith.addi %mul3A_2, %add3A_109 : i32
        %dma_start3A_111 = arith.constant 0 : i32
        %dma_start3A_112 = arith.constant 0 : i32
        %dma_start3A_113 = arith.constant 0 : i32
        %dma_start3A_114 = tpu.memref_slice %arg2[%add3A_110, %dma_start3A_112, %dma_start3A_113] : memref<1024x1024x64xf32, #tpu.memory_space<hbm>> -> memref<1x256x64xf32, #tpu.memory_space<hbm>>
        %dma_start3A_115 = tpu.memref_squeeze %dma_start3A_114 : memref<1x256x64xf32, #tpu.memory_space<hbm>> -> memref<256x64xf32, #tpu.memory_space<hbm>>
        %dma_start3A_116 = tpu.memref_slice %arg10[%dma_start3A_111] : memref<2x!tpu.dma_semaphore, #tpu.memory_space<semaphore_mem>> -> memref<1x!tpu.dma_semaphore, #tpu.memory_space<semaphore_mem>>
        %dma_start3A_117 = tpu.memref_squeeze %dma_start3A_116 : memref<1x!tpu.dma_semaphore, #tpu.memory_space<semaphore_mem>> -> memref<!tpu.dma_semaphore, #tpu.memory_space<semaphore_mem>>
        %dma_start3A_118 = arith.constant 0 : i32
        %dma_start3A_119 = arith.constant 0 : i32
        %dma_start3A_120 = tpu.memref_slice %arg2[%add3A_110, %dma_start3A_118, %dma_start3A_119] : memref<1024x1024x64xf32, #tpu.memory_space<hbm>> -> memref<1x256x64xf32, #tpu.memory_space<hbm>>
        %dma_start3A_121 = tpu.memref_squeeze %dma_start3A_120 : memref<1x256x64xf32, #tpu.memory_space<hbm>> -> memref<256x64xf32, #tpu.memory_space<hbm>>
        tpu.enqueue_dma source(%dma_start3A_121 : memref<256x64xf32, #tpu.memory_space<hbm>>) target(%arg5 : memref<256x64xf32, #tpu.memory_space<vmem>>) target_semaphore(%dma_start3A_117 : memref<!tpu.dma_semaphore, #tpu.memory_space<semaphore_mem>>)
      } else {
      }
      %add3A_63 = arith.addi %mul3A_2, %scan3A_45 : i32
      %dma_wait3A_64 = arith.constant 1 : i32
      %dma_wait3A_65 = arith.constant 256 : i32
      %dma_wait3A_66 = arith.constant 0 : i32
      %dma_wait3A_67 = tpu.memref_slice %arg2[%add3A_63, %dma_wait3A_65, %dma_wait3A_66] : memref<1024x1024x64xf32, #tpu.memory_space<hbm>> -> memref<1x256x64xf32, #tpu.memory_space<hbm>>
      %dma_wait3A_68 = tpu.memref_squeeze %dma_wait3A_67 : memref<1x256x64xf32, #tpu.memory_space<hbm>> -> memref<256x64xf32, #tpu.memory_space<hbm>>
      %dma_wait3A_69 = tpu.memref_slice %arg10[%dma_wait3A_64] : memref<2x!tpu.dma_semaphore, #tpu.memory_space<semaphore_mem>> -> memref<1x!tpu.dma_semaphore, #tpu.memory_space<semaphore_mem>>
      %dma_wait3A_70 = tpu.memref_squeeze %dma_wait3A_69 : memref<1x!tpu.dma_semaphore, #tpu.memory_space<semaphore_mem>> -> memref<!tpu.dma_semaphore, #tpu.memory_space<semaphore_mem>>
      %dma_wait3A_71 = arith.constant 256 : i32
      %dma_wait3A_72 = arith.constant 0 : i32
      %dma_wait3A_73 = tpu.memref_slice %arg2[%add3A_63, %dma_wait3A_71, %dma_wait3A_72] : memref<1024x1024x64xf32, #tpu.memory_space<hbm>> -> memref<1x256x64xf32, #tpu.memory_space<hbm>>
      %dma_wait3A_74 = tpu.memref_squeeze %dma_wait3A_73 : memref<1x256x64xf32, #tpu.memory_space<hbm>> -> memref<256x64xf32, #tpu.memory_space<hbm>>
      tpu.wait_dma2 semaphore(%dma_wait3A_70 : memref<!tpu.dma_semaphore, #tpu.memory_space<semaphore_mem>>) src(%dma_wait3A_74 : memref<256x64xf32, #tpu.memory_space<hbm>>) dst(%arg6 : memref<256x64xf32, #tpu.memory_space<vmem>>)
      %parallel_loop3A_75 = arith.constant 0 : i32
      %parallel_loop3A_76 = arith.constant 16 : i32
      %parallel_loop3A_77 = arith.constant 1 : i32
      scf.for %parallel_loop3A_108 = %parallel_loop3A_75 to %parallel_loop3A_76 step %parallel_loop3A_77  : i32 {
        %parallel_loop3A_109 = arith.constant 16 : i32
        %parallel_loop3A_110 = arith.muli %parallel_loop3A_108, %parallel_loop3A_109 : i32
        %parallel_loop3A_111 = arith.constant 256 : i32
        %parallel_loop3A_112 = arith.muli %parallel_loop3A_108, %parallel_loop3A_111 : i32
        %parallel_loop3A_113 = arith.constant 0 : i32
        %parallel_loop3A_114 = arith.addi %parallel_loop3A_110, %parallel_loop3A_113 : i32
        %parallel_loop3A_115 = arith.index_cast %parallel_loop3A_114 : i32 to index
        %parallel_loop3A_116 = arith.constant 0 : index
        %parallel_loop3A_117 = tpu.vector_load %arg6[%parallel_loop3A_115, %parallel_loop3A_116] {strides = array<i32>} : memref<256x64xf32, #tpu.memory_space<vmem>>, vector<16xf32>,
        %parallel_loop3A_118 = arith.mulf %parallel_loop3A_117, %get3A_3 : vector<16xf32>
        %parallel_loop3A_119 = arith.index_cast %parallel_loop3A_114 : i32 to index
        %parallel_loop3A_120 = arith.constant 16 : index
        %parallel_loop3A_121 = tpu.vector_load %arg6[%parallel_loop3A_119, %parallel_loop3A_120] {strides = array<i32>} : memref<256x64xf32, #tpu.memory_space<vmem>>, vector<16xf32>,
        %parallel_loop3A_122 = arith.mulf %parallel_loop3A_121, %get3A_5 : vector<16xf32>
        %parallel_loop3A_123 = arith.addf %parallel_loop3A_118, %parallel_loop3A_122 : vector<16xf32>
        %parallel_loop3A_124 = arith.index_cast %parallel_loop3A_114 : i32 to index
        %parallel_loop3A_125 = arith.constant 32 : index
        %parallel_loop3A_126 = tpu.vector_load %arg6[%parallel_loop3A_124, %parallel_loop3A_125] {strides = array<i32>} : memref<256x64xf32, #tpu.memory_space<vmem>>, vector<16xf32>,
        %parallel_loop3A_127 = arith.mulf %parallel_loop3A_126, %get3A_7 : vector<16xf32>
        %parallel_loop3A_128 = arith.addf %parallel_loop3A_123, %parallel_loop3A_127 : vector<16xf32>
        %parallel_loop3A_129 = arith.index_cast %parallel_loop3A_114 : i32 to index
        %parallel_loop3A_130 = arith.constant 48 : index
        %parallel_loop3A_131 = tpu.vector_load %arg6[%parallel_loop3A_129, %parallel_loop3A_130] {strides = array<i32>} : memref<256x64xf32, #tpu.memory_space<vmem>>, vector<16xf32>,
        %parallel_loop3A_132 = arith.mulf %parallel_loop3A_131, %get3A_9 : vector<16xf32>
        %parallel_loop3A_133 = arith.addf %parallel_loop3A_128, %parallel_loop3A_132 : vector<16xf32>
        %parallel_loop3A_134 = arith.constant 0 : i32
        %parallel_loop3A_135 = arith.addi %parallel_loop3A_112, %parallel_loop3A_134 : i32
        %parallel_loop3A_136 = arith.index_cast %parallel_loop3A_135 : i32 to index
        %parallel_loop3A_137 = tpu.vector_load %arg9[%parallel_loop3A_136] {strides = array<i32>} : memref<4096xf32, #tpu.memory_space<vmem>>, vector<16xf32>,
        tpu.vector_store %arg9[%parallel_loop3A_136], %parallel_loop3A_133 {strides = array<i32>} : memref<4096xf32, #tpu.memory_space<vmem>>, vector<16xf32>,
        %parallel_loop3A_138 = arith.constant 1 : i32
        %parallel_loop3A_139 = arith.addi %parallel_loop3A_110, %parallel_loop3A_138 : i32
        %parallel_loop3A_140 = arith.index_cast %parallel_loop3A_139 : i32 to index
        %parallel_loop3A_141 = arith.constant 0 : index
        %parallel_loop3A_142 = tpu.vector_load %arg6[%parallel_loop3A_140, %parallel_loop3A_141] {strides = array<i32>} : memref<256x64xf32, #tpu.memory_space<vmem>>, vector<16xf32>,
        %parallel_loop3A_143 = arith.mulf %parallel_loop3A_142, %get3A_3 : vector<16xf32>
        %parallel_loop3A_144 = arith.index_cast %parallel_loop3A_139 : i32 to index
        %parallel_loop3A_145 = arith.constant 16 : index
        %parallel_loop3A_146 = tpu.vector_load %arg6[%parallel_loop3A_144, %parallel_loop3A_145] {strides = array<i32>} : memref<256x64xf32, #tpu.memory_space<vmem>>, vector<16xf32>,
        %parallel_loop3A_147 = arith.mulf %parallel_loop3A_146, %get3A_5 : vector<16xf32>
        %parallel_loop3A_148 = arith.addf %parallel_loop3A_143, %parallel_loop3A_147 : vector<16xf32>
        %parallel_loop3A_149 = arith.index_cast %parallel_loop3A_139 : i32 to index
        %parallel_loop3A_150 = arith.constant 32 : index
        %parallel_loop3A_151 = tpu.vector_load %arg6[%parallel_loop3A_149, %parallel_loop3A_150] {strides = array<i32>} : memref<256x64xf32, #tpu.memory_space<vmem>>, vector<16xf32>,
        %parallel_loop3A_152 = arith.mulf %parallel_loop3A_151, %get3A_7 : vector<16xf32>
        %parallel_loop3A_153 = arith.addf %parallel_loop3A_148, %parallel_loop3A_152 : vector<16xf32>
        %parallel_loop3A_154 = arith.index_cast %parallel_loop3A_139 : i32 to index
        %parallel_loop3A_155 = arith.constant 48 : index
        %parallel_loop3A_156 = tpu.vector_load %arg6[%parallel_loop3A_154, %parallel_loop3A_155] {strides = array<i32>} : memref<256x64xf32, #tpu.memory_space<vmem>>, vector<16xf32>,
        %parallel_loop3A_157 = arith.mulf %parallel_loop3A_156, %get3A_9 : vector<16xf32>
        %parallel_loop3A_158 = arith.addf %parallel_loop3A_153, %parallel_loop3A_157 : vector<16xf32>
        %parallel_loop3A_159 = arith.constant 16 : i32
        %parallel_loop3A_160 = arith.addi %parallel_loop3A_112, %parallel_loop3A_159 : i32
        %parallel_loop3A_161 = arith.index_cast %parallel_loop3A_160 : i32 to index
        %parallel_loop3A_162 = tpu.vector_load %arg9[%parallel_loop3A_161] {strides = array<i32>} : memref<4096xf32, #tpu.memory_space<vmem>>, vector<16xf32>,
        tpu.vector_store %arg9[%parallel_loop3A_161], %parallel_loop3A_158 {strides = array<i32>} : memref<4096xf32, #tpu.memory_space<vmem>>, vector<16xf32>,
        %parallel_loop3A_163 = arith.constant 2 : i32
        %parallel_loop3A_164 = arith.addi %parallel_loop3A_110, %parallel_loop3A_163 : i32
        %parallel_loop3A_165 = arith.index_cast %parallel_loop3A_164 : i32 to index
        %parallel_loop3A_166 = arith.constant 0 : index
        %parallel_loop3A_167 = tpu.vector_load %arg6[%parallel_loop3A_165, %parallel_loop3A_166] {strides = array<i32>} : memref<256x64xf32, #tpu.memory_space<vmem>>, vector<16xf32>,
        %parallel_loop3A_168 = arith.mulf %parallel_loop3A_167, %get3A_3 : vector<16xf32>
        %parallel_loop3A_169 = arith.index_cast %parallel_loop3A_164 : i32 to index
        %parallel_loop3A_170 = arith.constant 16 : index
        %parallel_loop3A_171 = tpu.vector_load %arg6[%parallel_loop3A_169, %parallel_loop3A_170] {strides = array<i32>} : memref<256x64xf32, #tpu.memory_space<vmem>>, vector<16xf32>,
        %parallel_loop3A_172 = arith.mulf %parallel_loop3A_171, %get3A_5 : vector<16xf32>
        %parallel_loop3A_173 = arith.addf %parallel_loop3A_168, %parallel_loop3A_172 : vector<16xf32>
        %parallel_loop3A_174 = arith.index_cast %parallel_loop3A_164 : i32 to index
        %parallel_loop3A_175 = arith.constant 32 : index
        %parallel_loop3A_176 = tpu.vector_load %arg6[%parallel_loop3A_174, %parallel_loop3A_175] {strides = array<i32>} : memref<256x64xf32, #tpu.memory_space<vmem>>, vector<16xf32>,
        %parallel_loop3A_177 = arith.mulf %parallel_loop3A_176, %get3A_7 : vector<16xf32>
        %parallel_loop3A_178 = arith.addf %parallel_loop3A_173, %parallel_loop3A_177 : vector<16xf32>
        %parallel_loop3A_179 = arith.index_cast %parallel_loop3A_164 : i32 to index
        %parallel_loop3A_180 = arith.constant 48 : index
        %parallel_loop3A_181 = tpu.vector_load %arg6[%parallel_loop3A_179, %parallel_loop3A_180] {strides = array<i32>} : memref<256x64xf32, #tpu.memory_space<vmem>>, vector<16xf32>,
        %parallel_loop3A_182 = arith.mulf %parallel_loop3A_181, %get3A_9 : vector<16xf32>
        %parallel_loop3A_183 = arith.addf %parallel_loop3A_178, %parallel_loop3A_182 : vector<16xf32>
        %parallel_loop3A_184 = arith.constant 32 : i32
        %parallel_loop3A_185 = arith.addi %parallel_loop3A_112, %parallel_loop3A_184 : i32
        %parallel_loop3A_186 = arith.index_cast %parallel_loop3A_185 : i32 to index
        %parallel_loop3A_187 = tpu.vector_load %arg9[%parallel_loop3A_186] {strides = array<i32>} : memref<4096xf32, #tpu.memory_space<vmem>>, vector<16xf32>,
        tpu.vector_store %arg9[%parallel_loop3A_186], %parallel_loop3A_183 {strides = array<i32>} : memref<4096xf32, #tpu.memory_space<vmem>>, vector<16xf32>,
        %parallel_loop3A_188 = arith.constant 3 : i32
        %parallel_loop3A_189 = arith.addi %parallel_loop3A_110, %parallel_loop3A_188 : i32
        %parallel_loop3A_190 = arith.index_cast %parallel_loop3A_189 : i32 to index
        %parallel_loop3A_191 = arith.constant 0 : index
        %parallel_loop3A_192 = tpu.vector_load %arg6[%parallel_loop3A_190, %parallel_loop3A_191] {strides = array<i32>} : memref<256x64xf32, #tpu.memory_space<vmem>>, vector<16xf32>,
        %parallel_loop3A_193 = arith.mulf %parallel_loop3A_192, %get3A_3 : vector<16xf32>
        %parallel_loop3A_194 = arith.index_cast %parallel_loop3A_189 : i32 to index
        %parallel_loop3A_195 = arith.constant 16 : index
        %parallel_loop3A_196 = tpu.vector_load %arg6[%parallel_loop3A_194, %parallel_loop3A_195] {strides = array<i32>} : memref<256x64xf32, #tpu.memory_space<vmem>>, vector<16xf32>,
        %parallel_loop3A_197 = arith.mulf %parallel_loop3A_196, %get3A_5 : vector<16xf32>
        %parallel_loop3A_198 = arith.addf %parallel_loop3A_193, %parallel_loop3A_197 : vector<16xf32>
        %parallel_loop3A_199 = arith.index_cast %parallel_loop3A_189 : i32 to index
        %parallel_loop3A_200 = arith.constant 32 : index
        %parallel_loop3A_201 = tpu.vector_load %arg6[%parallel_loop3A_199, %parallel_loop3A_200] {strides = array<i32>} : memref<256x64xf32, #tpu.memory_space<vmem>>, vector<16xf32>,
        %parallel_loop3A_202 = arith.mulf %parallel_loop3A_201, %get3A_7 : vector<16xf32>
        %parallel_loop3A_203 = arith.addf %parallel_loop3A_198, %parallel_loop3A_202 : vector<16xf32>
        %parallel_loop3A_204 = arith.index_cast %parallel_loop3A_189 : i32 to index
        %parallel_loop3A_205 = arith.constant 48 : index
        %parallel_loop3A_206 = tpu.vector_load %arg6[%parallel_loop3A_204, %parallel_loop3A_205] {strides = array<i32>} : memref<256x64xf32, #tpu.memory_space<vmem>>, vector<16xf32>,
        %parallel_loop3A_207 = arith.mulf %parallel_loop3A_206, %get3A_9 : vector<16xf32>
        %parallel_loop3A_208 = arith.addf %parallel_loop3A_203, %parallel_loop3A_207 : vector<16xf32>
        %parallel_loop3A_209 = arith.constant 48 : i32
        %parallel_loop3A_210 = arith.addi %parallel_loop3A_112, %parallel_loop3A_209 : i32
        %parallel_loop3A_211 = arith.index_cast %parallel_loop3A_210 : i32 to index
        %parallel_loop3A_212 = tpu.vector_load %arg9[%parallel_loop3A_211] {strides = array<i32>} : memref<4096xf32, #tpu.memory_space<vmem>>, vector<16xf32>,
        tpu.vector_store %arg9[%parallel_loop3A_211], %parallel_loop3A_208 {strides = array<i32>} : memref<4096xf32, #tpu.memory_space<vmem>>, vector<16xf32>,
        %parallel_loop3A_213 = arith.constant 4 : i32
        %parallel_loop3A_214 = arith.addi %parallel_loop3A_110, %parallel_loop3A_213 : i32
        %parallel_loop3A_215 = arith.index_cast %parallel_loop3A_214 : i32 to index
        %parallel_loop3A_216 = arith.constant 0 : index
        %parallel_loop3A_217 = tpu.vector_load %arg6[%parallel_loop3A_215, %parallel_loop3A_216] {strides = array<i32>} : memref<256x64xf32, #tpu.memory_space<vmem>>, vector<16xf32>,
        %parallel_loop3A_218 = arith.mulf %parallel_loop3A_217, %get3A_3 : vector<16xf32>
        %parallel_loop3A_219 = arith.index_cast %parallel_loop3A_214 : i32 to index
        %parallel_loop3A_220 = arith.constant 16 : index
        %parallel_loop3A_221 = tpu.vector_load %arg6[%parallel_loop3A_219, %parallel_loop3A_220] {strides = array<i32>} : memref<256x64xf32, #tpu.memory_space<vmem>>, vector<16xf32>,
        %parallel_loop3A_222 = arith.mulf %parallel_loop3A_221, %get3A_5 : vector<16xf32>
        %parallel_loop3A_223 = arith.addf %parallel_loop3A_218, %parallel_loop3A_222 : vector<16xf32>
        %parallel_loop3A_224 = arith.index_cast %parallel_loop3A_214 : i32 to index
        %parallel_loop3A_225 = arith.constant 32 : index
        %parallel_loop3A_226 = tpu.vector_load %arg6[%parallel_loop3A_224, %parallel_loop3A_225] {strides = array<i32>} : memref<256x64xf32, #tpu.memory_space<vmem>>, vector<16xf32>,
        %parallel_loop3A_227 = arith.mulf %parallel_loop3A_226, %get3A_7 : vector<16xf32>
        %parallel_loop3A_228 = arith.addf %parallel_loop3A_223, %parallel_loop3A_227 : vector<16xf32>
        %parallel_loop3A_229 = arith.index_cast %parallel_loop3A_214 : i32 to index
        %parallel_loop3A_230 = arith.constant 48 : index
        %parallel_loop3A_231 = tpu.vector_load %arg6[%parallel_loop3A_229, %parallel_loop3A_230] {strides = array<i32>} : memref<256x64xf32, #tpu.memory_space<vmem>>, vector<16xf32>,
        %parallel_loop3A_232 = arith.mulf %parallel_loop3A_231, %get3A_9 : vector<16xf32>
        %parallel_loop3A_233 = arith.addf %parallel_loop3A_228, %parallel_loop3A_232 : vector<16xf32>
        %parallel_loop3A_234 = arith.constant 64 : i32
        %parallel_loop3A_235 = arith.addi %parallel_loop3A_112, %parallel_loop3A_234 : i32
        %parallel_loop3A_236 = arith.index_cast %parallel_loop3A_235 : i32 to index
        %parallel_loop3A_237 = tpu.vector_load %arg9[%parallel_loop3A_236] {strides = array<i32>} : memref<4096xf32, #tpu.memory_space<vmem>>, vector<16xf32>,
        tpu.vector_store %arg9[%parallel_loop3A_236], %parallel_loop3A_233 {strides = array<i32>} : memref<4096xf32, #tpu.memory_space<vmem>>, vector<16xf32>,
        %parallel_loop3A_238 = arith.constant 5 : i32
        %parallel_loop3A_239 = arith.addi %parallel_loop3A_110, %parallel_loop3A_238 : i32
        %parallel_loop3A_240 = arith.index_cast %parallel_loop3A_239 : i32 to index
        %parallel_loop3A_241 = arith.constant 0 : index
        %parallel_loop3A_242 = tpu.vector_load %arg6[%parallel_loop3A_240, %parallel_loop3A_241] {strides = array<i32>} : memref<256x64xf32, #tpu.memory_space<vmem>>, vector<16xf32>,
        %parallel_loop3A_243 = arith.mulf %parallel_loop3A_242, %get3A_3 : vector<16xf32>
        %parallel_loop3A_244 = arith.index_cast %parallel_loop3A_239 : i32 to index
        %parallel_loop3A_245 = arith.constant 16 : index
        %parallel_loop3A_246 = tpu.vector_load %arg6[%parallel_loop3A_244, %parallel_loop3A_245] {strides = array<i32>} : memref<256x64xf32, #tpu.memory_space<vmem>>, vector<16xf32>,
        %parallel_loop3A_247 = arith.mulf %parallel_loop3A_246, %get3A_5 : vector<16xf32>
        %parallel_loop3A_248 = arith.addf %parallel_loop3A_243, %parallel_loop3A_247 : vector<16xf32>
        %parallel_loop3A_249 = arith.index_cast %parallel_loop3A_239 : i32 to index
        %parallel_loop3A_250 = arith.constant 32 : index
        %parallel_loop3A_251 = tpu.vector_load %arg6[%parallel_loop3A_249, %parallel_loop3A_250] {strides = array<i32>} : memref<256x64xf32, #tpu.memory_space<vmem>>, vector<16xf32>,
        %parallel_loop3A_252 = arith.mulf %parallel_loop3A_251, %get3A_7 : vector<16xf32>
        %parallel_loop3A_253 = arith.addf %parallel_loop3A_248, %parallel_loop3A_252 : vector<16xf32>
        %parallel_loop3A_254 = arith.index_cast %parallel_loop3A_239 : i32 to index
        %parallel_loop3A_255 = arith.constant 48 : index
        %parallel_loop3A_256 = tpu.vector_load %arg6[%parallel_loop3A_254, %parallel_loop3A_255] {strides = array<i32>} : memref<256x64xf32, #tpu.memory_space<vmem>>, vector<16xf32>,
        %parallel_loop3A_257 = arith.mulf %parallel_loop3A_256, %get3A_9 : vector<16xf32>
        %parallel_loop3A_258 = arith.addf %parallel_loop3A_253, %parallel_loop3A_257 : vector<16xf32>
        %parallel_loop3A_259 = arith.constant 80 : i32
        %parallel_loop3A_260 = arith.addi %parallel_loop3A_112, %parallel_loop3A_259 : i32
        %parallel_loop3A_261 = arith.index_cast %parallel_loop3A_260 : i32 to index
        %parallel_loop3A_262 = tpu.vector_load %arg9[%parallel_loop3A_261] {strides = array<i32>} : memref<4096xf32, #tpu.memory_space<vmem>>, vector<16xf32>,
        tpu.vector_store %arg9[%parallel_loop3A_261], %parallel_loop3A_258 {strides = array<i32>} : memref<4096xf32, #tpu.memory_space<vmem>>, vector<16xf32>,
        %parallel_loop3A_263 = arith.constant 6 : i32
        %parallel_loop3A_264 = arith.addi %parallel_loop3A_110, %parallel_loop3A_263 : i32
        %parallel_loop3A_265 = arith.index_cast %parallel_loop3A_264 : i32 to index
        %parallel_loop3A_266 = arith.constant 0 : index
        %parallel_loop3A_267 = tpu.vector_load %arg6[%parallel_loop3A_265, %parallel_loop3A_266] {strides = array<i32>} : memref<256x64xf32, #tpu.memory_space<vmem>>, vector<16xf32>,
        %parallel_loop3A_268 = arith.mulf %parallel_loop3A_267, %get3A_3 : vector<16xf32>
        %parallel_loop3A_269 = arith.index_cast %parallel_loop3A_264 : i32 to index
        %parallel_loop3A_270 = arith.constant 16 : index
        %parallel_loop3A_271 = tpu.vector_load %arg6[%parallel_loop3A_269, %parallel_loop3A_270] {strides = array<i32>} : memref<256x64xf32, #tpu.memory_space<vmem>>, vector<16xf32>,
        %parallel_loop3A_272 = arith.mulf %parallel_loop3A_271, %get3A_5 : vector<16xf32>
        %parallel_loop3A_273 = arith.addf %parallel_loop3A_268, %parallel_loop3A_272 : vector<16xf32>
        %parallel_loop3A_274 = arith.index_cast %parallel_loop3A_264 : i32 to index
        %parallel_loop3A_275 = arith.constant 32 : index
        %parallel_loop3A_276 = tpu.vector_load %arg6[%parallel_loop3A_274, %parallel_loop3A_275] {strides = array<i32>} : memref<256x64xf32, #tpu.memory_space<vmem>>, vector<16xf32>,
        %parallel_loop3A_277 = arith.mulf %parallel_loop3A_276, %get3A_7 : vector<16xf32>
        %parallel_loop3A_278 = arith.addf %parallel_loop3A_273, %parallel_loop3A_277 : vector<16xf32>
        %parallel_loop3A_279 = arith.index_cast %parallel_loop3A_264 : i32 to index
        %parallel_loop3A_280 = arith.constant 48 : index
        %parallel_loop3A_281 = tpu.vector_load %arg6[%parallel_loop3A_279, %parallel_loop3A_280] {strides = array<i32>} : memref<256x64xf32, #tpu.memory_space<vmem>>, vector<16xf32>,
        %parallel_loop3A_282 = arith.mulf %parallel_loop3A_281, %get3A_9 : vector<16xf32>
        %parallel_loop3A_283 = arith.addf %parallel_loop3A_278, %parallel_loop3A_282 : vector<16xf32>
        %parallel_loop3A_284 = arith.constant 96 : i32
        %parallel_loop3A_285 = arith.addi %parallel_loop3A_112, %parallel_loop3A_284 : i32
        %parallel_loop3A_286 = arith.index_cast %parallel_loop3A_285 : i32 to index
        %parallel_loop3A_287 = tpu.vector_load %arg9[%parallel_loop3A_286] {strides = array<i32>} : memref<4096xf32, #tpu.memory_space<vmem>>, vector<16xf32>,
        tpu.vector_store %arg9[%parallel_loop3A_286], %parallel_loop3A_283 {strides = array<i32>} : memref<4096xf32, #tpu.memory_space<vmem>>, vector<16xf32>,
        %parallel_loop3A_288 = arith.constant 7 : i32
        %parallel_loop3A_289 = arith.addi %parallel_loop3A_110, %parallel_loop3A_288 : i32
        %parallel_loop3A_290 = arith.index_cast %parallel_loop3A_289 : i32 to index
        %parallel_loop3A_291 = arith.constant 0 : index
        %parallel_loop3A_292 = tpu.vector_load %arg6[%parallel_loop3A_290, %parallel_loop3A_291] {strides = array<i32>} : memref<256x64xf32, #tpu.memory_space<vmem>>, vector<16xf32>,
        %parallel_loop3A_293 = arith.mulf %parallel_loop3A_292, %get3A_3 : vector<16xf32>
        %parallel_loop3A_294 = arith.index_cast %parallel_loop3A_289 : i32 to index
        %parallel_loop3A_295 = arith.constant 16 : index
        %parallel_loop3A_296 = tpu.vector_load %arg6[%parallel_loop3A_294, %parallel_loop3A_295] {strides = array<i32>} : memref<256x64xf32, #tpu.memory_space<vmem>>, vector<16xf32>,
        %parallel_loop3A_297 = arith.mulf %parallel_loop3A_296, %get3A_5 : vector<16xf32>
        %parallel_loop3A_298 = arith.addf %parallel_loop3A_293, %parallel_loop3A_297 : vector<16xf32>
        %parallel_loop3A_299 = arith.index_cast %parallel_loop3A_289 : i32 to index
        %parallel_loop3A_300 = arith.constant 32 : index
        %parallel_loop3A_301 = tpu.vector_load %arg6[%parallel_loop3A_299, %parallel_loop3A_300] {strides = array<i32>} : memref<256x64xf32, #tpu.memory_space<vmem>>, vector<16xf32>,
        %parallel_loop3A_302 = arith.mulf %parallel_loop3A_301, %get3A_7 : vector<16xf32>
        %parallel_loop3A_303 = arith.addf %parallel_loop3A_298, %parallel_loop3A_302 : vector<16xf32>
        %parallel_loop3A_304 = arith.index_cast %parallel_loop3A_289 : i32 to index
        %parallel_loop3A_305 = arith.constant 48 : index
        %parallel_loop3A_306 = tpu.vector_load %arg6[%parallel_loop3A_304, %parallel_loop3A_305] {strides = array<i32>} : memref<256x64xf32, #tpu.memory_space<vmem>>, vector<16xf32>,
        %parallel_loop3A_307 = arith.mulf %parallel_loop3A_306, %get3A_9 : vector<16xf32>
        %parallel_loop3A_308 = arith.addf %parallel_loop3A_303, %parallel_loop3A_307 : vector<16xf32>
        %parallel_loop3A_309 = arith.constant 112 : i32
        %parallel_loop3A_310 = arith.addi %parallel_loop3A_112, %parallel_loop3A_309 : i32
        %parallel_loop3A_311 = arith.index_cast %parallel_loop3A_310 : i32 to index
        %parallel_loop3A_312 = tpu.vector_load %arg9[%parallel_loop3A_311] {strides = array<i32>} : memref<4096xf32, #tpu.memory_space<vmem>>, vector<16xf32>,
        tpu.vector_store %arg9[%parallel_loop3A_311], %parallel_loop3A_308 {strides = array<i32>} : memref<4096xf32, #tpu.memory_space<vmem>>, vector<16xf32>,
        %parallel_loop3A_313 = arith.constant 8 : i32
        %parallel_loop3A_314 = arith.addi %parallel_loop3A_110, %parallel_loop3A_313 : i32
        %parallel_loop3A_315 = arith.index_cast %parallel_loop3A_314 : i32 to index
        %parallel_loop3A_316 = arith.constant 0 : index
        %parallel_loop3A_317 = tpu.vector_load %arg6[%parallel_loop3A_315, %parallel_loop3A_316] {strides = array<i32>} : memref<256x64xf32, #tpu.memory_space<vmem>>, vector<16xf32>,
        %parallel_loop3A_318 = arith.mulf %parallel_loop3A_317, %get3A_3 : vector<16xf32>
        %parallel_loop3A_319 = arith.index_cast %parallel_loop3A_314 : i32 to index
        %parallel_loop3A_320 = arith.constant 16 : index
        %parallel_loop3A_321 = tpu.vector_load %arg6[%parallel_loop3A_319, %parallel_loop3A_320] {strides = array<i32>} : memref<256x64xf32, #tpu.memory_space<vmem>>, vector<16xf32>,
        %parallel_loop3A_322 = arith.mulf %parallel_loop3A_321, %get3A_5 : vector<16xf32>
        %parallel_loop3A_323 = arith.addf %parallel_loop3A_318, %parallel_loop3A_322 : vector<16xf32>
        %parallel_loop3A_324 = arith.index_cast %parallel_loop3A_314 : i32 to index
        %parallel_loop3A_325 = arith.constant 32 : index
        %parallel_loop3A_326 = tpu.vector_load %arg6[%parallel_loop3A_324, %parallel_loop3A_325] {strides = array<i32>} : memref<256x64xf32, #tpu.memory_space<vmem>>, vector<16xf32>,
        %parallel_loop3A_327 = arith.mulf %parallel_loop3A_326, %get3A_7 : vector<16xf32>
        %parallel_loop3A_328 = arith.addf %parallel_loop3A_323, %parallel_loop3A_327 : vector<16xf32>
        %parallel_loop3A_329 = arith.index_cast %parallel_loop3A_314 : i32 to index
        %parallel_loop3A_330 = arith.constant 48 : index
        %parallel_loop3A_331 = tpu.vector_load %arg6[%parallel_loop3A_329, %parallel_loop3A_330] {strides = array<i32>} : memref<256x64xf32, #tpu.memory_space<vmem>>, vector<16xf32>,
        %parallel_loop3A_332 = arith.mulf %parallel_loop3A_331, %get3A_9 : vector<16xf32>
        %parallel_loop3A_333 = arith.addf %parallel_loop3A_328, %parallel_loop3A_332 : vector<16xf32>
        %parallel_loop3A_334 = arith.constant 128 : i32
        %parallel_loop3A_335 = arith.addi %parallel_loop3A_112, %parallel_loop3A_334 : i32
        %parallel_loop3A_336 = arith.index_cast %parallel_loop3A_335 : i32 to index
        %parallel_loop3A_337 = tpu.vector_load %arg9[%parallel_loop3A_336] {strides = array<i32>} : memref<4096xf32, #tpu.memory_space<vmem>>, vector<16xf32>,
        tpu.vector_store %arg9[%parallel_loop3A_336], %parallel_loop3A_333 {strides = array<i32>} : memref<4096xf32, #tpu.memory_space<vmem>>, vector<16xf32>,
        %parallel_loop3A_338 = arith.constant 9 : i32
        %parallel_loop3A_339 = arith.addi %parallel_loop3A_110, %parallel_loop3A_338 : i32
        %parallel_loop3A_340 = arith.index_cast %parallel_loop3A_339 : i32 to index
        %parallel_loop3A_341 = arith.constant 0 : index
        %parallel_loop3A_342 = tpu.vector_load %arg6[%parallel_loop3A_340, %parallel_loop3A_341] {strides = array<i32>} : memref<256x64xf32, #tpu.memory_space<vmem>>, vector<16xf32>,
        %parallel_loop3A_343 = arith.mulf %parallel_loop3A_342, %get3A_3 : vector<16xf32>
        %parallel_loop3A_344 = arith.index_cast %parallel_loop3A_339 : i32 to index
        %parallel_loop3A_345 = arith.constant 16 : index
        %parallel_loop3A_346 = tpu.vector_load %arg6[%parallel_loop3A_344, %parallel_loop3A_345] {strides = array<i32>} : memref<256x64xf32, #tpu.memory_space<vmem>>, vector<16xf32>,
        %parallel_loop3A_347 = arith.mulf %parallel_loop3A_346, %get3A_5 : vector<16xf32>
        %parallel_loop3A_348 = arith.addf %parallel_loop3A_343, %parallel_loop3A_347 : vector<16xf32>
        %parallel_loop3A_349 = arith.index_cast %parallel_loop3A_339 : i32 to index
        %parallel_loop3A_350 = arith.constant 32 : index
        %parallel_loop3A_351 = tpu.vector_load %arg6[%parallel_loop3A_349, %parallel_loop3A_350] {strides = array<i32>} : memref<256x64xf32, #tpu.memory_space<vmem>>, vector<16xf32>,
        %parallel_loop3A_352 = arith.mulf %parallel_loop3A_351, %get3A_7 : vector<16xf32>
        %parallel_loop3A_353 = arith.addf %parallel_loop3A_348, %parallel_loop3A_352 : vector<16xf32>
        %parallel_loop3A_354 = arith.index_cast %parallel_loop3A_339 : i32 to index
        %parallel_loop3A_355 = arith.constant 48 : index
        %parallel_loop3A_356 = tpu.vector_load %arg6[%parallel_loop3A_354, %parallel_loop3A_355] {strides = array<i32>} : memref<256x64xf32, #tpu.memory_space<vmem>>, vector<16xf32>,
        %parallel_loop3A_357 = arith.mulf %parallel_loop3A_356, %get3A_9 : vector<16xf32>
        %parallel_loop3A_358 = arith.addf %parallel_loop3A_353, %parallel_loop3A_357 : vector<16xf32>
        %parallel_loop3A_359 = arith.constant 144 : i32
        %parallel_loop3A_360 = arith.addi %parallel_loop3A_112, %parallel_loop3A_359 : i32
        %parallel_loop3A_361 = arith.index_cast %parallel_loop3A_360 : i32 to index
        %parallel_loop3A_362 = tpu.vector_load %arg9[%parallel_loop3A_361] {strides = array<i32>} : memref<4096xf32, #tpu.memory_space<vmem>>, vector<16xf32>,
        tpu.vector_store %arg9[%parallel_loop3A_361], %parallel_loop3A_358 {strides = array<i32>} : memref<4096xf32, #tpu.memory_space<vmem>>, vector<16xf32>,
        %parallel_loop3A_363 = arith.constant 10 : i32
        %parallel_loop3A_364 = arith.addi %parallel_loop3A_110, %parallel_loop3A_363 : i32
        %parallel_loop3A_365 = arith.index_cast %parallel_loop3A_364 : i32 to index
        %parallel_loop3A_366 = arith.constant 0 : index
        %parallel_loop3A_367 = tpu.vector_load %arg6[%parallel_loop3A_365, %parallel_loop3A_366] {strides = array<i32>} : memref<256x64xf32, #tpu.memory_space<vmem>>, vector<16xf32>,
        %parallel_loop3A_368 = arith.mulf %parallel_loop3A_367, %get3A_3 : vector<16xf32>
        %parallel_loop3A_369 = arith.index_cast %parallel_loop3A_364 : i32 to index
        %parallel_loop3A_370 = arith.constant 16 : index
        %parallel_loop3A_371 = tpu.vector_load %arg6[%parallel_loop3A_369, %parallel_loop3A_370] {strides = array<i32>} : memref<256x64xf32, #tpu.memory_space<vmem>>, vector<16xf32>,
        %parallel_loop3A_372 = arith.mulf %parallel_loop3A_371, %get3A_5 : vector<16xf32>
        %parallel_loop3A_373 = arith.addf %parallel_loop3A_368, %parallel_loop3A_372 : vector<16xf32>
        %parallel_loop3A_374 = arith.index_cast %parallel_loop3A_364 : i32 to index
        %parallel_loop3A_375 = arith.constant 32 : index
        %parallel_loop3A_376 = tpu.vector_load %arg6[%parallel_loop3A_374, %parallel_loop3A_375] {strides = array<i32>} : memref<256x64xf32, #tpu.memory_space<vmem>>, vector<16xf32>,
        %parallel_loop3A_377 = arith.mulf %parallel_loop3A_376, %get3A_7 : vector<16xf32>
        %parallel_loop3A_378 = arith.addf %parallel_loop3A_373, %parallel_loop3A_377 : vector<16xf32>
        %parallel_loop3A_379 = arith.index_cast %parallel_loop3A_364 : i32 to index
        %parallel_loop3A_380 = arith.constant 48 : index
        %parallel_loop3A_381 = tpu.vector_load %arg6[%parallel_loop3A_379, %parallel_loop3A_380] {strides = array<i32>} : memref<256x64xf32, #tpu.memory_space<vmem>>, vector<16xf32>,
        %parallel_loop3A_382 = arith.mulf %parallel_loop3A_381, %get3A_9 : vector<16xf32>
        %parallel_loop3A_383 = arith.addf %parallel_loop3A_378, %parallel_loop3A_382 : vector<16xf32>
        %parallel_loop3A_384 = arith.constant 160 : i32
        %parallel_loop3A_385 = arith.addi %parallel_loop3A_112, %parallel_loop3A_384 : i32
        %parallel_loop3A_386 = arith.index_cast %parallel_loop3A_385 : i32 to index
        %parallel_loop3A_387 = tpu.vector_load %arg9[%parallel_loop3A_386] {strides = array<i32>} : memref<4096xf32, #tpu.memory_space<vmem>>, vector<16xf32>,
        tpu.vector_store %arg9[%parallel_loop3A_386], %parallel_loop3A_383 {strides = array<i32>} : memref<4096xf32, #tpu.memory_space<vmem>>, vector<16xf32>,
        %parallel_loop3A_388 = arith.constant 11 : i32
        %parallel_loop3A_389 = arith.addi %parallel_loop3A_110, %parallel_loop3A_388 : i32
        %parallel_loop3A_390 = arith.index_cast %parallel_loop3A_389 : i32 to index
        %parallel_loop3A_391 = arith.constant 0 : index
        %parallel_loop3A_392 = tpu.vector_load %arg6[%parallel_loop3A_390, %parallel_loop3A_391] {strides = array<i32>} : memref<256x64xf32, #tpu.memory_space<vmem>>, vector<16xf32>,
        %parallel_loop3A_393 = arith.mulf %parallel_loop3A_392, %get3A_3 : vector<16xf32>
        %parallel_loop3A_394 = arith.index_cast %parallel_loop3A_389 : i32 to index
        %parallel_loop3A_395 = arith.constant 16 : index
        %parallel_loop3A_396 = tpu.vector_load %arg6[%parallel_loop3A_394, %parallel_loop3A_395] {strides = array<i32>} : memref<256x64xf32, #tpu.memory_space<vmem>>, vector<16xf32>,
        %parallel_loop3A_397 = arith.mulf %parallel_loop3A_396, %get3A_5 : vector<16xf32>
        %parallel_loop3A_398 = arith.addf %parallel_loop3A_393, %parallel_loop3A_397 : vector<16xf32>
        %parallel_loop3A_399 = arith.index_cast %parallel_loop3A_389 : i32 to index
        %parallel_loop3A_400 = arith.constant 32 : index
        %parallel_loop3A_401 = tpu.vector_load %arg6[%parallel_loop3A_399, %parallel_loop3A_400] {strides = array<i32>} : memref<256x64xf32, #tpu.memory_space<vmem>>, vector<16xf32>,
        %parallel_loop3A_402 = arith.mulf %parallel_loop3A_401, %get3A_7 : vector<16xf32>
        %parallel_loop3A_403 = arith.addf %parallel_loop3A_398, %parallel_loop3A_402 : vector<16xf32>
        %parallel_loop3A_404 = arith.index_cast %parallel_loop3A_389 : i32 to index
        %parallel_loop3A_405 = arith.constant 48 : index
        %parallel_loop3A_406 = tpu.vector_load %arg6[%parallel_loop3A_404, %parallel_loop3A_405] {strides = array<i32>} : memref<256x64xf32, #tpu.memory_space<vmem>>, vector<16xf32>,
        %parallel_loop3A_407 = arith.mulf %parallel_loop3A_406, %get3A_9 : vector<16xf32>
        %parallel_loop3A_408 = arith.addf %parallel_loop3A_403, %parallel_loop3A_407 : vector<16xf32>
        %parallel_loop3A_409 = arith.constant 176 : i32
        %parallel_loop3A_410 = arith.addi %parallel_loop3A_112, %parallel_loop3A_409 : i32
        %parallel_loop3A_411 = arith.index_cast %parallel_loop3A_410 : i32 to index
        %parallel_loop3A_412 = tpu.vector_load %arg9[%parallel_loop3A_411] {strides = array<i32>} : memref<4096xf32, #tpu.memory_space<vmem>>, vector<16xf32>,
        tpu.vector_store %arg9[%parallel_loop3A_411], %parallel_loop3A_408 {strides = array<i32>} : memref<4096xf32, #tpu.memory_space<vmem>>, vector<16xf32>,
        %parallel_loop3A_413 = arith.constant 12 : i32
        %parallel_loop3A_414 = arith.addi %parallel_loop3A_110, %parallel_loop3A_413 : i32
        %parallel_loop3A_415 = arith.index_cast %parallel_loop3A_414 : i32 to index
        %parallel_loop3A_416 = arith.constant 0 : index
        %parallel_loop3A_417 = tpu.vector_load %arg6[%parallel_loop3A_415, %parallel_loop3A_416] {strides = array<i32>} : memref<256x64xf32, #tpu.memory_space<vmem>>, vector<16xf32>,
        %parallel_loop3A_418 = arith.mulf %parallel_loop3A_417, %get3A_3 : vector<16xf32>
        %parallel_loop3A_419 = arith.index_cast %parallel_loop3A_414 : i32 to index
        %parallel_loop3A_420 = arith.constant 16 : index
        %parallel_loop3A_421 = tpu.vector_load %arg6[%parallel_loop3A_419, %parallel_loop3A_420] {strides = array<i32>} : memref<256x64xf32, #tpu.memory_space<vmem>>, vector<16xf32>,
        %parallel_loop3A_422 = arith.mulf %parallel_loop3A_421, %get3A_5 : vector<16xf32>
        %parallel_loop3A_423 = arith.addf %parallel_loop3A_418, %parallel_loop3A_422 : vector<16xf32>
        %parallel_loop3A_424 = arith.index_cast %parallel_loop3A_414 : i32 to index
        %parallel_loop3A_425 = arith.constant 32 : index
        %parallel_loop3A_426 = tpu.vector_load %arg6[%parallel_loop3A_424, %parallel_loop3A_425] {strides = array<i32>} : memref<256x64xf32, #tpu.memory_space<vmem>>, vector<16xf32>,
        %parallel_loop3A_427 = arith.mulf %parallel_loop3A_426, %get3A_7 : vector<16xf32>
        %parallel_loop3A_428 = arith.addf %parallel_loop3A_423, %parallel_loop3A_427 : vector<16xf32>
        %parallel_loop3A_429 = arith.index_cast %parallel_loop3A_414 : i32 to index
        %parallel_loop3A_430 = arith.constant 48 : index
        %parallel_loop3A_431 = tpu.vector_load %arg6[%parallel_loop3A_429, %parallel_loop3A_430] {strides = array<i32>} : memref<256x64xf32, #tpu.memory_space<vmem>>, vector<16xf32>,
        %parallel_loop3A_432 = arith.mulf %parallel_loop3A_431, %get3A_9 : vector<16xf32>
        %parallel_loop3A_433 = arith.addf %parallel_loop3A_428, %parallel_loop3A_432 : vector<16xf32>
        %parallel_loop3A_434 = arith.constant 192 : i32
        %parallel_loop3A_435 = arith.addi %parallel_loop3A_112, %parallel_loop3A_434 : i32
        %parallel_loop3A_436 = arith.index_cast %parallel_loop3A_435 : i32 to index
        %parallel_loop3A_437 = tpu.vector_load %arg9[%parallel_loop3A_436] {strides = array<i32>} : memref<4096xf32, #tpu.memory_space<vmem>>, vector<16xf32>,
        tpu.vector_store %arg9[%parallel_loop3A_436], %parallel_loop3A_433 {strides = array<i32>} : memref<4096xf32, #tpu.memory_space<vmem>>, vector<16xf32>,
        %parallel_loop3A_438 = arith.constant 13 : i32
        %parallel_loop3A_439 = arith.addi %parallel_loop3A_110, %parallel_loop3A_438 : i32
        %parallel_loop3A_440 = arith.index_cast %parallel_loop3A_439 : i32 to index
        %parallel_loop3A_441 = arith.constant 0 : index
        %parallel_loop3A_442 = tpu.vector_load %arg6[%parallel_loop3A_440, %parallel_loop3A_441] {strides = array<i32>} : memref<256x64xf32, #tpu.memory_space<vmem>>, vector<16xf32>,
        %parallel_loop3A_443 = arith.mulf %parallel_loop3A_442, %get3A_3 : vector<16xf32>
        %parallel_loop3A_444 = arith.index_cast %parallel_loop3A_439 : i32 to index
        %parallel_loop3A_445 = arith.constant 16 : index
        %parallel_loop3A_446 = tpu.vector_load %arg6[%parallel_loop3A_444, %parallel_loop3A_445] {strides = array<i32>} : memref<256x64xf32, #tpu.memory_space<vmem>>, vector<16xf32>,
        %parallel_loop3A_447 = arith.mulf %parallel_loop3A_446, %get3A_5 : vector<16xf32>
        %parallel_loop3A_448 = arith.addf %parallel_loop3A_443, %parallel_loop3A_447 : vector<16xf32>
        %parallel_loop3A_449 = arith.index_cast %parallel_loop3A_439 : i32 to index
        %parallel_loop3A_450 = arith.constant 32 : index
        %parallel_loop3A_451 = tpu.vector_load %arg6[%parallel_loop3A_449, %parallel_loop3A_450] {strides = array<i32>} : memref<256x64xf32, #tpu.memory_space<vmem>>, vector<16xf32>,
        %parallel_loop3A_452 = arith.mulf %parallel_loop3A_451, %get3A_7 : vector<16xf32>
        %parallel_loop3A_453 = arith.addf %parallel_loop3A_448, %parallel_loop3A_452 : vector<16xf32>
        %parallel_loop3A_454 = arith.index_cast %parallel_loop3A_439 : i32 to index
        %parallel_loop3A_455 = arith.constant 48 : index
        %parallel_loop3A_456 = tpu.vector_load %arg6[%parallel_loop3A_454, %parallel_loop3A_455] {strides = array<i32>} : memref<256x64xf32, #tpu.memory_space<vmem>>, vector<16xf32>,
        %parallel_loop3A_457 = arith.mulf %parallel_loop3A_456, %get3A_9 : vector<16xf32>
        %parallel_loop3A_458 = arith.addf %parallel_loop3A_453, %parallel_loop3A_457 : vector<16xf32>
        %parallel_loop3A_459 = arith.constant 208 : i32
        %parallel_loop3A_460 = arith.addi %parallel_loop3A_112, %parallel_loop3A_459 : i32
        %parallel_loop3A_461 = arith.index_cast %parallel_loop3A_460 : i32 to index
        %parallel_loop3A_462 = tpu.vector_load %arg9[%parallel_loop3A_461] {strides = array<i32>} : memref<4096xf32, #tpu.memory_space<vmem>>, vector<16xf32>,
        tpu.vector_store %arg9[%parallel_loop3A_461], %parallel_loop3A_458 {strides = array<i32>} : memref<4096xf32, #tpu.memory_space<vmem>>, vector<16xf32>,
        %parallel_loop3A_463 = arith.constant 14 : i32
        %parallel_loop3A_464 = arith.addi %parallel_loop3A_110, %parallel_loop3A_463 : i32
        %parallel_loop3A_465 = arith.index_cast %parallel_loop3A_464 : i32 to index
        %parallel_loop3A_466 = arith.constant 0 : index
        %parallel_loop3A_467 = tpu.vector_load %arg6[%parallel_loop3A_465, %parallel_loop3A_466] {strides = array<i32>} : memref<256x64xf32, #tpu.memory_space<vmem>>, vector<16xf32>,
        %parallel_loop3A_468 = arith.mulf %parallel_loop3A_467, %get3A_3 : vector<16xf32>
        %parallel_loop3A_469 = arith.index_cast %parallel_loop3A_464 : i32 to index
        %parallel_loop3A_470 = arith.constant 16 : index
        %parallel_loop3A_471 = tpu.vector_load %arg6[%parallel_loop3A_469, %parallel_loop3A_470] {strides = array<i32>} : memref<256x64xf32, #tpu.memory_space<vmem>>, vector<16xf32>,
        %parallel_loop3A_472 = arith.mulf %parallel_loop3A_471, %get3A_5 : vector<16xf32>
        %parallel_loop3A_473 = arith.addf %parallel_loop3A_468, %parallel_loop3A_472 : vector<16xf32>
        %parallel_loop3A_474 = arith.index_cast %parallel_loop3A_464 : i32 to index
        %parallel_loop3A_475 = arith.constant 32 : index
        %parallel_loop3A_476 = tpu.vector_load %arg6[%parallel_loop3A_474, %parallel_loop3A_475] {strides = array<i32>} : memref<256x64xf32, #tpu.memory_space<vmem>>, vector<16xf32>,
        %parallel_loop3A_477 = arith.mulf %parallel_loop3A_476, %get3A_7 : vector<16xf32>
        %parallel_loop3A_478 = arith.addf %parallel_loop3A_473, %parallel_loop3A_477 : vector<16xf32>
        %parallel_loop3A_479 = arith.index_cast %parallel_loop3A_464 : i32 to index
        %parallel_loop3A_480 = arith.constant 48 : index
        %parallel_loop3A_481 = tpu.vector_load %arg6[%parallel_loop3A_479, %parallel_loop3A_480] {strides = array<i32>} : memref<256x64xf32, #tpu.memory_space<vmem>>, vector<16xf32>,
        %parallel_loop3A_482 = arith.mulf %parallel_loop3A_481, %get3A_9 : vector<16xf32>
        %parallel_loop3A_483 = arith.addf %parallel_loop3A_478, %parallel_loop3A_482 : vector<16xf32>
        %parallel_loop3A_484 = arith.constant 224 : i32
        %parallel_loop3A_485 = arith.addi %parallel_loop3A_112, %parallel_loop3A_484 : i32
        %parallel_loop3A_486 = arith.index_cast %parallel_loop3A_485 : i32 to index
        %parallel_loop3A_487 = tpu.vector_load %arg9[%parallel_loop3A_486] {strides = array<i32>} : memref<4096xf32, #tpu.memory_space<vmem>>, vector<16xf32>,
        tpu.vector_store %arg9[%parallel_loop3A_486], %parallel_loop3A_483 {strides = array<i32>} : memref<4096xf32, #tpu.memory_space<vmem>>, vector<16xf32>,
        %parallel_loop3A_488 = arith.constant 15 : i32
        %parallel_loop3A_489 = arith.addi %parallel_loop3A_110, %parallel_loop3A_488 : i32
        %parallel_loop3A_490 = arith.index_cast %parallel_loop3A_489 : i32 to index
        %parallel_loop3A_491 = arith.constant 0 : index
        %parallel_loop3A_492 = tpu.vector_load %arg6[%parallel_loop3A_490, %parallel_loop3A_491] {strides = array<i32>} : memref<256x64xf32, #tpu.memory_space<vmem>>, vector<16xf32>,
        %parallel_loop3A_493 = arith.mulf %parallel_loop3A_492, %get3A_3 : vector<16xf32>
        %parallel_loop3A_494 = arith.index_cast %parallel_loop3A_489 : i32 to index
        %parallel_loop3A_495 = arith.constant 16 : index
        %parallel_loop3A_496 = tpu.vector_load %arg6[%parallel_loop3A_494, %parallel_loop3A_495] {strides = array<i32>} : memref<256x64xf32, #tpu.memory_space<vmem>>, vector<16xf32>,
        %parallel_loop3A_497 = arith.mulf %parallel_loop3A_496, %get3A_5 : vector<16xf32>
        %parallel_loop3A_498 = arith.addf %parallel_loop3A_493, %parallel_loop3A_497 : vector<16xf32>
        %parallel_loop3A_499 = arith.index_cast %parallel_loop3A_489 : i32 to index
        %parallel_loop3A_500 = arith.constant 32 : index
        %parallel_loop3A_501 = tpu.vector_load %arg6[%parallel_loop3A_499, %parallel_loop3A_500] {strides = array<i32>} : memref<256x64xf32, #tpu.memory_space<vmem>>, vector<16xf32>,
        %parallel_loop3A_502 = arith.mulf %parallel_loop3A_501, %get3A_7 : vector<16xf32>
        %parallel_loop3A_503 = arith.addf %parallel_loop3A_498, %parallel_loop3A_502 : vector<16xf32>
        %parallel_loop3A_504 = arith.index_cast %parallel_loop3A_489 : i32 to index
        %parallel_loop3A_505 = arith.constant 48 : index
        %parallel_loop3A_506 = tpu.vector_load %arg6[%parallel_loop3A_504, %parallel_loop3A_505] {strides = array<i32>} : memref<256x64xf32, #tpu.memory_space<vmem>>, vector<16xf32>,
        %parallel_loop3A_507 = arith.mulf %parallel_loop3A_506, %get3A_9 : vector<16xf32>
        %parallel_loop3A_508 = arith.addf %parallel_loop3A_503, %parallel_loop3A_507 : vector<16xf32>
        %parallel_loop3A_509 = arith.constant 240 : i32
        %parallel_loop3A_510 = arith.addi %parallel_loop3A_112, %parallel_loop3A_509 : i32
        %parallel_loop3A_511 = arith.index_cast %parallel_loop3A_510 : i32 to index
        %parallel_loop3A_512 = tpu.vector_load %arg9[%parallel_loop3A_511] {strides = array<i32>} : memref<4096xf32, #tpu.memory_space<vmem>>, vector<16xf32>,
        tpu.vector_store %arg9[%parallel_loop3A_511], %parallel_loop3A_508 {strides = array<i32>} : memref<4096xf32, #tpu.memory_space<vmem>>, vector<16xf32>,
        %parallel_loop3A_513 = arith.constant 0 : i32
        %parallel_loop3A_514 = arith.addi %parallel_loop3A_112, %parallel_loop3A_513 : i32
        %parallel_loop3A_515 = vector.broadcast %parallel_loop3A_514 : i32 to vector<16xi32>
        %parallel_loop3A_516 = arith.addi %mul3A_14, %parallel_loop3A_515 : vector<16xi32>
        %parallel_loop3A_517 = tpu.vector_load_idx %arg9[%parallel_loop3A_516] : memref<4096xf32, #tpu.memory_space<vmem>>[vector<16xi32>], vector<16xf32>,
        %parallel_loop3A_518 = arith.constant 1 : i32
        %parallel_loop3A_519 = arith.addi %parallel_loop3A_112, %parallel_loop3A_518 : i32
        %parallel_loop3A_520 = vector.broadcast %parallel_loop3A_519 : i32 to vector<16xi32>
        %parallel_loop3A_521 = arith.addi %mul3A_14, %parallel_loop3A_520 : vector<16xi32>
        %parallel_loop3A_522 = tpu.vector_load_idx %arg9[%parallel_loop3A_521] : memref<4096xf32, #tpu.memory_space<vmem>>[vector<16xi32>], vector<16xf32>,
        %parallel_loop3A_523 = arith.constant 2 : i32
        %parallel_loop3A_524 = arith.addi %parallel_loop3A_112, %parallel_loop3A_523 : i32
        %parallel_loop3A_525 = vector.broadcast %parallel_loop3A_524 : i32 to vector<16xi32>
        %parallel_loop3A_526 = arith.addi %mul3A_14, %parallel_loop3A_525 : vector<16xi32>
        %parallel_loop3A_527 = tpu.vector_load_idx %arg9[%parallel_loop3A_526] : memref<4096xf32, #tpu.memory_space<vmem>>[vector<16xi32>], vector<16xf32>,
        %parallel_loop3A_528 = arith.constant 3 : i32
        %parallel_loop3A_529 = arith.addi %parallel_loop3A_112, %parallel_loop3A_528 : i32
        %parallel_loop3A_530 = vector.broadcast %parallel_loop3A_529 : i32 to vector<16xi32>
        %parallel_loop3A_531 = arith.addi %mul3A_14, %parallel_loop3A_530 : vector<16xi32>
        %parallel_loop3A_532 = tpu.vector_load_idx %arg9[%parallel_loop3A_531] : memref<4096xf32, #tpu.memory_space<vmem>>[vector<16xi32>], vector<16xf32>,
        %parallel_loop3A_533 = arith.constant 4 : i32
        %parallel_loop3A_534 = arith.addi %parallel_loop3A_112, %parallel_loop3A_533 : i32
        %parallel_loop3A_535 = vector.broadcast %parallel_loop3A_534 : i32 to vector<16xi32>
        %parallel_loop3A_536 = arith.addi %mul3A_14, %parallel_loop3A_535 : vector<16xi32>
        %parallel_loop3A_537 = tpu.vector_load_idx %arg9[%parallel_loop3A_536] : memref<4096xf32, #tpu.memory_space<vmem>>[vector<16xi32>], vector<16xf32>,
        %parallel_loop3A_538 = arith.constant 5 : i32
        %parallel_loop3A_539 = arith.addi %parallel_loop3A_112, %parallel_loop3A_538 : i32
        %parallel_loop3A_540 = vector.broadcast %parallel_loop3A_539 : i32 to vector<16xi32>
        %parallel_loop3A_541 = arith.addi %mul3A_14, %parallel_loop3A_540 : vector<16xi32>
        %parallel_loop3A_542 = tpu.vector_load_idx %arg9[%parallel_loop3A_541] : memref<4096xf32, #tpu.memory_space<vmem>>[vector<16xi32>], vector<16xf32>,
        %parallel_loop3A_543 = arith.constant 6 : i32
        %parallel_loop3A_544 = arith.addi %parallel_loop3A_112, %parallel_loop3A_543 : i32
        %parallel_loop3A_545 = vector.broadcast %parallel_loop3A_544 : i32 to vector<16xi32>
        %parallel_loop3A_546 = arith.addi %mul3A_14, %parallel_loop3A_545 : vector<16xi32>
        %parallel_loop3A_547 = tpu.vector_load_idx %arg9[%parallel_loop3A_546] : memref<4096xf32, #tpu.memory_space<vmem>>[vector<16xi32>], vector<16xf32>,
        %parallel_loop3A_548 = arith.constant 7 : i32
        %parallel_loop3A_549 = arith.addi %parallel_loop3A_112, %parallel_loop3A_548 : i32
        %parallel_loop3A_550 = vector.broadcast %parallel_loop3A_549 : i32 to vector<16xi32>
        %parallel_loop3A_551 = arith.addi %mul3A_14, %parallel_loop3A_550 : vector<16xi32>
        %parallel_loop3A_552 = tpu.vector_load_idx %arg9[%parallel_loop3A_551] : memref<4096xf32, #tpu.memory_space<vmem>>[vector<16xi32>], vector<16xf32>,
        %parallel_loop3A_553 = arith.constant 8 : i32
        %parallel_loop3A_554 = arith.addi %parallel_loop3A_112, %parallel_loop3A_553 : i32
        %parallel_loop3A_555 = vector.broadcast %parallel_loop3A_554 : i32 to vector<16xi32>
        %parallel_loop3A_556 = arith.addi %mul3A_14, %parallel_loop3A_555 : vector<16xi32>
        %parallel_loop3A_557 = tpu.vector_load_idx %arg9[%parallel_loop3A_556] : memref<4096xf32, #tpu.memory_space<vmem>>[vector<16xi32>], vector<16xf32>,
        %parallel_loop3A_558 = arith.constant 9 : i32
        %parallel_loop3A_559 = arith.addi %parallel_loop3A_112, %parallel_loop3A_558 : i32
        %parallel_loop3A_560 = vector.broadcast %parallel_loop3A_559 : i32 to vector<16xi32>
        %parallel_loop3A_561 = arith.addi %mul3A_14, %parallel_loop3A_560 : vector<16xi32>
        %parallel_loop3A_562 = tpu.vector_load_idx %arg9[%parallel_loop3A_561] : memref<4096xf32, #tpu.memory_space<vmem>>[vector<16xi32>], vector<16xf32>,
        %parallel_loop3A_563 = arith.constant 10 : i32
        %parallel_loop3A_564 = arith.addi %parallel_loop3A_112, %parallel_loop3A_563 : i32
        %parallel_loop3A_565 = vector.broadcast %parallel_loop3A_564 : i32 to vector<16xi32>
        %parallel_loop3A_566 = arith.addi %mul3A_14, %parallel_loop3A_565 : vector<16xi32>
        %parallel_loop3A_567 = tpu.vector_load_idx %arg9[%parallel_loop3A_566] : memref<4096xf32, #tpu.memory_space<vmem>>[vector<16xi32>], vector<16xf32>,
        %parallel_loop3A_568 = arith.constant 11 : i32
        %parallel_loop3A_569 = arith.addi %parallel_loop3A_112, %parallel_loop3A_568 : i32
        %parallel_loop3A_570 = vector.broadcast %parallel_loop3A_569 : i32 to vector<16xi32>
        %parallel_loop3A_571 = arith.addi %mul3A_14, %parallel_loop3A_570 : vector<16xi32>
        %parallel_loop3A_572 = tpu.vector_load_idx %arg9[%parallel_loop3A_571] : memref<4096xf32, #tpu.memory_space<vmem>>[vector<16xi32>], vector<16xf32>,
        %parallel_loop3A_573 = arith.constant 12 : i32
        %parallel_loop3A_574 = arith.addi %parallel_loop3A_112, %parallel_loop3A_573 : i32
        %parallel_loop3A_575 = vector.broadcast %parallel_loop3A_574 : i32 to vector<16xi32>
        %parallel_loop3A_576 = arith.addi %mul3A_14, %parallel_loop3A_575 : vector<16xi32>
        %parallel_loop3A_577 = tpu.vector_load_idx %arg9[%parallel_loop3A_576] : memref<4096xf32, #tpu.memory_space<vmem>>[vector<16xi32>], vector<16xf32>,
        %parallel_loop3A_578 = arith.constant 13 : i32
        %parallel_loop3A_579 = arith.addi %parallel_loop3A_112, %parallel_loop3A_578 : i32
        %parallel_loop3A_580 = vector.broadcast %parallel_loop3A_579 : i32 to vector<16xi32>
        %parallel_loop3A_581 = arith.addi %mul3A_14, %parallel_loop3A_580 : vector<16xi32>
        %parallel_loop3A_582 = tpu.vector_load_idx %arg9[%parallel_loop3A_581] : memref<4096xf32, #tpu.memory_space<vmem>>[vector<16xi32>], vector<16xf32>,
        %parallel_loop3A_583 = arith.constant 14 : i32
        %parallel_loop3A_584 = arith.addi %parallel_loop3A_112, %parallel_loop3A_583 : i32
        %parallel_loop3A_585 = vector.broadcast %parallel_loop3A_584 : i32 to vector<16xi32>
        %parallel_loop3A_586 = arith.addi %mul3A_14, %parallel_loop3A_585 : vector<16xi32>
        %parallel_loop3A_587 = tpu.vector_load_idx %arg9[%parallel_loop3A_586] : memref<4096xf32, #tpu.memory_space<vmem>>[vector<16xi32>], vector<16xf32>,
        %parallel_loop3A_588 = arith.constant 15 : i32
        %parallel_loop3A_589 = arith.addi %parallel_loop3A_112, %parallel_loop3A_588 : i32
        %parallel_loop3A_590 = vector.broadcast %parallel_loop3A_589 : i32 to vector<16xi32>
        %parallel_loop3A_591 = arith.addi %mul3A_14, %parallel_loop3A_590 : vector<16xi32>
        %parallel_loop3A_592 = tpu.vector_load_idx %arg9[%parallel_loop3A_591] : memref<4096xf32, #tpu.memory_space<vmem>>[vector<16xi32>], vector<16xf32>,
        %parallel_loop3A_593 = arith.addf %parallel_loop3A_517, %parallel_loop3A_522 : vector<16xf32>
        %parallel_loop3A_594 = arith.addf %parallel_loop3A_527, %parallel_loop3A_532 : vector<16xf32>
        %parallel_loop3A_595 = arith.addf %parallel_loop3A_537, %parallel_loop3A_542 : vector<16xf32>
        %parallel_loop3A_596 = arith.addf %parallel_loop3A_547, %parallel_loop3A_552 : vector<16xf32>
        %parallel_loop3A_597 = arith.addf %parallel_loop3A_557, %parallel_loop3A_562 : vector<16xf32>
        %parallel_loop3A_598 = arith.addf %parallel_loop3A_567, %parallel_loop3A_572 : vector<16xf32>
        %parallel_loop3A_599 = arith.addf %parallel_loop3A_577, %parallel_loop3A_582 : vector<16xf32>
        %parallel_loop3A_600 = arith.addf %parallel_loop3A_587, %parallel_loop3A_592 : vector<16xf32>
        %parallel_loop3A_601 = arith.addf %parallel_loop3A_593, %parallel_loop3A_594 : vector<16xf32>
        %parallel_loop3A_602 = arith.addf %parallel_loop3A_595, %parallel_loop3A_596 : vector<16xf32>
        %parallel_loop3A_603 = arith.addf %parallel_loop3A_597, %parallel_loop3A_598 : vector<16xf32>
        %parallel_loop3A_604 = arith.addf %parallel_loop3A_599, %parallel_loop3A_600 : vector<16xf32>
        %parallel_loop3A_605 = arith.addf %parallel_loop3A_601, %parallel_loop3A_602 : vector<16xf32>
        %parallel_loop3A_606 = arith.addf %parallel_loop3A_603, %parallel_loop3A_604 : vector<16xf32>
        %parallel_loop3A_607 = arith.addf %parallel_loop3A_605, %parallel_loop3A_606 : vector<16xf32>
        %parallel_loop3A_608 = arith.constant 16 : i32
        %parallel_loop3A_609 = arith.muli %parallel_loop3A_108, %parallel_loop3A_608 : i32
        %parallel_loop3A_610 = arith.constant 256 : i32
        %parallel_loop3A_611 = arith.addi %parallel_loop3A_610, %parallel_loop3A_609 : i32
        %parallel_loop3A_612 = arith.index_cast %parallel_loop3A_611 : i32 to index
        %parallel_loop3A_613 = tpu.vector_load %arg7[%parallel_loop3A_612] {strides = array<i32>} : memref<1024xf32, #tpu.memory_space<vmem>>, vector<16xf32>,
        tpu.vector_store %arg7[%parallel_loop3A_612], %parallel_loop3A_607 {strides = array<i32>} : memref<1024xf32, #tpu.memory_space<vmem>>, vector<16xf32>,
      } {sc.loop_unroll_factor = 4 : i64, sc.parallel_access}
      %add3A_78 = arith.constant 1 : i32
      %add3A_79 = arith.addi %scan3A_45, %add3A_78 : i32
      %lt3A_80 = arith.constant 32 : i32
      %lt3A_81 = arith.cmpi slt, %add3A_79, %lt3A_80 : i32
      %convert_element_type3A_82 = arith.extui %lt3A_81 : i1 to i32
      %cond3A_83 = arith.constant 0 : i32
      %cond3A_84 = arith.cmpi ne, %convert_element_type3A_82, %cond3A_83 : i32
      scf.if %cond3A_84 {
        %add3A_108 = arith.constant 1 : i32
        %add3A_109 = arith.addi %scan3A_45, %add3A_108 : i32
        %add3A_110 = arith.addi %mul3A_2, %add3A_109 : i32
        %dma_start3A_111 = arith.constant 1 : i32
        %dma_start3A_112 = arith.constant 256 : i32
        %dma_start3A_113 = arith.constant 0 : i32
        %dma_start3A_114 = tpu.memref_slice %arg2[%add3A_110, %dma_start3A_112, %dma_start3A_113] : memref<1024x1024x64xf32, #tpu.memory_space<hbm>> -> memref<1x256x64xf32, #tpu.memory_space<hbm>>
        %dma_start3A_115 = tpu.memref_squeeze %dma_start3A_114 : memref<1x256x64xf32, #tpu.memory_space<hbm>> -> memref<256x64xf32, #tpu.memory_space<hbm>>
        %dma_start3A_116 = tpu.memref_slice %arg10[%dma_start3A_111] : memref<2x!tpu.dma_semaphore, #tpu.memory_space<semaphore_mem>> -> memref<1x!tpu.dma_semaphore, #tpu.memory_space<semaphore_mem>>
        %dma_start3A_117 = tpu.memref_squeeze %dma_start3A_116 : memref<1x!tpu.dma_semaphore, #tpu.memory_space<semaphore_mem>> -> memref<!tpu.dma_semaphore, #tpu.memory_space<semaphore_mem>>
        %dma_start3A_118 = arith.constant 256 : i32
        %dma_start3A_119 = arith.constant 0 : i32
        %dma_start3A_120 = tpu.memref_slice %arg2[%add3A_110, %dma_start3A_118, %dma_start3A_119] : memref<1024x1024x64xf32, #tpu.memory_space<hbm>> -> memref<1x256x64xf32, #tpu.memory_space<hbm>>
        %dma_start3A_121 = tpu.memref_squeeze %dma_start3A_120 : memref<1x256x64xf32, #tpu.memory_space<hbm>> -> memref<256x64xf32, #tpu.memory_space<hbm>>
        tpu.enqueue_dma source(%dma_start3A_121 : memref<256x64xf32, #tpu.memory_space<hbm>>) target(%arg6 : memref<256x64xf32, #tpu.memory_space<vmem>>) target_semaphore(%dma_start3A_117 : memref<!tpu.dma_semaphore, #tpu.memory_space<semaphore_mem>>)
      } else {
      }
      %broadcast_in_dim3A = arith.constant 0.000000e+00 : f32
      %broadcast_in_dim3A_85 = vector.broadcast %broadcast_in_dim3A : f32 to vector<16xf32>
      %scan3A_86 = arith.constant 0 : i32
      %scan3A_87 = arith.constant 64 : i32
      %scan3A_88 = arith.addi %scan3A_86, %scan3A_87 : i32
      %scan3A_89 = arith.constant 1 : i32
      %scan3A_90 = scf.for %scan3A_108 = %scan3A_86 to %scan3A_88 step %scan3A_89 iter_args(%scan3A_109 = %broadcast_in_dim3A_85) -> (vector<16xf32>)  : i32 {
        %mul3A_110 = arith.constant 16 : i32
        %mul3A_111 = arith.muli %scan3A_108, %mul3A_110 : i32
        %get3A_112 = arith.index_cast %mul3A_111 : i32 to index
        %get3A_113 = tpu.vector_load %arg7[%get3A_112] {strides = array<i32>} : memref<1024xf32, #tpu.memory_space<vmem>>, vector<16xf32>,
        %exp3A = math.exp %get3A_113 : vector<16xf32>
        %mul3A_114 = arith.constant 16 : i32
        %mul3A_115 = arith.muli %scan3A_108, %mul3A_114 : i32
        %swap3A = arith.index_cast %mul3A_115 : i32 to index
        %swap3A_116 = tpu.vector_load %arg7[%swap3A] {strides = array<i32>} : memref<1024xf32, #tpu.memory_space<vmem>>, vector<16xf32>,
        tpu.vector_store %arg7[%swap3A], %exp3A {strides = array<i32>} : memref<1024xf32, #tpu.memory_space<vmem>>, vector<16xf32>,
        %add3A_117 = arith.addf %scan3A_109, %exp3A : vector<16xf32>
        scf.yield %add3A_117 : vector<16xf32>
      }
      %scan3A_91 = arith.constant 64 : i32
      %reduce_sum3A = arith.constant true
      %reduce_sum3A_92 = vector.broadcast %reduce_sum3A : i1 to vector<16xi1>
      %reduce_sum3A_93 = tpu.scan <sum>, %scan3A_90 masked %reduce_sum3A_92 : vector<16xf32>, vector<16xi1> -> vector<16xf32>
      %reduce_sum3A_94 = vector.extract %reduce_sum3A_93[15] : f32 from vector<16xf32>
      %broadcast_in_dim3A_95 = arith.constant 1.000000e+00 : f32
      %broadcast_in_dim3A_96 = vector.broadcast %broadcast_in_dim3A_95 : f32 to vector<16xf32>
      %broadcast_in_dim3A_97 = arith.constant 0.000000e+00 : f32
      %broadcast_in_dim3A_98 = vector.broadcast %broadcast_in_dim3A_97 : f32 to vector<16xf32>
      %add3A_99 = vector.broadcast %reduce_sum3A_94 : f32 to vector<16xf32>
      %add3A_100 = arith.addf %broadcast_in_dim3A_98, %add3A_99 : vector<16xf32>
      %div3A = arith.divf %broadcast_in_dim3A_96, %add3A_100 : vector<16xf32>
      %scan3A_101 = arith.constant 0 : i32
      %scan3A_102 = arith.constant 0 : i32
      %scan3A_103 = arith.constant 64 : i32
      %scan3A_104 = arith.addi %scan3A_102, %scan3A_103 : i32
      %scan3A_105 = arith.constant 1 : i32
      scf.for %scan3A_108 = %scan3A_102 to %scan3A_104 step %scan3A_105  : i32 {
        %mul3A_109 = arith.constant 16 : i32
        %mul3A_110 = arith.muli %scan3A_108, %mul3A_109 : i32
        %get3A_111 = arith.index_cast %mul3A_110 : i32 to index
        %get3A_112 = tpu.vector_load %arg7[%get3A_111] {strides = array<i32>} : memref<1024xf32, #tpu.memory_space<vmem>>, vector<16xf32>,
        %mul3A_113 = arith.mulf %get3A_112, %div3A : vector<16xf32>
        %mul3A_114 = arith.constant 16 : i32
        %mul3A_115 = arith.muli %scan3A_108, %mul3A_114 : i32
        %swap3A = arith.index_cast %mul3A_115 : i32 to index
        %swap3A_116 = tpu.vector_load %arg7[%swap3A] {strides = array<i32>} : memref<1024xf32, #tpu.memory_space<vmem>>, vector<16xf32>,
        tpu.vector_store %arg7[%swap3A], %mul3A_113 {strides = array<i32>} : memref<1024xf32, #tpu.memory_space<vmem>>, vector<16xf32>,
      }
      %scan3A_106 = arith.constant 64 : i32
      %add3A_107 = arith.addi %mul3A_2, %scan3A_45 : i32
      "tpu.region"() ({
        %run_scoped3A = tpu.sem_alloc : memref<!tpu.dma_semaphore, #tpu.memory_space<semaphore_mem>>
        %dma_start3A_108 = arith.constant 0 : i32
        %dma_start3A_109 = tpu.memref_slice %arg4[%add3A_107, %dma_start3A_108] : memref<1024x1024xf32, #tpu.memory_space<hbm>> -> memref<1x1024xf32, #tpu.memory_space<hbm>>
        %dma_start3A_110 = tpu.memref_squeeze %dma_start3A_109 : memref<1x1024xf32, #tpu.memory_space<hbm>> -> memref<1024xf32, #tpu.memory_space<hbm>>
        %dma_start3A_111 = arith.constant 0 : i32
        %dma_start3A_112 = tpu.memref_slice %arg4[%add3A_107, %dma_start3A_111] : memref<1024x1024xf32, #tpu.memory_space<hbm>> -> memref<1x1024xf32, #tpu.memory_space<hbm>>
        %dma_start3A_113 = tpu.memref_squeeze %dma_start3A_112 : memref<1x1024xf32, #tpu.memory_space<hbm>> -> memref<1024xf32, #tpu.memory_space<hbm>>
        tpu.enqueue_dma source(%arg7 : memref<1024xf32, #tpu.memory_space<vmem>>) target(%dma_start3A_113 : memref<1024xf32, #tpu.memory_space<hbm>>) target_semaphore(%run_scoped3A : memref<!tpu.dma_semaphore, #tpu.memory_space<semaphore_mem>>)
        %dma_wait3A_114 = arith.constant 0 : i32
        %dma_wait3A_115 = tpu.memref_slice %arg4[%add3A_107, %dma_wait3A_114] : memref<1024x1024xf32, #tpu.memory_space<hbm>> -> memref<1x1024xf32, #tpu.memory_space<hbm>>
        %dma_wait3A_116 = tpu.memref_squeeze %dma_wait3A_115 : memref<1x1024xf32, #tpu.memory_space<hbm>> -> memref<1024xf32, #tpu.memory_space<hbm>>
        %dma_wait3A_117 = arith.constant 0 : i32
        %dma_wait3A_118 = tpu.memref_slice %arg4[%add3A_107, %dma_wait3A_117] : memref<1024x1024xf32, #tpu.memory_space<hbm>> -> memref<1x1024xf32, #tpu.memory_space<hbm>>
        %dma_wait3A_119 = tpu.memref_squeeze %dma_wait3A_118 : memref<1x1024xf32, #tpu.memory_space<hbm>> -> memref<1024xf32, #tpu.memory_space<hbm>>
        tpu.wait_dma2 semaphore(%run_scoped3A : memref<!tpu.dma_semaphore, #tpu.memory_space<semaphore_mem>>) src(%arg7 : memref<1024xf32, #tpu.memory_space<vmem>>) dst(%dma_wait3A_119 : memref<1024xf32, #tpu.memory_space<hbm>>)
        tpu.yield
      }) : () -> ()
    }
    %scan3A_44 = arith.constant 32 : i32
    return
  }
}

#map = affine_map<(d0, d1) -> (0, 0)>
#map1 = affine_map<(d0, d1) -> (0)>
module attributes {stable_mosaic.version = 14 : i64} {
  func.func @gather(%arg0: i32, %arg1: i32, %arg2: memref<1024x1024xf32, #tpu.memory_space<hbm>>, %arg3: memref<1024xi32, #tpu.memory_space<hbm>>, %arg4: memref<1024x1024xf32, #tpu.memory_space<hbm>>, %arg5: memref<32xi32, #tpu.memory_space<vmem>>, %arg6: memref<32x1024xf32, #tpu.memory_space<vmem>>, %arg7: memref<!tpu.dma_semaphore, #tpu.memory_space<semaphore_mem>>) attributes {dimension_semantics = [#tpu.dimension_semantics<core_parallel>, #tpu.dimension_semantics<subcore_parallel>], iteration_bounds = array<i64: 2, 16>, scalar_prefetch = 0 : i64, scratch_operands = 3 : i64, tpu.core_type = #tpu.core_type<sc_vector_subcore>, window_params = [{transform_indices = #map}, {transform_indices = #map1}, {transform_indices = #map}]} {
    %mul3A = arith.constant 2 : i32
    %mul3A_0 = arith.muli %arg1, %mul3A : i32
    %add3A = arith.addi %mul3A_0, %arg0 : i32
    %mul3A_1 = arith.constant 32 : i32
    %mul3A_2 = arith.muli %add3A, %mul3A_1 : i32
    "tpu.region"() ({
      %run_scoped3A = tpu.sem_alloc : memref<!tpu.dma_semaphore, #tpu.memory_space<semaphore_mem>>
      %dma_start3A_7 = tpu.memref_slice %arg3[%mul3A_2] : memref<1024xi32, #tpu.memory_space<hbm>> -> memref<32xi32, #tpu.memory_space<hbm>>
      %dma_start3A_8 = tpu.memref_slice %arg3[%mul3A_2] : memref<1024xi32, #tpu.memory_space<hbm>> -> memref<32xi32, #tpu.memory_space<hbm>>
      tpu.enqueue_dma source(%dma_start3A_8 : memref<32xi32, #tpu.memory_space<hbm>>) target(%arg5 : memref<32xi32, #tpu.memory_space<vmem>>) target_semaphore(%run_scoped3A : memref<!tpu.dma_semaphore, #tpu.memory_space<semaphore_mem>>)
      %dma_wait3A_9 = tpu.memref_slice %arg3[%mul3A_2] : memref<1024xi32, #tpu.memory_space<hbm>> -> memref<32xi32, #tpu.memory_space<hbm>>
      %dma_wait3A_10 = tpu.memref_slice %arg3[%mul3A_2] : memref<1024xi32, #tpu.memory_space<hbm>> -> memref<32xi32, #tpu.memory_space<hbm>>
      tpu.wait_dma2 semaphore(%run_scoped3A : memref<!tpu.dma_semaphore, #tpu.memory_space<semaphore_mem>>) src(%dma_wait3A_10 : memref<32xi32, #tpu.memory_space<hbm>>) dst(%arg5 : memref<32xi32, #tpu.memory_space<vmem>>)
      tpu.yield
    }) : () -> ()
    %dma_start3A = arith.constant 0 : i32
    %dma_start3A_3 = arith.constant 0 : i32
    %dma_start3A_4 = tpu.memref_slice %arg2[%dma_start3A, %dma_start3A_3] : memref<1024x1024xf32, #tpu.memory_space<hbm>> -> memref<1024x1024xf32, #tpu.memory_space<hbm>>
    tpu.enqueue_indirect_dma source(%dma_start3A_4 : memref<1024x1024xf32, #tpu.memory_space<hbm>>) target(%arg6 : memref<32x1024xf32, #tpu.memory_space<vmem>>) offsets(%arg5 : memref<32xi32, #tpu.memory_space<vmem>>) semaphore(%arg7 : memref<!tpu.dma_semaphore, #tpu.memory_space<semaphore_mem>>)
    %dma_wait3A = arith.constant 0 : i32
    %dma_wait3A_5 = arith.constant 0 : i32
    %dma_wait3A_6 = tpu.memref_slice %arg2[%dma_wait3A, %dma_wait3A_5] : memref<1024x1024xf32, #tpu.memory_space<hbm>> -> memref<1024x1024xf32, #tpu.memory_space<hbm>>
    tpu.wait_indirect_dma semaphore(%arg7 : memref<!tpu.dma_semaphore, #tpu.memory_space<semaphore_mem>>) src(%dma_wait3A_6 : memref<1024x1024xf32, #tpu.memory_space<hbm>>) dst(%arg6 : memref<32x1024xf32, #tpu.memory_space<vmem>>)
    "tpu.region"() ({
      %run_scoped3A = tpu.sem_alloc : memref<!tpu.dma_semaphore, #tpu.memory_space<semaphore_mem>>
      %dma_start3A_7 = arith.constant 0 : i32
      %dma_start3A_8 = tpu.memref_slice %arg4[%mul3A_2, %dma_start3A_7] : memref<1024x1024xf32, #tpu.memory_space<hbm>> -> memref<32x1024xf32, #tpu.memory_space<hbm>>
      %dma_start3A_9 = arith.constant 0 : i32
      %dma_start3A_10 = tpu.memref_slice %arg4[%mul3A_2, %dma_start3A_9] : memref<1024x1024xf32, #tpu.memory_space<hbm>> -> memref<32x1024xf32, #tpu.memory_space<hbm>>
      tpu.enqueue_dma source(%arg6 : memref<32x1024xf32, #tpu.memory_space<vmem>>) target(%dma_start3A_10 : memref<32x1024xf32, #tpu.memory_space<hbm>>) target_semaphore(%run_scoped3A : memref<!tpu.dma_semaphore, #tpu.memory_space<semaphore_mem>>)
      %dma_wait3A_11 = arith.constant 0 : i32
      %dma_wait3A_12 = tpu.memref_slice %arg4[%mul3A_2, %dma_wait3A_11] : memref<1024x1024xf32, #tpu.memory_space<hbm>> -> memref<32x1024xf32, #tpu.memory_space<hbm>>
      %dma_wait3A_13 = arith.constant 0 : i32
      %dma_wait3A_14 = tpu.memref_slice %arg4[%mul3A_2, %dma_wait3A_13] : memref<1024x1024xf32, #tpu.memory_space<hbm>> -> memref<32x1024xf32, #tpu.memory_space<hbm>>
      tpu.wait_dma2 semaphore(%run_scoped3A : memref<!tpu.dma_semaphore, #tpu.memory_space<semaphore_mem>>) src(%arg6 : memref<32x1024xf32, #tpu.memory_space<vmem>>) dst(%dma_wait3A_14 : memref<32x1024xf32, #tpu.memory_space<hbm>>)
      tpu.yield
    }) : () -> ()
    return
  }
}

</mosaic_0001>

<sc_bundles>
// kernel: kernel.4.cloned.1.call-start
scs
__scs_entry_jumppad:
0x0: {  	(pc) =	sbr.rel $0x88, $3  }
0x1: {  	(tag) =	ssettag $0x0;
	lr =	simm.s32 $0x1  }
0x2: {  	[smem:$0x3F9E] =	sst lr;
	_ =	strace $0xD0000000  }
0x3: {  	_ = 	snop  }
0x4: {  	_ = 	snop  }
0x5: {  	_ = 	snop  }
0x6: {  	_ = 	snop  }
0x7: {  	_ = 	snop  }
__scs_overlays_trampoline_lowered:
0x8: {  	[smem:$0x3FAD] =	sst s0  }
0x9: {  	[smem:$0x3FAE] =	sst s1  }
0xa: {  	[smem:$0x3FAF] =	sst s2  }
0xb: {  	[smem:$0x3FB0] =	sst s3  }
0xc: {  	[smem:$0x3FB1] =	sst s4  }
0xd: {  	[smem:$0x3FB2] =	sst s5  }
0xe: {  	[smem:$0x3FB3] =	sst s6  }
0xf: {  	[smem:$0x3FB4] =	sst s7  }
0x10: {  	[smem:$0x3FB5] =	sst s8  }
0x11: {  	[smem:$0x3FB6] =	sst s9;
	s0 =	simm.s32 @!p0 $0x0  }
0x12: {  	s1 =	sld [smem:$0x3F9C];
	s0 =	simm.s32 @p0 $0x1  }
0x13: {  	[smem:$0x3FB7] =	sst s0;
	s0 =	simm.s32 @!p1 $0x0  }
0x14: {  	s2 =	sld [smem:$0x3F9B];
	s0 =	simm.s32 @p1 $0x1  }
0x15: {  	[smem:$0x3FB8] =	sst s0;
	s0 =	simm.s32 @!p2 $0x0  }
0x16: {  	s3 =	sld [smem:$0x3FDB];
	s0 =	simm.s32 @p2 $0x1  }
0x17: {  	s4 =	simm.s32 $0x1BF5;
	[smem:$0x3FBA] =	sst s0  }
0x18: {  	s0 =	sld [smem:$0x3F9D];
	_ =	swait.ge [sflag:s4], $0x0  }
0x19: {  	s7 =	sld [smem:$0x3F9E]  }
0x1a: {  	s8 =	sadd.s32 $0xFFFFE003, lr  }
0x1b: {  	s9 =	sadd.s32 $0xFFFFFEF7, lr;
	s5 =	simm.s32 $0xFFFFFFFF;
	p2 =	slt.u32 s8, $0xFFFFF086  }
0x1c: {  	p1 =	slt.u32 s9, $0xF7A;
	s5 =	simm.s32 @!p2 $0x0  }
0x1d: {  	s5 =	simm.s32 @p1 $0x1;
	p0 =	seq.s32 s7, s2  }
0x1e: {  	s7 =	smul.u32 @!p0 $0xF7A, s2;
	p2 =	seq.s32 @!p0 s5, $0x0  }
0x1f: {  	s9 =	smul.u32 $0xF7A, s1;
	s8 =	simm.s32 @!p0 $0x1BF5;
	p2 =	por !p2, p0  }
0x20: {  	[sflag:s8] =	ssyncset.s32 @!p0 $0xFFFFF086;
	s6 =	sadd.s32 @!p0 s3, s7;
	s7 =	simm.s32 @!p0 $0x108  }
0x21: {  	s3 =	sadd.s32 s3, s9;
	s6 =	sadd.s32 @!p0 $0x88, s6;
	s7 =	simm.s32 @p2 $0x1082  }
0x22: {  	[simem:s7], [sflag:s8] =	dma.local @!p0 [hbm:s6], $0xF7A  }
0x23: {  	s9 =	sor.u32 $0xD0000000, s2;
	s6 =	simm.s32 $0x108;
	_ =	swait.ge @!p0 [sflag:s8], $0x0  }
0x24: {  	s3 =	sadd.s32 $0x88, s3;
	s6 =	simm.s32 @!p1 $0x1082;
	[sflag:s4] =	ssyncset.s32 $0xFFFFF086  }
0x25: {  	[simem:s6], [sflag:s4] =	dma.local [hbm:s3], $0xF7A  }
0x26: {  	[smem:$0x3F9E] =	sst s1;
	(tag) =	ssettag s2;
	_ =	strace s9  }
0x27: {  	s1 =	sld [smem:$0x3FAE]  }
0x28: {  	s2 =	sld [smem:$0x3FAF]  }
0x29: {  	s4 =	sld [smem:$0x3FB1]  }
0x2a: {  	p0 =	seq.s32 s5, $0x0;
	s5 =	sld [smem:$0x3FB2]  }
0x2b: {  	s6 =	sld [smem:$0x3FB3]  }
0x2c: {  	s7 =	sld [smem:$0x3FB4]  }
0x2d: {  	s3 =	simm.s32 $0x108;
	s8 =	sld [smem:$0x3FB5]  }
0x2e: {  	s3 =	simm.s32 @!p0 $0x1082;
	s9 =	sld [smem:$0x3FB6]  }
0x2f: {  	lr =	sadd.s32 s0, s3;
	s0 =	sld [smem:$0x3FAD]  }
0x30: {  	s3 =	sld [smem:$0x3FB0]  }
0x31: {  	[smem:$0x3FB9] =	sst s10  }
0x32: {  	s10 =	sld [smem:$0x3FB7];
	_ =	sdelay $0x3  }
0x33: {  	p0 =	seq.s32 s10, $0x1;
	s10 =	sld [smem:$0x3FB9];
	_ =	sdelay $0x3  }
0x34: {  	[smem:$0x3FB9] =	sst s10  }
0x35: {  	s10 =	sld [smem:$0x3FB8];
	_ =	sdelay $0x3  }
0x36: {  	p1 =	seq.s32 s10, $0x1;
	s10 =	sld [smem:$0x3FB9];
	_ =	sdelay $0x3  }
0x37: {  	[smem:$0x3FB9] =	sst s10  }
0x38: {  	s10 =	sld [smem:$0x3FBA]  }
0x39: {  	_ = 	snop;
	(pc) =	sbr.ind lr, $3  }
0x3a: {  	_ = 	snop  }
0x3b: {  	_ = 	snop  }
0x3c: {  	p2 =	seq.s32 s10, $0x1;
	s10 =	sld [smem:$0x3FB9]  }
0x3d: {  	_ =	shalt  }
0x3e: {  	_ =	shalt  }
0x3f: {  	_ =	shalt  }
0x40: {  	_ =	shalt  }
0x41: {  	_ =	shalt  }
0x42: {  	_ =	shalt  }
0x43: {  	_ =	shalt  }
0x44: {  	_ =	shalt  }
0x45: {  	_ =	shalt  }
0x46: {  	_ =	shalt  }
0x47: {  	_ =	shalt  }
0x48: {  	_ =	shalt  }
0x49: {  	_ =	shalt  }
0x4a: {  	_ =	shalt  }
0x4b: {  	_ =	shalt  }
0x4c: {  	_ =	shalt  }
0x4d: {  	_ =	shalt  }
0x4e: {  	_ =	shalt  }
0x4f: {  	_ =	shalt  }
0x50: {  	_ =	shalt  }
0x51: {  	_ =	shalt  }
0x52: {  	_ =	shalt  }
0x53: {  	_ =	shalt  }
0x54: {  	_ =	shalt  }
0x55: {  	_ =	shalt  }
0x56: {  	_ =	shalt  }
0x57: {  	_ =	shalt  }
0x58: {  	_ =	shalt  }
0x59: {  	_ =	shalt  }
0x5a: {  	_ =	shalt  }
0x5b: {  	_ =	shalt  }
0x5c: {  	_ =	shalt  }
0x5d: {  	_ =	shalt  }
0x5e: {  	_ =	shalt  }
0x5f: {  	_ =	shalt  }
0x60: {  	_ =	shalt  }
0x61: {  	_ =	shalt  }
0x62: {  	_ =	shalt  }
0x63: {  	_ =	shalt  }
0x64: {  	_ =	shalt  }
0x65: {  	_ =	shalt  }
0x66: {  	_ =	shalt  }
0x67: {  	_ =	shalt  }
0x68: {  	_ =	shalt  }
0x69: {  	_ =	shalt  }
0x6a: {  	_ =	shalt  }
0x6b: {  	_ =	shalt  }
0x6c: {  	_ =	shalt  }
0x6d: {  	_ =	shalt  }
0x6e: {  	_ =	shalt  }
0x6f: {  	_ =	shalt  }
0x70: {  	_ =	shalt  }
0x71: {  	_ =	shalt  }
0x72: {  	_ =	shalt  }
0x73: {  	_ =	shalt  }
0x74: {  	_ =	shalt  }
0x75: {  	_ =	shalt  }
0x76: {  	_ =	shalt  }
0x77: {  	_ =	shalt  }
0x78: {  	_ =	shalt  }
0x79: {  	_ =	shalt  }
0x7a: {  	_ =	shalt  }
0x7b: {  	_ =	shalt  }
0x7c: {  	_ =	shalt  }
0x7d: {  	_ =	shalt  }
0x7e: {  	_ =	shalt  }
0x7f: {  	_ =	shalt  }
0x80: {  	_ =	shalt  }
0x81: {  	_ =	shalt  }
0x82: {  	_ =	shalt  }
0x83: {  	_ =	shalt  }
0x84: {  	_ =	shalt  }
0x85: {  	_ =	shalt  }
0x86: {  	_ =	shalt  }
0x87: {  	_ =	shalt  }
.Lfunc_end0:
.L_simem_size_0:
called_computation_lowered:
.L_overlay_start_0:
0x88: {  	s2 =	sld [smem:$0x3FD9]  }
0x89: {  	s3 =	sld [smem:$0x3FFE];
	_ =	sdelay $0x1  }
0x8a: {  	s1 =	srdreg.scid  }
0x8b: {  	s0 =	sand.u32 $0x1, s1  }
0x8c: {  	s17 =	sshll.u32 s0, $0xA;
	s2 =	sadd.s32 s3, s2  }
0x8d: {  	s2 =	sadd.s32 s2, s17  }
0x8e: {  	[smem:$0x3FC5] =	sst s2  }
0x8f: {  	_ = 	snop  }
0x90: {  	s2 =	sld [smem:$0x3FC8];
	(tm) =	ssettm $0x1  }
0x91: {  	s18 =	sld [smem:$0x3FFB];
	_ =	sdelay $0x3  }
0x92: {  	_ =	strace s18  }
0x93: {  	s3 =	sld [smem:$0x3FFC];
	_ =	sdelay $0x3  }
0x94: {  	_ =	strace s3  }
0x95: {  	s3 =	sld [smem:$0x3FFD];
	_ =	sdelay $0x3  }
0x96: {  	_ =	strace s3  }
0x97: {  	_ =	strace $0x8FFFFFFF  }
0x98: {  	s19 =	sld [smem:$0x3FDB];
	_ =	sdelay $0x1  }
0x99: {  	s4 =	simm.s32 $_scs_section_size  }
0x9a: {  	s5 =	simm.s32 $_size__tile_overlayer_lowered;
	s6 =	simm.s32 $_tile_overlayer_lowered  }
0x9b: {  	s22 =	simm.s32 $0x1BFF;
	s21 =	sshll.u32 s6, $0x1;
	s3 =	sadd.s32 s4, s19  }
0x9c: {  	s7 =	simm.s32 $0x0;
	s20 =	sshll.u32 s5, $0x1;
	s5 =	sadd.s32 s21, s3  }
0x9d: {  	[timem:s7], [sflag:s22] =	dma.local [hbm:s5], s20  }
0x9e: {  	_ =	swait.ge [sflag:s22], s20  }
0x9f: {  	s4 =	ssub.s32 $0x0, s20;
	[sflag:s22] =	ssyncset.done $0x0  }
0xa0: {  	[sflag:s22] =	ssyncadd.s32 s4;
	_ =	sdelay $0x1  }
0xa1: {  	s23 =	simm.s32 $0x1B8B  }
0xa2: {  	_ =	swait.ge [sflag:s23], $0x1  }
0xa3: {  	[sflag:s23] =	ssyncset.done $0x0  }
0xa4: {  	s25 =	simm.s32 $0x1B8E;
	s24 =	sld [smem:$0x3FFE];
	[sflag:s23] =	ssyncadd.s32 $0xFFFFFFFF  }
0xa5: {  	s26 =	simm.s32 $execute0_lowered;
	[smem:$0x3FD2] =	sst s25  }
0xa6: {  	s5 =	sshll.u32 s26, $0x1;
	_ =	strace $0x80000046;
	[dreg:$0x1] =	wrdreg $0xFFFFFFFF  }
0xa7: {  	s28 =	simm.s32 $_size_execute0_lowered;
	s3 =	sadd.s32 s3, s5;
	[dreg:$0x0] =	wrdreg $0x0  }
0xa8: {  	s5 =	sshll.u32 s28, $0x1;
	[dreg:$0x2] =	wrdreg s3  }
0xa9: {  	[dreg:$0x3] =	wrdreg s5  }
0xaa: {  	[dreg:$0x4] =	wrdreg $0xC0  }
0xab: {  	_ =	task [dreg:s7], $0x5FFFF  }
0xac: {  	[dreg:$0x1] =	wrdreg $0xFFFFFFFF  }
0xad: {  	[dreg:$0x0] =	wrdreg $0x60  }
0xae: {  	[dreg:$0x2] =	wrdreg s24  }
0xaf: {  	[dreg:$0x3] =	wrdreg s2  }
0xb0: {  	[dreg:$0x4] =	wrdreg $0x9  }
0xb1: {  	_ =	task.clear_ibuf [dreg:s7], $0x5FFFF;
	_ =	strace $0x90000046  }
0xb2: {  	s29 =	simm.s32 $0x9;
	_ =	strace $0x80000048  }
0xb3: {  	_ =	swait.ge [sflag:s29], $0x1  }
0xb4: {  	[sflag:s29] =	ssyncadd.s32 $0xFFFFFFFF  }
0xb5: {  	_ =	strace $0x90000048  }
0xb6: {  	_ =	sfence  }
0xb7: {  	s30 =	sld [smem:$0x0];
	_ =	sdelay $0x2  }
0xb8: {  	s31 =	sshll.u32 s1, $0xD;
	s1 =	sshrl.u32 s1, $0x2  }
0xb9: {  	s3 =	sand.u32 $0x4000, s31;
	s1 =	sadd.s32 s1, s30  }
0xba: {  	s0 =	sor.u32 s3, s0;
	s1 =	sshll.u32 s1, $0x11  }
0xbb: {  	s0 =	sor.u32 s1, s0  }
0xbc: {  	s0 =	sadd.s32 $0x8F2B, s0  }
0xbd: {  	[sflag:s0] =	ssyncadd.remote.s32 $0x1  }
0xbe: {  	_ =	sfence.sel $0xFFFF  }
0xbf: {  	[dreg:$0x0] =	wrdreg $0xFFFFFFFF;
	(pc) =	sbr.abs _section_cstart, $3  }
0xc0: {  	[dreg:$0x1] =	wrdreg $0xFFFFFFFF  }
0xc1: {  	_ =	task.clear_ibuf [dreg:s7], $0x2FFFF;
	_ =	strace $0x9FFFFFFF  }
0xc2: {  	(tm) =	ssettm $0x7FFFFFFF  }
0xc3: {  	_ =	shalt  }
tec
execute0_lowered:
.L_overlay_start_1:
0x0: {  	(tag) =	ssettag $0x1  }
0x1: {  	s0 =	rddreg [dreg:$0x0];
	s3 =	simm.s32 $0x0  }
0x2: {  	s1 =	srdreg.scid;
	s2 =	stileid.u32;
	s12 =	simm.s32 $0x3  }
0x3: {  	s14 =	simm.s32 $0x1;
	s15 =	simm.s32 $0x10480;
	s16 =	simm.s32 $0x2  }
0x4: {  	s17 =	simm.s32 $0x80;
	s18 =	simm.s32 $0x400;
	s19 =	simm.s32 $0x10000  }
0x5: {  	s20 =	simm.s32 $0x0;
	[smem:$0x7FF] =	sst s3;
	s1 =	sand.u32 $0x1, s1  }
0x6: {  	s2 =	sshll.u32 s2, $0x6;
	s4 =	sadd.s32 $0x800, s0;
	s5 =	sshll.u32 s1, $0x5  }
0x7: {  	s6 =	sadd.s32 $0x1000800, s0;
	s1 =	ssub.s32 $0x2, s1;
	s5 =	sor.u32 s5, s2  }
0x8: {  	s8 =	sadd.s32 $0x1800, s0;
	s30 =	sshrl.u32 s1, $0x1;
	s7 =	sshll.u32 s5, $0xE  }
0x9: {  	v0 =	vlaneseq.u32;
	_ =	strace $0x80000047;
	s1 =	ssub.s32 s1, s30;
	s31 =	sadd.s32 s4, s7  }
0xa: {  	v0 =	vmul.u32 $0x10, v0;
	s9 =	sadd.s32 s7, s8;
	s10 =	smax.u32 s1, $0x1;
	[dreg:$0x3] =	wrdreg s31  }
.LBB2_1:
0xb: {  	s0 =	rddreg [dreg:$0x1];
	s1 =	simm.s32 $0x10400  }
0xc: {  	[tilespmem:s1], [sflag:$0x3] =	stream.linear.gather [hbm4b:s0+s3], $0x80, $0x38;
	[tilespmem:$0x11480] =	vst v63  }
0xd: {  	_ =	swait.ge [sflag:s12], $0x80  }
0xe: {  	[sflag:s12] =	ssyncset.done $0x0  }
0xf: {  	[sflag:s12] =	ssyncadd.s32 $0xFFFFFF80  }
0x10: {  	v1 =	vld [tilespmem:$0x10400]  }
0x11: {  	v2 =	vld [tilespmem:$0x10410]  }
0x12: {  	s30 =	rddreg [dreg:$0x3];
	v3 =	vld [tilespmem:$0x10420]  }
0x13: {  	v4 =	vld [tilespmem:$0x10430];
	[tilespmem:s3], [sflag:$0x1] =	stream.linear.gather [hbm4b:s30+s3], $0x8000, $0x38  }
0x14: {  	s31 =	simm.s32 $0x8000;
	s21 =	simm.s32 $0x0  }
0x15: {  	[tilespmem:s31], [sflag:$0x2] =	stream.linear.gather [hbm4b:s9+s3], $0x8000, $0x38;
	[tilespmem:$0x11480] =	vst v63  }
.LBB2_2:
0x16: {  	_ =	swait.ge [sflag:s14], $0x8000  }
0x17: {  	[sflag:s14] =	ssyncset.done $0x0  }
0x18: {  	s22 =	simm.s32 $0x0;
	[sflag:s14] =	ssyncadd.s32 $0xFFFF8000  }
.LBB2_3:
0x19: {  	s0 =	sshll.u32 s22, $0xB  }
0x1a: {  	s13 =	sand.u32 $0x3FFFF800, s0  }
0x1b: {  	v5 =	vld [tilespmem:s13+$0x0]  }
0x1c: {  	v6 =	vld [tilespmem:s13+$0x10];
	_ =	sdelay $0x1  }
0x1d: {  	v7 =	vld [tilespmem:s13+$0x20];
	_ =	sdelay $0x1  }
0x1e: {  	v8 =	vld [tilespmem:s13+$0x30]  }
0x1f: {  	v5 =	vmul.f32 v5, v1;
	v6 =	vmul.f32 v6, v2;
	_ =	sdelay $0x1  }
0x20: {  	v5 =	vadd.f32 v6, v5;
	v6 =	vmul.f32 v7, v3;
	_ =	sdelay $0x1  }
0x21: {  	v5 =	vadd.f32 v6, v5;
	v6 =	vmul.f32 v8, v4;
	_ =	sdelay $0x1  }
0x22: {  	v5 =	vadd.f32 v6, v5  }
0x23: {  	s28 =	sshll.u32 s22, $0x8  }
0x24: {  	[tilespmem:s28+$0x10480] =	vst v5  }
0x25: {  	v5 =	vld [tilespmem:s13+$0x80]  }
0x26: {  	v6 =	vld [tilespmem:s13+$0x90];
	_ =	sdelay $0x1  }
0x27: {  	v7 =	vld [tilespmem:s13+$0xA0];
	_ =	sdelay $0x1  }
0x28: {  	v15 =	vld [tilespmem:s13+$0xB0]  }
0x29: {  	v5 =	vmul.f32 v5, v1;
	v6 =	vmul.f32 v6, v2;
	_ =	sdelay $0x1  }
0x2a: {  	v5 =	vadd.f32 v6, v5;
	v6 =	vmul.f32 v7, v3;
	_ =	sdelay $0x1  }
0x2b: {  	v5 =	vadd.f32 v6, v5;
	v6 =	vmul.f32 v15, v4;
	_ =	sdelay $0x1  }
0x2c: {  	v5 =	vadd.f32 v6, v5;
	_ =	sdelay $0x1  }
0x2d: {  	[tilespmem:s28+$0x10490] =	vst v5  }
0x2e: {  	v5 =	vld [tilespmem:s13+$0x100]  }
0x2f: {  	v6 =	vld [tilespmem:s13+$0x110];
	_ =	sdelay $0x1  }
0x30: {  	v7 =	vld [tilespmem:s13+$0x120];
	_ =	sdelay $0x1  }
0x31: {  	v16 =	vld [tilespmem:s13+$0x130]  }
0x32: {  	v5 =	vmul.f32 v5, v1;
	v6 =	vmul.f32 v6, v2;
	_ =	sdelay $0x1  }
0x33: {  	v5 =	vadd.f32 v6, v5;
	v6 =	vmul.f32 v7, v3;
	_ =	sdelay $0x1  }
0x34: {  	v5 =	vadd.f32 v6, v5;
	v6 =	vmul.f32 v16, v4;
	_ =	sdelay $0x1  }
0x35: {  	v5 =	vadd.f32 v6, v5;
	_ =	sdelay $0x1  }
0x36: {  	[tilespmem:s28+$0x104A0] =	vst v5  }
0x37: {  	v5 =	vld [tilespmem:s13+$0x180]  }
0x38: {  	v6 =	vld [tilespmem:s13+$0x190];
	_ =	sdelay $0x1  }
0x39: {  	v7 =	vld [tilespmem:s13+$0x1A0];
	_ =	sdelay $0x1  }
0x3a: {  	v17 =	vld [tilespmem:s13+$0x1B0]  }
0x3b: {  	v5 =	vmul.f32 v5, v1;
	v6 =	vmul.f32 v6, v2;
	_ =	sdelay $0x1  }
0x3c: {  	v5 =	vadd.f32 v6, v5;
	v6 =	vmul.f32 v7, v3;
	_ =	sdelay $0x1  }
0x3d: {  	v5 =	vadd.f32 v6, v5;
	v6 =	vmul.f32 v17, v4;
	_ =	sdelay $0x1  }
0x3e: {  	v5 =	vadd.f32 v6, v5;
	_ =	sdelay $0x1  }
0x3f: {  	[tilespmem:s28+$0x104B0] =	vst v5  }
0x40: {  	v5 =	vld [tilespmem:s13+$0x200]  }
0x41: {  	v6 =	vld [tilespmem:s13+$0x210];
	_ =	sdelay $0x1  }
0x42: {  	v7 =	vld [tilespmem:s13+$0x220];
	_ =	sdelay $0x1  }
0x43: {  	v18 =	vld [tilespmem:s13+$0x230]  }
0x44: {  	v5 =	vmul.f32 v5, v1;
	v6 =	vmul.f32 v6, v2;
	_ =	sdelay $0x1  }
0x45: {  	v5 =	vadd.f32 v6, v5;
	v6 =	vmul.f32 v7, v3;
	_ =	sdelay $0x1  }
0x46: {  	v5 =	vadd.f32 v6, v5;
	v6 =	vmul.f32 v18, v4;
	_ =	sdelay $0x1  }
0x47: {  	v5 =	vadd.f32 v6, v5;
	_ =	sdelay $0x1  }
0x48: {  	[tilespmem:s28+$0x104C0] =	vst v5  }
0x49: {  	v5 =	vld [tilespmem:s13+$0x280]  }
0x4a: {  	v6 =	vld [tilespmem:s13+$0x290];
	_ =	sdelay $0x1  }
0x4b: {  	v7 =	vld [tilespmem:s13+$0x2A0];
	_ =	sdelay $0x1  }
0x4c: {  	v19 =	vld [tilespmem:s13+$0x2B0]  }
0x4d: {  	v5 =	vmul.f32 v5, v1;
	v6 =	vmul.f32 v6, v2;
	_ =	sdelay $0x1  }
0x4e: {  	v5 =	vadd.f32 v6, v5;
	v6 =	vmul.f32 v7, v3;
	_ =	sdelay $0x1  }
0x4f: {  	v5 =	vadd.f32 v6, v5;
	v6 =	vmul.f32 v19, v4;
	_ =	sdelay $0x1  }
0x50: {  	v5 =	vadd.f32 v6, v5;
	_ =	sdelay $0x1  }
0x51: {  	[tilespmem:s28+$0x104D0] =	vst v5  }
0x52: {  	v5 =	vld [tilespmem:s13+$0x300]  }
0x53: {  	v6 =	vld [tilespmem:s13+$0x310];
	_ =	sdelay $0x1  }
0x54: {  	v7 =	vld [tilespmem:s13+$0x320];
	_ =	sdelay $0x1  }
0x55: {  	v20 =	vld [tilespmem:s13+$0x330]  }
0x56: {  	v5 =	vmul.f32 v5, v1;
	v6 =	vmul.f32 v6, v2;
	_ =	sdelay $0x1  }
0x57: {  	v5 =	vadd.f32 v6, v5;
	v6 =	vmul.f32 v7, v3;
	_ =	sdelay $0x1  }
0x58: {  	v5 =	vadd.f32 v6, v5;
	v6 =	vmul.f32 v20, v4;
	_ =	sdelay $0x1  }
0x59: {  	v5 =	vadd.f32 v6, v5;
	_ =	sdelay $0x1  }
0x5a: {  	[tilespmem:s28+$0x104E0] =	vst v5  }
0x5b: {  	v5 =	vld [tilespmem:s13+$0x380]  }
0x5c: {  	v6 =	vld [tilespmem:s13+$0x390];
	_ =	sdelay $0x1  }
0x5d: {  	v7 =	vld [tilespmem:s13+$0x3A0];
	_ =	sdelay $0x1  }
0x5e: {  	v21 =	vld [tilespmem:s13+$0x3B0]  }
0x5f: {  	v5 =	vmul.f32 v5, v1;
	v6 =	vmul.f32 v6, v2;
	_ =	sdelay $0x1  }
0x60: {  	v5 =	vadd.f32 v6, v5;
	v6 =	vmul.f32 v7, v3;
	_ =	sdelay $0x1  }
0x61: {  	v5 =	vadd.f32 v6, v5;
	v6 =	vmul.f32 v21, v4;
	_ =	sdelay $0x1  }
0x62: {  	v5 =	vadd.f32 v6, v5;
	_ =	sdelay $0x1  }
0x63: {  	s23 =	sor.u32 $0x1, s22;
	[tilespmem:s28+$0x104F0] =	vst v5  }
0x64: {  	s29 =	sshll.u32 s23, $0xB;
	v5 =	vld [tilespmem:s13+$0x400]  }
0x65: {  	s11 =	sand.u32 $0x3FFFF800, s29;
	v6 =	vld [tilespmem:s13+$0x410]  }
0x66: {  	v9 =	vld [tilespmem:s11+$0x0]  }
0x67: {  	v7 =	vld [tilespmem:s13+$0x420]  }
0x68: {  	v10 =	vld [tilespmem:s11+$0x10]  }
0x69: {  	v22 =	vld [tilespmem:s13+$0x430]  }
0x6a: {  	v5 =	vmul.f32 v5, v1;
	v6 =	vmul.f32 v6, v2  }
0x6b: {  	v11 =	vld [tilespmem:s11+$0x20]  }
0x6c: {  	v5 =	vadd.f32 v6, v5;
	v6 =	vmul.f32 v7, v3  }
0x6d: {  	v23 =	vld [tilespmem:s11+$0x30];
	v24 =	vmul.f32 v10, v2  }
0x6e: {  	v7 =	vmul.f32 v22, v4;
	v5 =	vadd.f32 v6, v5;
	v6 =	vmul.f32 v9, v1;
	_ =	sdelay $0x1  }
0x6f: {  	v5 =	vadd.f32 v7, v5;
	v6 =	vadd.f32 v24, v6;
	v7 =	vmul.f32 v11, v3;
	_ =	sdelay $0x1  }
0x70: {  	[tilespmem:s28+$0x10500] =	vst v5;
	v5 =	vadd.f32 v7, v6;
	v6 =	vmul.f32 v23, v4  }
0x71: {  	v7 =	vld [tilespmem:s13+$0x480]  }
0x72: {  	v25 =	vld [tilespmem:s13+$0x490];
	v5 =	vadd.f32 v6, v5  }
0x73: {  	s0 =	sshll.u32 s23, $0x8;
	v26 =	vld [tilespmem:s13+$0x4B0]  }
0x74: {  	v6 =	vld [tilespmem:s13+$0x4A0];
	[tilespmem:s0+$0x10480] =	vst v5  }
0x75: {  	v5 =	vld [tilespmem:s11+$0x80]  }
0x76: {  	v27 =	vld [tilespmem:s11+$0x90]  }
0x77: {  	v7 =	vmul.f32 v7, v1;
	v8 =	vmul.f32 v25, v2  }
0x78: {  	v28 =	vld [tilespmem:s11+$0xA0]  }
0x79: {  	v6 =	vmul.f32 v6, v3;
	v7 =	vadd.f32 v8, v7  }
0x7a: {  	v30 =	vld [tilespmem:s11+$0xB0];
	v29 =	vmul.f32 v26, v4  }
0x7b: {  	v6 =	vadd.f32 v6, v7;
	v5 =	vmul.f32 v5, v1;
	v7 =	vmul.f32 v27, v2  }
0x7c: {  	s24 =	sor.u32 $0x2, s22  }
0x7d: {  	s1 =	sshll.u32 s24, $0xB;
	v6 =	vadd.f32 v29, v6;
	v5 =	vadd.f32 v7, v5;
	v7 =	vmul.f32 v28, v3  }
0x7e: {  	s1 =	sand.u32 $0x3FFFF800, s1  }
0x7f: {  	v12 =	vld [tilespmem:s1+$0x0];
	[tilespmem:s28+$0x10510] =	vst v6;
	v5 =	vadd.f32 v7, v5;
	v6 =	vmul.f32 v30, v4  }
0x80: {  	v7 =	vld [tilespmem:s13+$0x500]  }
0x81: {  	v31 =	vld [tilespmem:s13+$0x510];
	v5 =	vadd.f32 v6, v5  }
0x82: {  	v32 =	vld [tilespmem:s13+$0x530]  }
0x83: {  	v6 =	vld [tilespmem:s13+$0x520];
	[tilespmem:s0+$0x10490] =	vst v5  }
0x84: {  	v5 =	vld [tilespmem:s11+$0x100]  }
0x85: {  	v33 =	vld [tilespmem:s11+$0x110]  }
0x86: {  	v35 =	vld [tilespmem:s1+$0x10];
	v7 =	vmul.f32 v7, v1;
	v8 =	vmul.f32 v31, v2  }
0x87: {  	v34 =	vld [tilespmem:s11+$0x120]  }
0x88: {  	v36 =	vld [tilespmem:s1+$0x20];
	v6 =	vmul.f32 v6, v3;
	v7 =	vadd.f32 v8, v7  }
0x89: {  	v13 =	vld [tilespmem:s11+$0x130];
	v9 =	vmul.f32 v32, v4  }
0x8a: {  	v6 =	vadd.f32 v6, v7;
	v5 =	vmul.f32 v5, v1;
	v7 =	vmul.f32 v33, v2  }
0x8b: {  	v37 =	vld [tilespmem:s1+$0x30];
	v38 =	vmul.f32 v12, v1;
	v8 =	vmul.f32 v35, v2  }
0x8c: {  	v6 =	vadd.f32 v9, v6;
	v5 =	vadd.f32 v7, v5;
	v7 =	vmul.f32 v34, v3  }
0x8d: {  	v10 =	vmul.f32 v36, v3  }
0x8e: {  	v8 =	vadd.f32 v8, v38;
	[tilespmem:s28+$0x10520] =	vst v6;
	v5 =	vadd.f32 v7, v5;
	v6 =	vmul.f32 v13, v4  }
0x8f: {  	v7 =	vld [tilespmem:s13+$0x580]  }
0x90: {  	v8 =	vadd.f32 v10, v8;
	v9 =	vmul.f32 v37, v4;
	v39 =	vld [tilespmem:s13+$0x590];
	v5 =	vadd.f32 v6, v5  }
0x91: {  	v40 =	vld [tilespmem:s13+$0x5B0]  }
0x92: {  	v8 =	vadd.f32 v9, v8;
	v6 =	vld [tilespmem:s13+$0x5A0];
	[tilespmem:s0+$0x104A0] =	vst v5  }
0x93: {  	s29 =	sshll.u32 s24, $0x8;
	v5 =	vld [tilespmem:s11+$0x180]  }
0x94: {  	[tilespmem:s29+$0x10480] =	vst v8;
	v41 =	vld [tilespmem:s11+$0x190]  }
0x95: {  	v8 =	vld [tilespmem:s1+$0x80]  }
0x96: {  	v42 =	vld [tilespmem:s11+$0x1A0]  }
0x97: {  	s25 =	sor.u32 $0x3, s22;
	v43 =	vld [tilespmem:s1+$0x90]  }
0x98: {  	s2 =	sshll.u32 s25, $0xB;
	v14 =	vld [tilespmem:s11+$0x1B0];
	v7 =	vmul.f32 v7, v1;
	v11 =	vmul.f32 v39, v2  }
0x99: {  	s2 =	sand.u32 $0x3FFFF800, s2;
	v15 =	vld [tilespmem:s1+$0xA0];
	v5 =	vmul.f32 v5, v1;
	v9 =	vmul.f32 v41, v2  }
0x9a: {  	v46 =	vld [tilespmem:s2+$0x0];
	v6 =	vmul.f32 v6, v3;
	v7 =	vadd.f32 v11, v7  }
0x9b: {  	v44 =	vld [tilespmem:s1+$0xB0];
	v10 =	vmul.f32 v40, v4;
	v45 =	vmul.f32 v42, v3;
	v5 =	vadd.f32 v9, v5  }
0x9c: {  	v48 =	vld [tilespmem:s2+$0x10];
	v47 =	vmul.f32 v43, v2;
	v6 =	vadd.f32 v6, v7;
	v7 =	vmul.f32 v8, v1  }
0x9d: {  	v49 =	vmul.f32 v14, v4;
	v5 =	vadd.f32 v45, v5  }
0x9e: {  	v51 =	vld [tilespmem:s2+$0x20];
	v50 =	vmul.f32 v15, v3;
	v6 =	vadd.f32 v10, v6;
	v7 =	vadd.f32 v47, v7  }
0x9f: {  	v5 =	vadd.f32 v49, v5  }
0xa0: {  	v52 =	vld [tilespmem:s2+$0x30];
	[tilespmem:s28+$0x10530] =	vst v6;
	v6 =	vadd.f32 v50, v7;
	v7 =	vmul.f32 v44, v4  }
0xa1: {  	v54 =	vmul.f32 v48, v2;
	v53 =	vld [tilespmem:s13+$0x600];
	[tilespmem:s0+$0x104B0] =	vst v5;
	v5 =	vmul.f32 v46, v1  }
0xa2: {  	v6 =	vadd.f32 v7, v6;
	v55 =	vld [tilespmem:s11+$0x200]  }
0xa3: {  	v10 =	vmul.f32 v51, v3;
	v7 =	vld [tilespmem:s11+$0x210];
	v5 =	vadd.f32 v54, v5  }
0xa4: {  	[tilespmem:s29+$0x10490] =	vst v6;
	v56 =	vld [tilespmem:s11+$0x220]  }
0xa5: {  	v8 =	vmul.f32 v52, v4;
	v6 =	vld [tilespmem:s1+$0x100];
	v5 =	vadd.f32 v10, v5  }
0xa6: {  	v57 =	vld [tilespmem:s1+$0x110]  }
0xa7: {  	v58 =	vld [tilespmem:s11+$0x230];
	v5 =	vadd.f32 v8, v5  }
0xa8: {  	s26 =	sshll.u32 s25, $0x8;
	v60 =	vld [tilespmem:s1+$0x120];
	v59 =	vmul.f32 v55, v1;
	v7 =	vmul.f32 v7, v2  }
0xa9: {  	v61 =	vld [tilespmem:s1+$0x130];
	[tilespmem:s26+$0x10480] =	vst v5  }
0xaa: {  	v5 =	vadd.f32 v7, v59;
	v7 =	vmul.f32 v56, v3;
	v62 =	vld [tilespmem:s2+$0x80]  }
0xab: {  	v6 =	vmul.f32 v6, v1;
	v10 =	vmul.f32 v57, v2;
	v63 =	vld [tilespmem:s2+$0x90]  }
0xac: {  	v18 =	vld [tilespmem:s13+$0x610];
	v5 =	vadd.f32 v7, v5;
	v7 =	vmul.f32 v58, v4  }
0xad: {  	v19 =	vmul.f32 v60, v3;
	v6 =	vadd.f32 v10, v6;
	v20 =	vld [tilespmem:s2+$0xA0]  }
0xae: {  	v21 =	vld [tilespmem:s13+$0x620];
	v5 =	vadd.f32 v7, v5  }
0xaf: {  	v22 =	vld [tilespmem:s2+$0xB0];
	v6 =	vadd.f32 v19, v6;
	v7 =	vmul.f32 v61, v4  }
0xb0: {  	v23 =	vld [tilespmem:s13+$0x630];
	[tilespmem:s0+$0x104C0] =	vst v5;
	v5 =	vmul.f32 v62, v1;
	v24 =	vmul.f32 v63, v2  }
0xb1: {  	v6 =	vadd.f32 v7, v6;
	v25 =	vld [tilespmem:s11+$0x280]  }
0xb2: {  	v26 =	vmul.f32 v20, v3;
	v7 =	vld [tilespmem:s11+$0x290];
	v5 =	vadd.f32 v24, v5  }
0xb3: {  	v27 =	vld [tilespmem:s11+$0x2A0];
	[tilespmem:s29+$0x104A0] =	vst v6  }
0xb4: {  	v28 =	vmul.f32 v22, v4;
	v6 =	vld [tilespmem:s1+$0x180];
	v5 =	vadd.f32 v26, v5  }
0xb5: {  	v29 =	vld [tilespmem:s1+$0x190]  }
0xb6: {  	v9 =	vmul.f32 v53, v1;
	v15 =	vmul.f32 v18, v2;
	v16 =	vld [tilespmem:s11+$0x2B0];
	v5 =	vadd.f32 v28, v5  }
0xb7: {  	v31 =	vld [tilespmem:s1+$0x1A0];
	v30 =	vmul.f32 v25, v1;
	v7 =	vmul.f32 v7, v2  }
0xb8: {  	v13 =	vmul.f32 v21, v3;
	v9 =	vadd.f32 v15, v9;
	v32 =	vld [tilespmem:s1+$0x1B0];
	[tilespmem:s26+$0x10490] =	vst v5  }
0xb9: {  	v33 =	vmul.f32 v27, v3;
	v5 =	vmul.f32 v23, v4;
	v7 =	vadd.f32 v7, v30;
	v34 =	vld [tilespmem:s2+$0x100]  }
0xba: {  	v9 =	vadd.f32 v13, v9;
	v6 =	vmul.f32 v6, v1;
	v10 =	vmul.f32 v29, v2;
	v35 =	vld [tilespmem:s2+$0x110]  }
0xbb: {  	v36 =	vmul.f32 v16, v4;
	v7 =	vadd.f32 v33, v7  }
0xbc: {  	v37 =	vmul.f32 v31, v3;
	v38 =	vld [tilespmem:s2+$0x120];
	v5 =	vadd.f32 v5, v9;
	v6 =	vadd.f32 v10, v6  }
0xbd: {  	v7 =	vadd.f32 v36, v7  }
0xbe: {  	v39 =	vld [tilespmem:s2+$0x130];
	[tilespmem:s28+$0x10540] =	vst v5;
	v5 =	vadd.f32 v37, v6;
	v6 =	vmul.f32 v32, v4  }
0xbf: {  	v40 =	vld [tilespmem:s13+$0x680];
	[tilespmem:s0+$0x104D0] =	vst v7;
	v7 =	vmul.f32 v34, v1;
	v41 =	vmul.f32 v35, v2  }
0xc0: {  	v5 =	vadd.f32 v6, v5;
	v42 =	vld [tilespmem:s11+$0x300]  }
0xc1: {  	v10 =	vmul.f32 v38, v3;
	v6 =	vld [tilespmem:s11+$0x310];
	v7 =	vadd.f32 v41, v7  }
0xc2: {  	v43 =	vld [tilespmem:s11+$0x320];
	[tilespmem:s29+$0x104B0] =	vst v5  }
0xc3: {  	v8 =	vmul.f32 v39, v4;
	v5 =	vld [tilespmem:s1+$0x200];
	v7 =	vadd.f32 v10, v7  }
0xc4: {  	v44 =	vld [tilespmem:s1+$0x210]  }
0xc5: {  	v45 =	vld [tilespmem:s11+$0x330];
	v7 =	vadd.f32 v8, v7  }
0xc6: {  	v47 =	vld [tilespmem:s1+$0x220];
	v46 =	vmul.f32 v42, v1;
	v6 =	vmul.f32 v6, v2  }
0xc7: {  	v48 =	vld [tilespmem:s1+$0x230];
	[tilespmem:s26+$0x104A0] =	vst v7  }
0xc8: {  	v6 =	vadd.f32 v6, v46;
	v7 =	vmul.f32 v43, v3;
	v49 =	vld [tilespmem:s2+$0x180]  }
0xc9: {  	v5 =	vmul.f32 v5, v1;
	v10 =	vmul.f32 v44, v2;
	v50 =	vld [tilespmem:s2+$0x190]  }
0xca: {  	v51 =	vld [tilespmem:s13+$0x690];
	v6 =	vadd.f32 v7, v6;
	v7 =	vmul.f32 v45, v4  }
0xcb: {  	v52 =	vmul.f32 v47, v3;
	v53 =	vld [tilespmem:s2+$0x1A0];
	v5 =	vadd.f32 v10, v5  }
0xcc: {  	v54 =	vld [tilespmem:s13+$0x6A0];
	v6 =	vadd.f32 v7, v6  }
0xcd: {  	v55 =	vld [tilespmem:s2+$0x1B0];
	v5 =	vadd.f32 v52, v5;
	v7 =	vmul.f32 v48, v4  }
0xce: {  	v56 =	vld [tilespmem:s13+$0x6B0];
	[tilespmem:s0+$0x104E0] =	vst v6;
	v6 =	vmul.f32 v49, v1;
	v57 =	vmul.f32 v50, v2  }
0xcf: {  	v5 =	vadd.f32 v7, v5;
	v58 =	vld [tilespmem:s11+$0x380]  }
0xd0: {  	v59 =	vmul.f32 v53, v3;
	v7 =	vld [tilespmem:s11+$0x390];
	v6 =	vadd.f32 v57, v6  }
0xd1: {  	v60 =	vld [tilespmem:s11+$0x3A0];
	[tilespmem:s29+$0x104C0] =	vst v5  }
0xd2: {  	v61 =	vmul.f32 v55, v4;
	v5 =	vld [tilespmem:s1+$0x280];
	v6 =	vadd.f32 v59, v6  }
0xd3: {  	v62 =	vld [tilespmem:s1+$0x290]  }
0xd4: {  	v9 =	vmul.f32 v40, v1;
	v15 =	vmul.f32 v51, v2;
	v63 =	vld [tilespmem:s11+$0x3B0];
	v6 =	vadd.f32 v61, v6  }
0xd5: {  	v20 =	vld [tilespmem:s1+$0x2A0];
	v19 =	vmul.f32 v58, v1;
	v7 =	vmul.f32 v7, v2  }
0xd6: {  	v13 =	vmul.f32 v54, v3;
	v9 =	vadd.f32 v15, v9;
	v21 =	vld [tilespmem:s1+$0x2B0];
	[tilespmem:s26+$0x104B0] =	vst v6  }
0xd7: {  	v22 =	vmul.f32 v60, v3;
	v6 =	vmul.f32 v56, v4;
	v7 =	vadd.f32 v7, v19;
	v23 =	vld [tilespmem:s2+$0x200]  }
0xd8: {  	v9 =	vadd.f32 v13, v9;
	v5 =	vmul.f32 v5, v1;
	v10 =	vmul.f32 v62, v2;
	v24 =	vld [tilespmem:s2+$0x210]  }
0xd9: {  	v25 =	vmul.f32 v63, v4;
	v7 =	vadd.f32 v22, v7  }
0xda: {  	v26 =	vmul.f32 v20, v3;
	v27 =	vld [tilespmem:s2+$0x220];
	v6 =	vadd.f32 v6, v9;
	v5 =	vadd.f32 v10, v5  }
0xdb: {  	v7 =	vadd.f32 v25, v7  }
0xdc: {  	v28 =	vld [tilespmem:s2+$0x230];
	[tilespmem:s28+$0x10550] =	vst v6;
	v5 =	vadd.f32 v26, v5;
	v6 =	vmul.f32 v21, v4  }
0xdd: {  	v29 =	vld [tilespmem:s13+$0x700];
	[tilespmem:s0+$0x104F0] =	vst v7;
	v7 =	vmul.f32 v23, v1;
	v30 =	vmul.f32 v24, v2  }
0xde: {  	v5 =	vadd.f32 v6, v5;
	v31 =	vld [tilespmem:s11+$0x400]  }
0xdf: {  	v10 =	vmul.f32 v27, v3;
	v6 =	vld [tilespmem:s11+$0x410];
	v7 =	vadd.f32 v30, v7  }
0xe0: {  	v32 =	vld [tilespmem:s11+$0x420];
	[tilespmem:s29+$0x104D0] =	vst v5  }
0xe1: {  	v8 =	vmul.f32 v28, v4;
	v5 =	vld [tilespmem:s1+$0x300];
	v7 =	vadd.f32 v10, v7  }
0xe2: {  	v33 =	vld [tilespmem:s1+$0x310]  }
0xe3: {  	v34 =	vld [tilespmem:s11+$0x430];
	v7 =	vadd.f32 v8, v7  }
0xe4: {  	v36 =	vld [tilespmem:s1+$0x320];
	v35 =	vmul.f32 v31, v1;
	v6 =	vmul.f32 v6, v2  }
0xe5: {  	v37 =	vld [tilespmem:s1+$0x330];
	[tilespmem:s26+$0x104C0] =	vst v7  }
0xe6: {  	v6 =	vadd.f32 v6, v35;
	v7 =	vmul.f32 v32, v3;
	v38 =	vld [tilespmem:s2+$0x280]  }
0xe7: {  	v5 =	vmul.f32 v5, v1;
	v10 =	vmul.f32 v33, v2;
	v39 =	vld [tilespmem:s2+$0x290]  }
0xe8: {  	v40 =	vld [tilespmem:s13+$0x710];
	v6 =	vadd.f32 v7, v6;
	v7 =	vmul.f32 v34, v4  }
0xe9: {  	v41 =	vmul.f32 v36, v3;
	v42 =	vld [tilespmem:s2+$0x2A0];
	v5 =	vadd.f32 v10, v5  }
0xea: {  	v43 =	vld [tilespmem:s13+$0x720];
	v6 =	vadd.f32 v7, v6  }
0xeb: {  	v44 =	vld [tilespmem:s2+$0x2B0];
	v5 =	vadd.f32 v41, v5;
	v7 =	vmul.f32 v37, v4  }
0xec: {  	v45 =	vld [tilespmem:s13+$0x730];
	[tilespmem:s0+$0x10500] =	vst v6;
	v6 =	vmul.f32 v38, v1;
	v46 =	vmul.f32 v39, v2  }
0xed: {  	v5 =	vadd.f32 v7, v5;
	v47 =	vld [tilespmem:s11+$0x480]  }
0xee: {  	v48 =	vmul.f32 v42, v3;
	v7 =	vld [tilespmem:s11+$0x490];
	v6 =	vadd.f32 v46, v6  }
0xef: {  	v49 =	vld [tilespmem:s11+$0x4A0];
	[tilespmem:s29+$0x104E0] =	vst v5  }
0xf0: {  	v50 =	vmul.f32 v44, v4;
	v5 =	vld [tilespmem:s1+$0x380];
	v6 =	vadd.f32 v48, v6  }
0xf1: {  	v51 =	vld [tilespmem:s1+$0x390]  }
0xf2: {  	v9 =	vmul.f32 v29, v1;
	v15 =	vmul.f32 v40, v2;
	v52 =	vld [tilespmem:s11+$0x4B0];
	v6 =	vadd.f32 v50, v6  }
0xf3: {  	v54 =	vld [tilespmem:s1+$0x3A0];
	v53 =	vmul.f32 v47, v1;
	v7 =	vmul.f32 v7, v2  }
0xf4: {  	v13 =	vmul.f32 v43, v3;
	v9 =	vadd.f32 v15, v9;
	v55 =	vld [tilespmem:s1+$0x3B0];
	[tilespmem:s26+$0x104D0] =	vst v6  }
0xf5: {  	v56 =	vmul.f32 v49, v3;
	v6 =	vmul.f32 v45, v4;
	v7 =	vadd.f32 v7, v53;
	v57 =	vld [tilespmem:s2+$0x300]  }
0xf6: {  	v9 =	vadd.f32 v13, v9;
	v5 =	vmul.f32 v5, v1;
	v10 =	vmul.f32 v51, v2;
	v58 =	vld [tilespmem:s2+$0x310]  }
0xf7: {  	v59 =	vmul.f32 v52, v4;
	v7 =	vadd.f32 v56, v7  }
0xf8: {  	v60 =	vmul.f32 v54, v3;
	v61 =	vld [tilespmem:s2+$0x320];
	v6 =	vadd.f32 v6, v9;
	v5 =	vadd.f32 v10, v5  }
0xf9: {  	v7 =	vadd.f32 v59, v7  }
0xfa: {  	v62 =	vld [tilespmem:s2+$0x330];
	[tilespmem:s28+$0x10560] =	vst v6;
	v5 =	vadd.f32 v60, v5;
	v6 =	vmul.f32 v55, v4  }
0xfb: {  	v63 =	vld [tilespmem:s13+$0x780];
	[tilespmem:s0+$0x10510] =	vst v7;
	v7 =	vmul.f32 v57, v1;
	v16 =	vmul.f32 v58, v2  }
0xfc: {  	v5 =	vadd.f32 v6, v5;
	v17 =	vld [tilespmem:s11+$0x500]  }
0xfd: {  	v10 =	vmul.f32 v61, v3;
	v6 =	vld [tilespmem:s11+$0x510];
	v7 =	vadd.f32 v16, v7  }
0xfe: {  	v18 =	vld [tilespmem:s11+$0x520];
	[tilespmem:s29+$0x104F0] =	vst v5  }
0xff: {  	v8 =	vmul.f32 v62, v4;
	v5 =	vld [tilespmem:s1+$0x400];
	v7 =	vadd.f32 v10, v7  }
0x100: {  	v19 =	vld [tilespmem:s1+$0x410]  }
0x101: {  	v20 =	vld [tilespmem:s11+$0x530];
	v7 =	vadd.f32 v8, v7  }
0x102: {  	v22 =	vld [tilespmem:s1+$0x420];
	v21 =	vmul.f32 v17, v1;
	v6 =	vmul.f32 v6, v2  }
0x103: {  	v23 =	vld [tilespmem:s1+$0x430];
	[tilespmem:s26+$0x104E0] =	vst v7  }
0x104: {  	v6 =	vadd.f32 v6, v21;
	v7 =	vmul.f32 v18, v3;
	v24 =	vld [tilespmem:s2+$0x380]  }
0x105: {  	v5 =	vmul.f32 v5, v1;
	v10 =	vmul.f32 v19, v2;
	v25 =	vld [tilespmem:s2+$0x390]  }
0x106: {  	v26 =	vld [tilespmem:s13+$0x790];
	v6 =	vadd.f32 v7, v6;
	v7 =	vmul.f32 v20, v4  }
0x107: {  	v27 =	vmul.f32 v22, v3;
	v28 =	vld [tilespmem:s2+$0x3A0];
	v5 =	vadd.f32 v10, v5  }
0x108: {  	v29 =	vld [tilespmem:s13+$0x7A0];
	v6 =	vadd.f32 v7, v6  }
0x109: {  	v30 =	vld [tilespmem:s2+$0x3B0];
	v5 =	vadd.f32 v27, v5;
	v7 =	vmul.f32 v23, v4  }
0x10a: {  	v31 =	vld [tilespmem:s13+$0x7B0];
	[tilespmem:s0+$0x10520] =	vst v6;
	v6 =	vmul.f32 v24, v1;
	v32 =	vmul.f32 v25, v2  }
0x10b: {  	v9 =	vmul.f32 v63, v1;
	v5 =	vadd.f32 v7, v5;
	v34 =	vld [tilespmem:s11+$0x580]  }
0x10c: {  	v33 =	vmul.f32 v26, v2;
	v35 =	vmul.f32 v28, v3;
	v7 =	vld [tilespmem:s11+$0x590];
	v6 =	vadd.f32 v32, v6  }
0x10d: {  	v36 =	vmul.f32 v29, v3;
	v37 =	vld [tilespmem:s11+$0x5A0];
	[tilespmem:s29+$0x10500] =	vst v5  }
0x10e: {  	v9 =	vadd.f32 v33, v9;
	v38 =	vmul.f32 v30, v4;
	v5 =	vld [tilespmem:s1+$0x480];
	v6 =	vadd.f32 v35, v6  }
0x10f: {  	v41 =	vor.u32 s28, v0;
	v39 =	vld [tilespmem:s1+$0x490]  }
0x110: {  	v40 =	vmul.f32 v31, v4;
	v9 =	vadd.f32 v36, v9;
	v42 =	vld [tilespmem:s11+$0x5B0];
	v6 =	vadd.f32 v38, v6  }
0x111: {  	v44 =	vld [tilespmem:s1+$0x4A0];
	v43 =	vmul.f32 v34, v1;
	v7 =	vmul.f32 v7, v2  }
0x112: {  	s7 =	sor.u32 $0x1, s28;
	v9 =	vadd.f32 v40, v9;
	v46 =	vld [tilespmem:s1+$0x4B0];
	[tilespmem:s26+$0x104F0] =	vst v6  }
0x113: {  	s30 =	sor.u32 $0x2, s28;
	v45 =	vor.u32 s7, v0;
	v6 =	vadd.f32 v7, v43;
	v7 =	vmul.f32 v37, v3;
	v47 =	vld [tilespmem:s2+$0x400]  }
0x114: {  	v48 =	vor.u32 s30, v0;
	[tilespmem:s28+$0x10570] =	vst v9;
	v49 =	vmul.f32 v5, v1;
	v10 =	vmul.f32 v39, v2;
	v17 =	vld [tilespmem:s2+$0x410]  }
0x115: {  	v50 =	vmul.f32 v42, v4;
	v5 =	vld.idx.msk [tilespmem:v41+s15+$0x0], $0xffff;
	v7 =	vadd.f32 v7, v6  }
0x116: {  	v51 =	vmul.f32 v44, v3;
	v52 =	vld [tilespmem:s2+$0x420];
	v10 =	vadd.f32 v10, v49  }
0x117: {  	v55 =	vld [tilespmem:s2+$0x430];
	v53 =	vadd.f32 v50, v7  }
0x118: {  	v54 =	vmul.f32 v46, v4;
	v6 =	vld.idx.msk [tilespmem:v45+s15+$0x0], $0xffff;
	v10 =	vadd.f32 v51, v10  }
0x119: {  	v7 =	vld.idx.msk [tilespmem:v48+s15+$0x0], $0xffff;
	[tilespmem:s0+$0x10530] =	vst v53;
	v8 =	vmul.f32 v47, v1;
	v56 =	vmul.f32 v17, v2  }
0x11a: {  	v10 =	vadd.f32 v54, v10;
	v11 =	vld [tilespmem:s11+$0x600]  }
0x11b: {  	v58 =	vmul.f32 v52, v3;
	v57 =	vld [tilespmem:s11+$0x610];
	v8 =	vadd.f32 v56, v8  }
0x11c: {  	v59 =	vld [tilespmem:s11+$0x620];
	[tilespmem:s29+$0x10510] =	vst v10  }
0x11d: {  	v60 =	vmul.f32 v55, v4;
	v10 =	vld [tilespmem:s1+$0x500];
	v8 =	vadd.f32 v58, v8  }
0x11e: {  	s31 =	sor.u32 $0x3, s28;
	v61 =	vld [tilespmem:s1+$0x510]  }
0x11f: {  	v62 =	vor.u32 s31, v0;
	v63 =	vld [tilespmem:s11+$0x630];
	v8 =	vadd.f32 v60, v8  }
0x120: {  	v25 =	vld [tilespmem:s1+$0x520];
	v23 =	vmul.f32 v11, v1;
	v24 =	vmul.f32 v57, v2  }
0x121: {  	s13 =	sor.u32 $0x4, s28;
	v18 =	vld [tilespmem:s1+$0x530];
	[tilespmem:s26+$0x10500] =	vst v8  }
0x122: {  	s30 =	sor.u32 $0x5, s28;
	v26 =	vor.u32 s13, v0;
	v27 =	vmul.f32 v59, v3;
	v9 =	vadd.f32 v24, v23;
	v28 =	vld [tilespmem:s2+$0x480]  }
0x123: {  	v19 =	vor.u32 s30, v0;
	v10 =	vmul.f32 v10, v1;
	v13 =	vmul.f32 v61, v2;
	v20 =	vld [tilespmem:s2+$0x490]  }
0x124: {  	v29 =	vmul.f32 v63, v4;
	v8 =	vld.idx.msk [tilespmem:v62+s15+$0x0], $0xffff;
	v11 =	vadd.f32 v27, v9  }
0x125: {  	v12 =	vmul.f32 v25, v3;
	v30 =	vld [tilespmem:s2+$0x4A0];
	v10 =	vadd.f32 v13, v10  }
0x126: {  	v32 =	vld [tilespmem:s2+$0x4B0];
	v11 =	vadd.f32 v29, v11  }
0x127: {  	v31 =	vmul.f32 v18, v4;
	v9 =	vld.idx.msk [tilespmem:v26+s15+$0x0], $0xffff;
	v12 =	vadd.f32 v12, v10  }
0x128: {  	v10 =	vld.idx.msk [tilespmem:v19+s15+$0x0], $0xffff;
	[tilespmem:s0+$0x10540] =	vst v11;
	v33 =	vmul.f32 v28, v1;
	v34 =	vmul.f32 v20, v2  }
0x129: {  	v12 =	vadd.f32 v31, v12;
	v35 =	vld [tilespmem:s11+$0x680]  }
0x12a: {  	v13 =	vmul.f32 v30, v3;
	v36 =	vld [tilespmem:s11+$0x690];
	v11 =	vadd.f32 v34, v33  }
0x12b: {  	v37 =	vld [tilespmem:s11+$0x6A0];
	[tilespmem:s29+$0x10520] =	vst v12  }
0x12c: {  	v38 =	vmul.f32 v32, v4;
	v12 =	vld [tilespmem:s1+$0x580];
	v11 =	vadd.f32 v13, v11  }
0x12d: {  	s31 =	sor.u32 $0x6, s28;
	v39 =	vld [tilespmem:s1+$0x590]  }
0x12e: {  	v40 =	vor.u32 s31, v0;
	v41 =	vld [tilespmem:s11+$0x6B0];
	v11 =	vadd.f32 v38, v11  }
0x12f: {  	v43 =	vld [tilespmem:s1+$0x5A0];
	v42 =	vmul.f32 v35, v1;
	v15 =	vmul.f32 v36, v2  }
0x130: {  	s13 =	sor.u32 $0x7, s28;
	v21 =	vld [tilespmem:s1+$0x5B0];
	[tilespmem:s26+$0x10510] =	vst v11  }
0x131: {  	s30 =	sor.u32 $0x8, s28;
	v44 =	vor.u32 s13, v0;
	v14 =	vmul.f32 v37, v3;
	v13 =	vadd.f32 v15, v42;
	v45 =	vld [tilespmem:s2+$0x500]  }
0x132: {  	v22 =	vor.u32 s30, v0;
	v12 =	vmul.f32 v12, v1;
	v16 =	vmul.f32 v39, v2;
	v23 =	vld [tilespmem:s2+$0x510]  }
0x133: {  	v46 =	vmul.f32 v41, v4;
	v11 =	vld.idx.msk [tilespmem:v40+s15+$0x0], $0xffff;
	v13 =	vadd.f32 v14, v13  }
0x134: {  	v17 =	vmul.f32 v43, v3;
	v47 =	vld [tilespmem:s2+$0x520];
	v16 =	vadd.f32 v16, v12  }
0x135: {  	v49 =	vld [tilespmem:s2+$0x530];
	v14 =	vadd.f32 v46, v13  }
0x136: {  	v48 =	vmul.f32 v21, v4;
	v12 =	vld.idx.msk [tilespmem:v44+s15+$0x0], $0xffff;
	v16 =	vadd.f32 v17, v16  }
0x137: {  	v13 =	vld.idx.msk [tilespmem:v22+s15+$0x0], $0xffff;
	[tilespmem:s0+$0x10550] =	vst v14;
	v50 =	vmul.f32 v45, v1;
	v51 =	vmul.f32 v23, v2  }
0x138: {  	v16 =	vadd.f32 v48, v16;
	v52 =	vld [tilespmem:s11+$0x700]  }
0x139: {  	v54 =	vmul.f32 v47, v3;
	v53 =	vld [tilespmem:s11+$0x710];
	v14 =	vadd.f32 v51, v50  }
0x13a: {  	v55 =	vld [tilespmem:s11+$0x720];
	[tilespmem:s29+$0x10530] =	vst v16  }
0x13b: {  	v56 =	vmul.f32 v49, v4;
	v16 =	vld [tilespmem:s1+$0x600];
	v14 =	vadd.f32 v54, v14  }
0x13c: {  	s31 =	sor.u32 $0x9, s28;
	v57 =	vld [tilespmem:s1+$0x610]  }
0x13d: {  	v58 =	vor.u32 s31, v0;
	v59 =	vld [tilespmem:s11+$0x730];
	v14 =	vadd.f32 v56, v14  }
0x13e: {  	v61 =	vld [tilespmem:s1+$0x620];
	v60 =	vmul.f32 v52, v1;
	v17 =	vmul.f32 v53, v2  }
0x13f: {  	s13 =	sor.u32 $0xA, s28;
	v24 =	vld [tilespmem:s1+$0x630];
	[tilespmem:s26+$0x10520] =	vst v14  }
0x140: {  	s30 =	sor.u32 $0xB, s28;
	v62 =	vor.u32 s13, v0;
	v63 =	vmul.f32 v55, v3;
	v15 =	vadd.f32 v17, v60;
	v28 =	vld [tilespmem:s2+$0x580]  }
0x141: {  	v25 =	vor.u32 s30, v0;
	v16 =	vmul.f32 v16, v1;
	v19 =	vmul.f32 v57, v2;
	v26 =	vld [tilespmem:s2+$0x590]  }
0x142: {  	v29 =	vmul.f32 v59, v4;
	v14 =	vld.idx.msk [tilespmem:v58+s15+$0x0], $0xffff;
	v17 =	vadd.f32 v63, v15  }
0x143: {  	v30 =	vmul.f32 v61, v3;
	v31 =	vld [tilespmem:s2+$0x5A0];
	v16 =	vadd.f32 v19, v16  }
0x144: {  	v33 =	vld [tilespmem:s2+$0x5B0];
	v17 =	vadd.f32 v29, v17  }
0x145: {  	v32 =	vmul.f32 v24, v4;
	v15 =	vld.idx.msk [tilespmem:v62+s15+$0x0], $0xffff;
	v19 =	vadd.f32 v30, v16  }
0x146: {  	v16 =	vld.idx.msk [tilespmem:v25+s15+$0x0], $0xffff;
	[tilespmem:s0+$0x10560] =	vst v17;
	v34 =	vmul.f32 v28, v1;
	v35 =	vmul.f32 v26, v2  }
0x147: {  	v19 =	vadd.f32 v32, v19;
	v36 =	vld [tilespmem:s11+$0x780]  }
0x148: {  	v38 =	vmul.f32 v31, v3;
	v37 =	vld [tilespmem:s11+$0x790];
	v17 =	vadd.f32 v35, v34  }
0x149: {  	v39 =	vld [tilespmem:s11+$0x7A0];
	[tilespmem:s29+$0x10540] =	vst v19  }
0x14a: {  	v40 =	vmul.f32 v33, v4;
	v19 =	vld [tilespmem:s1+$0x680];
	v17 =	vadd.f32 v38, v17  }
0x14b: {  	s31 =	sor.u32 $0xC, s28;
	v41 =	vld [tilespmem:s1+$0x690]  }
0x14c: {  	v42 =	vor.u32 s31, v0;
	v43 =	vld [tilespmem:s11+$0x7B0];
	v17 =	vadd.f32 v40, v17  }
0x14d: {  	s13 =	sor.u32 $0xE, s28;
	v45 =	vld [tilespmem:s1+$0x6A0]  }
0x14e: {  	v47 =	vor.u32 s13, v0;
	s11 =	sor.u32 $0xD, s28;
	v27 =	vld [tilespmem:s1+$0x6B0];
	v44 =	vmul.f32 v36, v1;
	v21 =	vmul.f32 v37, v2;
	[tilespmem:s26+$0x10530] =	vst v17  }
0x14f: {  	v46 =	vor.u32 s11, v0;
	v20 =	vmul.f32 v39, v3;
	v28 =	vld [tilespmem:s2+$0x600]  }
0x150: {  	s30 =	sor.u32 $0xF, s28;
	v18 =	vadd.f32 v21, v44;
	v19 =	vmul.f32 v19, v1;
	v22 =	vmul.f32 v41, v2;
	v29 =	vld [tilespmem:s2+$0x610]  }
0x151: {  	v48 =	vor.u32 s30, v0;
	v50 =	vor.u32 s0, v0;
	v49 =	vmul.f32 v43, v4;
	v17 =	vld.idx.msk [tilespmem:v42+s15+$0x0], $0xffff  }
0x152: {  	s31 =	sor.u32 $0x1, s0;
	v23 =	vmul.f32 v45, v3;
	v30 =	vld [tilespmem:s2+$0x620];
	v18 =	vadd.f32 v20, v18;
	v22 =	vadd.f32 v22, v19  }
0x153: {  	v51 =	vor.u32 s31, v0;
	v21 =	vld.idx.msk [tilespmem:v47+s15+$0x0], $0xffff  }
0x154: {  	v53 =	vmul.f32 v27, v4;
	v54 =	vld [tilespmem:s2+$0x630];
	v18 =	vadd.f32 v49, v18;
	v52 =	vadd.f32 v23, v22  }
0x155: {  	s13 =	sor.u32 $0x3, s0;
	v19 =	vld.idx.msk [tilespmem:v46+s15+$0x0], $0xffff;
	v28 =	vmul.f32 v28, v1;
	v29 =	vmul.f32 v29, v2  }
0x156: {  	v60 =	vor.u32 s13, v0;
	v23 =	vld.idx.msk [tilespmem:v48+s15+$0x0], $0xffff;
	[tilespmem:s0+$0x10570] =	vst v18;
	v22 =	vadd.f32 v53, v52  }
0x157: {  	v57 =	vmul.f32 v30, v3;
	v18 =	vld.idx.msk [tilespmem:v50+s15+$0x0], $0xffff;
	v56 =	vadd.f32 v29, v28  }
0x158: {  	v20 =	vld.idx.msk [tilespmem:v51+s15+$0x0], $0xffff;
	[tilespmem:s29+$0x10550] =	vst v22  }
0x159: {  	v27 =	vmul.f32 v54, v4;
	v58 =	vld [tilespmem:s1+$0x700];
	v25 =	vadd.f32 v57, v56  }
0x15a: {  	s11 =	sor.u32 $0x2, s0;
	v59 =	vld [tilespmem:s1+$0x710]  }
0x15b: {  	v55 =	vor.u32 s11, v0;
	v24 =	vld.idx.msk [tilespmem:v60+s15+$0x0], $0xffff;
	v25 =	vadd.f32 v27, v25  }
0x15c: {  	s11 =	sor.u32 $0x7, s0;
	v61 =	vld [tilespmem:s1+$0x720]  }
0x15d: {  	v34 =	vor.u32 s11, v0;
	v63 =	vld [tilespmem:s1+$0x730];
	[tilespmem:s26+$0x10540] =	vst v25  }
0x15e: {  	s28 =	sor.u32 $0x4, s0;
	v31 =	vld [tilespmem:s2+$0x680]  }
0x15f: {  	s30 =	sor.u32 $0x5, s0;
	v62 =	vor.u32 s28, v0;
	v38 =	vmul.f32 v58, v1;
	v39 =	vmul.f32 v59, v2;
	v40 =	vld [tilespmem:s2+$0x690]  }
0x160: {  	s31 =	sor.u32 $0x6, s0;
	v32 =	vor.u32 s30, v0;
	v22 =	vld.idx.msk [tilespmem:v55+s15+$0x0], $0xffff  }
0x161: {  	v33 =	vor.u32 s31, v0;
	s30 =	sor.u32 $0xA, s0;
	v27 =	vmul.f32 v61, v3;
	v35 =	vld [tilespmem:s2+$0x6A0];
	v26 =	vadd.f32 v39, v38  }
0x162: {  	v47 =	vor.u32 s30, v0;
	v29 =	vld.idx.msk [tilespmem:v34+s15+$0x0], $0xffff  }
0x163: {  	v30 =	vmul.f32 v63, v4;
	v37 =	vld [tilespmem:s2+$0x6B0];
	v41 =	vadd.f32 v27, v26  }
0x164: {  	s7 =	sor.u32 $0xC, s0;
	v25 =	vld.idx.msk [tilespmem:v62+s15+$0x0], $0xffff;
	v31 =	vmul.f32 v31, v1;
	v28 =	vmul.f32 v40, v2  }
0x165: {  	v38 =	vor.u32 s7, v0;
	v26 =	vld.idx.msk [tilespmem:v32+s15+$0x0], $0xffff;
	v30 =	vadd.f32 v30, v41  }
0x166: {  	v27 =	vld.idx.msk [tilespmem:v33+s15+$0x0], $0xffff;
	v43 =	vmul.f32 v35, v3;
	v31 =	vadd.f32 v28, v31  }
0x167: {  	v32 =	vld.idx.msk [tilespmem:v47+s15+$0x0], $0xffff;
	[tilespmem:s29+$0x10560] =	vst v30  }
0x168: {  	v45 =	vmul.f32 v37, v4;
	v44 =	vld [tilespmem:s1+$0x780];
	v31 =	vadd.f32 v43, v31  }
0x169: {  	s13 =	sor.u32 $0x8, s0;
	v46 =	vld [tilespmem:s1+$0x790]  }
0x16a: {  	v36 =	vor.u32 s13, v0;
	v38 =	vld.idx.msk [tilespmem:v38+s15+$0x0], $0xffff;
	v31 =	vadd.f32 v45, v31  }
0x16b: {  	s28 =	sor.u32 $0x9, s0;
	v48 =	vld [tilespmem:s1+$0x7A0]  }
0x16c: {  	v42 =	vor.u32 s28, v0;
	v50 =	vld [tilespmem:s1+$0x7B0];
	[tilespmem:s26+$0x10550] =	vst v31  }
0x16d: {  	s31 =	sor.u32 $0xB, s0;
	v31 =	vld [tilespmem:s2+$0x700]  }
0x16e: {  	s11 =	sor.u32 $0xD, s0;
	v49 =	vor.u32 s31, v0;
	v34 =	vmul.f32 v44, v1;
	v35 =	vmul.f32 v46, v2;
	v39 =	vld [tilespmem:s2+$0x710]  }
0x16f: {  	s13 =	sor.u32 $0xE, s0;
	v40 =	vor.u32 s11, v0;
	v28 =	vld.idx.msk [tilespmem:v36+s15+$0x0], $0xffff  }
0x170: {  	s0 =	sor.u32 $0xF, s0;
	v41 =	vor.u32 s13, v0;
	v33 =	vmul.f32 v48, v3;
	v51 =	vld [tilespmem:s2+$0x720];
	v34 =	vadd.f32 v35, v34  }
0x171: {  	v30 =	vld.idx.msk [tilespmem:v42+s15+$0x0], $0xffff;
	v42 =	vor.u32 s0, v0  }
0x172: {  	s28 =	sor.u32 $0x1, s29;
	v53 =	vor.u32 s29, v0;
	v52 =	vmul.f32 v50, v4;
	v43 =	vld [tilespmem:s2+$0x730];
	v33 =	vadd.f32 v33, v34  }
0x173: {  	s30 =	sor.u32 $0x2, s29;
	v36 =	vld.idx.msk [tilespmem:v49+s15+$0x0], $0xffff;
	v44 =	vor.u32 s28, v0;
	v31 =	vmul.f32 v31, v1;
	v39 =	vmul.f32 v39, v2  }
0x174: {  	v54 =	vor.u32 s30, v0;
	s1 =	sor.u32 $0x4, s29;
	v40 =	vld.idx.msk [tilespmem:v40+s15+$0x0], $0xffff;
	v33 =	vadd.f32 v52, v33  }
0x175: {  	s7 =	sor.u32 $0x5, s29;
	v55 =	vor.u32 s1, v0;
	v41 =	vld.idx.msk [tilespmem:v41+s15+$0x0], $0xffff;
	v35 =	vmul.f32 v51, v3;
	v31 =	vadd.f32 v39, v31  }
0x176: {  	v57 =	vor.u32 s7, v0;
	v39 =	vld.idx.msk [tilespmem:v42+s15+$0x0], $0xffff;
	[tilespmem:s29+$0x10570] =	vst v33  }
0x177: {  	v56 =	vmul.f32 v43, v4;
	v37 =	vld.idx.msk [tilespmem:v53+s15+$0x0], $0xffff;
	v31 =	vadd.f32 v35, v31  }
0x178: {  	s11 =	sor.u32 $0x6, s29;
	v42 =	vld.idx.msk [tilespmem:v44+s15+$0x0], $0xffff  }
0x179: {  	v58 =	vor.u32 s11, v0;
	v34 =	vld.idx.msk [tilespmem:v54+s15+$0x0], $0xffff;
	v31 =	vadd.f32 v56, v31  }
0x17a: {  	s28 =	sor.u32 $0x8, s29;
	v33 =	vld.idx.msk [tilespmem:v55+s15+$0x0], $0xffff  }
0x17b: {  	s31 =	sor.u32 $0x3, s29;
	v47 =	vor.u32 s28, v0;
	v43 =	vld.idx.msk [tilespmem:v57+s15+$0x0], $0xffff;
	[tilespmem:s26+$0x10560] =	vst v31  }
0x17c: {  	v45 =	vor.u32 s31, v0;
	s31 =	sor.u32 $0xA, s29;
	v31 =	vld [tilespmem:s2+$0x780]  }
0x17d: {  	v50 =	vor.u32 s31, v0;
	s28 =	sor.u32 $0xF, s29;
	v46 =	vld [tilespmem:s2+$0x790]  }
0x17e: {  	v62 =	vor.u32 s28, v0;
	v44 =	vld.idx.msk [tilespmem:v58+s15+$0x0], $0xffff  }
0x17f: {  	s13 =	sor.u32 $0x7, s29;
	v49 =	vld [tilespmem:s2+$0x7A0]  }
0x180: {  	s7 =	sor.u32 $0xC, s29;
	v59 =	vor.u32 s13, v0;
	v47 =	vld.idx.msk [tilespmem:v47+s15+$0x0], $0xffff  }
0x181: {  	v61 =	vadd.f32 v10, v9;
	s11 =	sor.u32 $0xD, s29;
	v53 =	vor.u32 s7, v0;
	v52 =	vld [tilespmem:s2+$0x7B0]  }
0x182: {  	s13 =	sor.u32 $0xE, s29;
	v54 =	vor.u32 s11, v0;
	v9 =	vld.idx.msk [tilespmem:v50+s15+$0x0], $0xffff;
	v31 =	vmul.f32 v31, v1;
	v46 =	vmul.f32 v46, v2  }
0x183: {  	v5 =	vadd.f32 v6, v5;
	v7 =	vadd.f32 v8, v7;
	s30 =	sor.u32 $0x9, s29;
	v55 =	vor.u32 s13, v0;
	v8 =	vld.idx.msk [tilespmem:v62+s15+$0x0], $0xffff  }
0x184: {  	s1 =	sor.u32 $0xB, s29;
	v48 =	vor.u32 s30, v0;
	v35 =	vld.idx.msk [tilespmem:v45+s15+$0x0], $0xffff;
	v60 =	vmul.f32 v49, v3;
	v6 =	vadd.f32 v46, v31  }
0x185: {  	v51 =	vor.u32 s1, v0;
	v45 =	vld.idx.msk [tilespmem:v59+s15+$0x0], $0xffff;
	v56 =	vadd.f32 v14, v13  }
0x186: {  	s29 =	sor.u32 $0x1, s26;
	v13 =	vld.idx.msk [tilespmem:v53+s15+$0x0], $0xffff;
	v63 =	vmul.f32 v52, v4;
	v52 =	vor.u32 s26, v0;
	v6 =	vadd.f32 v60, v6  }
0x187: {  	v11 =	vadd.f32 v12, v11;
	v15 =	vadd.f32 v16, v15;
	s30 =	sor.u32 $0x2, s26;
	v57 =	vor.u32 s29, v0;
	v16 =	vld.idx.msk [tilespmem:v54+s15+$0x0], $0xffff  }
0x188: {  	s31 =	sor.u32 $0x3, s26;
	v58 =	vor.u32 s30, v0;
	v59 =	vadd.f32 v23, v21;
	v21 =	vld.idx.msk [tilespmem:v55+s15+$0x0], $0xffff;
	v6 =	vadd.f32 v63, v6  }
0x189: {  	v5 =	vadd.f32 v7, v5;
	s2 =	sor.u32 $0x5, s26;
	v31 =	vld.idx.msk [tilespmem:v48+s15+$0x0], $0xffff;
	v60 =	vor.u32 s31, v0  }
0x18a: {  	v17 =	vadd.f32 v19, v17;
	v7 =	vadd.f32 v11, v61;
	s7 =	sor.u32 $0x6, s26;
	v61 =	vor.u32 s2, v0;
	v48 =	vld.idx.msk [tilespmem:v51+s15+$0x0], $0xffff;
	[tilespmem:s26+$0x10570] =	vst v6  }
0x18b: {  	v50 =	vadd.f32 v26, v25;
	s13 =	sor.u32 $0x8, s26;
	v49 =	vor.u32 s7, v0;
	v51 =	vadd.f32 v29, v27;
	v12 =	vld.idx.msk [tilespmem:v52+s15+$0x0], $0xffff  }
0x18c: {  	v11 =	vadd.f32 v59, v17;
	v55 =	vor.u32 s13, v0;
	s7 =	sor.u32 $0xF, s26;
	v14 =	vld.idx.msk [tilespmem:v57+s15+$0x0], $0xffff  }
0x18d: {  	v59 =	vadd.f32 v51, v50;
	s31 =	sor.u32 $0xC, s26;
	v51 =	vor.u32 s7, v0;
	v63 =	vadd.f32 v24, v22;
	v24 =	vld.idx.msk [tilespmem:v58+s15+$0x0], $0xffff  }
0x18e: {  	v10 =	vadd.f32 v15, v56;
	v56 =	vadd.f32 v40, v38;
	s2 =	sor.u32 $0xE, s26;
	v38 =	vor.u32 s31, v0;
	v23 =	vld.idx.msk [tilespmem:v60+s15+$0x0], $0xffff  }
0x18f: {  	s1 =	sor.u32 $0x4, s26;
	v62 =	vadd.f32 v20, v18;
	v46 =	vor.u32 s2, v0;
	v15 =	vld.idx.msk [tilespmem:v61+s15+$0x0], $0xffff  }
0x190: {  	v5 =	vadd.f32 v7, v5;
	s30 =	sor.u32 $0xB, s26;
	v53 =	vadd.f32 v30, v28;
	v6 =	vor.u32 s1, v0;
	v19 =	vld.idx.msk [tilespmem:v49+s15+$0x0], $0xffff  }
0x191: {  	s11 =	sor.u32 $0x7, s26;
	v54 =	vadd.f32 v36, v32;
	v17 =	vadd.f32 v63, v62;
	v63 =	vor.u32 s30, v0;
	v40 =	vld.idx.msk [tilespmem:v55+s15+$0x0], $0xffff  }
0x192: {  	s28 =	sor.u32 $0x9, s26;
	v7 =	vadd.f32 v11, v10;
	v52 =	vor.u32 s11, v0;
	v57 =	vadd.f32 v39, v41;
	v18 =	vld.idx.msk [tilespmem:v51+s15+$0x0], $0xffff  }
0x193: {  	s29 =	sor.u32 $0xA, s26;
	v13 =	vadd.f32 v16, v13;
	v8 =	vadd.f32 v8, v21;
	v58 =	vor.u32 s28, v0;
	v11 =	vld.idx.msk [tilespmem:v38+s15+$0x0], $0xffff  }
0x194: {  	v5 =	vadd.f32 v7, v5;
	s1 =	sor.u32 $0xD, s26;
	v60 =	vor.u32 s29, v0;
	v62 =	vadd.f32 v57, v56;
	v56 =	vld.idx.msk [tilespmem:v46+s15+$0x0], $0xffff  }
0x195: {  	v8 =	vadd.f32 v8, v13;
	v31 =	vadd.f32 v31, v47;
	v41 =	vor.u32 s1, v0;
	v6 =	vld.idx.msk [tilespmem:v6+s15+$0x0], $0xffff  }
0x196: {  	v9 =	vadd.f32 v48, v9;
	v61 =	vadd.f32 v54, v53;
	v27 =	vld.idx.msk [tilespmem:v63+s15+$0x0], $0xffff  }
0x197: {  	v54 =	vadd.f32 v43, v33;
	v55 =	vadd.f32 v45, v44;
	v36 =	vld.idx.msk [tilespmem:v52+s15+$0x0], $0xffff  }
0x198: {  	v53 =	vadd.f32 v35, v34;
	v9 =	vadd.f32 v9, v31;
	v49 =	vld.idx.msk [tilespmem:v58+s15+$0x0], $0xffff  }
0x199: {  	v17 =	vadd.f32 v59, v17;
	v57 =	vadd.f32 v55, v54;
	v50 =	vld.idx.msk [tilespmem:v60+s15+$0x0], $0xffff  }
0x19a: {  	v8 =	vadd.f32 v8, v9;
	v52 =	vadd.f32 v42, v37;
	v25 =	vld.idx.msk [tilespmem:v41+s15+$0x0], $0xffff  }
0x19b: {  	v39 =	vadd.f32 v62, v61;
	v12 =	vadd.f32 v14, v12  }
0x19c: {  	v58 =	vadd.f32 v23, v24;
	v20 =	vadd.f32 v53, v52  }
0x19d: {  	v16 =	vadd.f32 v18, v56;
	v6 =	vadd.f32 v15, v6  }
0x19e: {  	v10 =	vadd.f32 v36, v19;
	v59 =	vadd.f32 v49, v40  }
0x19f: {  	v60 =	vadd.f32 v27, v50;
	v11 =	vadd.f32 v25, v11  }
0x1a0: {  	v12 =	vadd.f32 v58, v12;
	v6 =	vadd.f32 v10, v6  }
0x1a1: {  	v61 =	vadd.f32 v60, v59;
	v11 =	vadd.f32 v16, v11  }
0x1a2: {  	p0 =	slt.u32 s22, $0xC;
	s11 =	sshll.u32 s22, $0x4;
	v7 =	vadd.f32 v39, v17;
	v62 =	vadd.f32 v57, v20  }
.Ltmp0:
0x1a3: {  	s13 =	sshll.u32 s23, $0x4;
	s0 =	sand.u32 $0x3FFFFFF0, s11;
	v6 =	vadd.f32 v6, v12;
	v63 =	vadd.f32 v11, v61;
	(pc) =	sbr.rel @p0 .LBB2_3-.Ltmp0, $4  }
0x1a4: {  	s23 =	sand.u32 $0x3FFFFFF0, s13;
	s26 =	sshll.u32 s24, $0x4;
	[tilespmem:s0+$0x10000] =	vst v5;
	v5 =	vadd.f32 v8, v62  }
0x1a5: {  	s28 =	sand.u32 $0x3FFFFFF0, s26;
	s29 =	sshll.u32 s25, $0x4;
	[tilespmem:s23+$0x10000] =	vst v7;
	v6 =	vadd.f32 v63, v6  }
0x1a6: {  	s31 =	sadd.s32 $0x4, s22;
	s30 =	sand.u32 $0x3FFFFFF0, s29;
	[tilespmem:s28+$0x10000] =	vst v5  }
0x1a7: {  	s22 =	smov.u32 s31;
	[tilespmem:s30+$0x10000] =	vst v6  }
0x1a8: {  	s22 =	sadd.s32 $0x1, s21;
	p0 =	seq.s32 s21, $0x1F  }
0x1a9: {  	s0 =	sadd.s32 @!p0 s5, s22  }
0x1aa: {  	s24 =	sshll.u32 @!p0 s0, $0xE  }
0x1ab: {  	s1 =	simm.s32 @!p0 $0x0;
	s0 =	sadd.s32 @!p0 s4, s24  }
0x1ac: {  	[tilespmem:s1], [sflag:$0x1] =	stream.linear.gather @!p0 [hbm4b:s0+s1], $0x8000, $0x38;
	[tilespmem:$0x11480] =	vst v63  }
0x1ad: {  	_ =	swait.ge [sflag:s16], $0x8000  }
0x1ae: {  	[sflag:s16] =	ssyncset.done $0x0  }
0x1af: {  	s23 =	sadd.s32 s5, s21;
	s25 =	simm.s32 $0x0;
	[sflag:s16] =	ssyncadd.s32 $0xFFFF8000  }
.LBB2_5:
0x1b0: {  	s0 =	sshll.u32 s25, $0xB  }
0x1b1: {  	s7 =	sand.u32 $0x3FFFF800, s0  }
0x1b2: {  	v5 =	vld [tilespmem:s7+$0x8000]  }
0x1b3: {  	v6 =	vld [tilespmem:s7+$0x8010];
	_ =	sdelay $0x1  }
0x1b4: {  	v7 =	vld [tilespmem:s7+$0x8020];
	_ =	sdelay $0x1  }
0x1b5: {  	v8 =	vld [tilespmem:s7+$0x8030]  }
0x1b6: {  	v5 =	vmul.f32 v5, v1;
	v6 =	vmul.f32 v6, v2;
	_ =	sdelay $0x1  }
0x1b7: {  	v5 =	vadd.f32 v6, v5;
	v6 =	vmul.f32 v7, v3;
	_ =	sdelay $0x1  }
0x1b8: {  	v5 =	vadd.f32 v6, v5;
	v6 =	vmul.f32 v8, v4;
	_ =	sdelay $0x1  }
0x1b9: {  	v5 =	vadd.f32 v6, v5  }
0x1ba: {  	s31 =	sshll.u32 s25, $0x8  }
0x1bb: {  	[tilespmem:s31+$0x10480] =	vst v5  }
0x1bc: {  	v5 =	vld [tilespmem:s7+$0x8080]  }
0x1bd: {  	v6 =	vld [tilespmem:s7+$0x8090];
	_ =	sdelay $0x1  }
0x1be: {  	v7 =	vld [tilespmem:s7+$0x80A0];
	_ =	sdelay $0x1  }
0x1bf: {  	v15 =	vld [tilespmem:s7+$0x80B0]  }
0x1c0: {  	v5 =	vmul.f32 v5, v1;
	v6 =	vmul.f32 v6, v2;
	_ =	sdelay $0x1  }
0x1c1: {  	v5 =	vadd.f32 v6, v5;
	v6 =	vmul.f32 v7, v3;
	_ =	sdelay $0x1  }
0x1c2: {  	v5 =	vadd.f32 v6, v5;
	v6 =	vmul.f32 v15, v4;
	_ =	sdelay $0x1  }
0x1c3: {  	v5 =	vadd.f32 v6, v5;
	_ =	sdelay $0x1  }
0x1c4: {  	[tilespmem:s31+$0x10490] =	vst v5  }
0x1c5: {  	v5 =	vld [tilespmem:s7+$0x8100]  }
0x1c6: {  	v6 =	vld [tilespmem:s7+$0x8110];
	_ =	sdelay $0x1  }
0x1c7: {  	v7 =	vld [tilespmem:s7+$0x8120];
	_ =	sdelay $0x1  }
0x1c8: {  	v16 =	vld [tilespmem:s7+$0x8130]  }
0x1c9: {  	v5 =	vmul.f32 v5, v1;
	v6 =	vmul.f32 v6, v2;
	_ =	sdelay $0x1  }
0x1ca: {  	v5 =	vadd.f32 v6, v5;
	v6 =	vmul.f32 v7, v3;
	_ =	sdelay $0x1  }
0x1cb: {  	v5 =	vadd.f32 v6, v5;
	v6 =	vmul.f32 v16, v4;
	_ =	sdelay $0x1  }
0x1cc: {  	v5 =	vadd.f32 v6, v5;
	_ =	sdelay $0x1  }
0x1cd: {  	[tilespmem:s31+$0x104A0] =	vst v5  }
0x1ce: {  	v5 =	vld [tilespmem:s7+$0x8180]  }
0x1cf: {  	v6 =	vld [tilespmem:s7+$0x8190];
	_ =	sdelay $0x1  }
0x1d0: {  	v7 =	vld [tilespmem:s7+$0x81A0];
	_ =	sdelay $0x1  }
0x1d1: {  	v17 =	vld [tilespmem:s7+$0x81B0]  }
0x1d2: {  	v5 =	vmul.f32 v5, v1;
	v6 =	vmul.f32 v6, v2;
	_ =	sdelay $0x1  }
0x1d3: {  	v5 =	vadd.f32 v6, v5;
	v6 =	vmul.f32 v7, v3;
	_ =	sdelay $0x1  }
0x1d4: {  	v5 =	vadd.f32 v6, v5;
	v6 =	vmul.f32 v17, v4;
	_ =	sdelay $0x1  }
0x1d5: {  	v5 =	vadd.f32 v6, v5;
	_ =	sdelay $0x1  }
0x1d6: {  	[tilespmem:s31+$0x104B0] =	vst v5  }
0x1d7: {  	v5 =	vld [tilespmem:s7+$0x8200]  }
0x1d8: {  	v6 =	vld [tilespmem:s7+$0x8210];
	_ =	sdelay $0x1  }
0x1d9: {  	v7 =	vld [tilespmem:s7+$0x8220];
	_ =	sdelay $0x1  }
0x1da: {  	v18 =	vld [tilespmem:s7+$0x8230]  }
0x1db: {  	v5 =	vmul.f32 v5, v1;
	v6 =	vmul.f32 v6, v2;
	_ =	sdelay $0x1  }
0x1dc: {  	v5 =	vadd.f32 v6, v5;
	v6 =	vmul.f32 v7, v3;
	_ =	sdelay $0x1  }
0x1dd: {  	v5 =	vadd.f32 v6, v5;
	v6 =	vmul.f32 v18, v4;
	_ =	sdelay $0x1  }
0x1de: {  	v5 =	vadd.f32 v6, v5;
	_ =	sdelay $0x1  }
0x1df: {  	[tilespmem:s31+$0x104C0] =	vst v5  }
0x1e0: {  	v5 =	vld [tilespmem:s7+$0x8280]  }
0x1e1: {  	v6 =	vld [tilespmem:s7+$0x8290];
	_ =	sdelay $0x1  }
0x1e2: {  	v7 =	vld [tilespmem:s7+$0x82A0];
	_ =	sdelay $0x1  }
0x1e3: {  	v19 =	vld [tilespmem:s7+$0x82B0]  }
0x1e4: {  	v5 =	vmul.f32 v5, v1;
	v6 =	vmul.f32 v6, v2;
	_ =	sdelay $0x1  }
0x1e5: {  	v5 =	vadd.f32 v6, v5;
	v6 =	vmul.f32 v7, v3;
	_ =	sdelay $0x1  }
0x1e6: {  	v5 =	vadd.f32 v6, v5;
	v6 =	vmul.f32 v19, v4;
	_ =	sdelay $0x1  }
0x1e7: {  	v5 =	vadd.f32 v6, v5;
	_ =	sdelay $0x1  }
0x1e8: {  	[tilespmem:s31+$0x104D0] =	vst v5  }
0x1e9: {  	v5 =	vld [tilespmem:s7+$0x8300]  }
0x1ea: {  	v6 =	vld [tilespmem:s7+$0x8310];
	_ =	sdelay $0x1  }
0x1eb: {  	v7 =	vld [tilespmem:s7+$0x8320];
	_ =	sdelay $0x1  }
0x1ec: {  	v20 =	vld [tilespmem:s7+$0x8330]  }
0x1ed: {  	v5 =	vmul.f32 v5, v1;
	v6 =	vmul.f32 v6, v2;
	_ =	sdelay $0x1  }
0x1ee: {  	v5 =	vadd.f32 v6, v5;
	v6 =	vmul.f32 v7, v3;
	_ =	sdelay $0x1  }
0x1ef: {  	v5 =	vadd.f32 v6, v5;
	v6 =	vmul.f32 v20, v4;
	_ =	sdelay $0x1  }
0x1f0: {  	v5 =	vadd.f32 v6, v5;
	_ =	sdelay $0x1  }
0x1f1: {  	[tilespmem:s31+$0x104E0] =	vst v5  }
0x1f2: {  	v5 =	vld [tilespmem:s7+$0x8380]  }
0x1f3: {  	v6 =	vld [tilespmem:s7+$0x8390];
	_ =	sdelay $0x1  }
0x1f4: {  	v7 =	vld [tilespmem:s7+$0x83A0];
	_ =	sdelay $0x1  }
0x1f5: {  	v21 =	vld [tilespmem:s7+$0x83B0]  }
0x1f6: {  	v5 =	vmul.f32 v5, v1;
	v6 =	vmul.f32 v6, v2;
	_ =	sdelay $0x1  }
0x1f7: {  	v5 =	vadd.f32 v6, v5;
	v6 =	vmul.f32 v7, v3;
	_ =	sdelay $0x1  }
0x1f8: {  	v5 =	vadd.f32 v6, v5;
	v6 =	vmul.f32 v21, v4;
	_ =	sdelay $0x1  }
0x1f9: {  	v5 =	vadd.f32 v6, v5;
	_ =	sdelay $0x1  }
0x1fa: {  	s26 =	sor.u32 $0x1, s25;
	[tilespmem:s31+$0x104F0] =	vst v5  }
0x1fb: {  	s2 =	sshll.u32 s26, $0xB;
	v5 =	vld [tilespmem:s7+$0x8400]  }
0x1fc: {  	s13 =	sand.u32 $0x3FFFF800, s2;
	v6 =	vld [tilespmem:s7+$0x8410]  }
0x1fd: {  	v9 =	vld [tilespmem:s13+$0x8000]  }
0x1fe: {  	v7 =	vld [tilespmem:s7+$0x8420]  }
0x1ff: {  	v10 =	vld [tilespmem:s13+$0x8010]  }
0x200: {  	v22 =	vld [tilespmem:s7+$0x8430]  }
0x201: {  	v5 =	vmul.f32 v5, v1;
	v6 =	vmul.f32 v6, v2  }
0x202: {  	v11 =	vld [tilespmem:s13+$0x8020]  }
0x203: {  	v5 =	vadd.f32 v6, v5;
	v6 =	vmul.f32 v7, v3  }
0x204: {  	v23 =	vld [tilespmem:s13+$0x8030];
	v24 =	vmul.f32 v10, v2  }
0x205: {  	v7 =	vmul.f32 v22, v4;
	v5 =	vadd.f32 v6, v5;
	v6 =	vmul.f32 v9, v1;
	_ =	sdelay $0x1  }
0x206: {  	v5 =	vadd.f32 v7, v5;
	v6 =	vadd.f32 v24, v6;
	v7 =	vmul.f32 v11, v3;
	_ =	sdelay $0x1  }
0x207: {  	[tilespmem:s31+$0x10500] =	vst v5;
	v5 =	vadd.f32 v7, v6;
	v6 =	vmul.f32 v23, v4  }
0x208: {  	v7 =	vld [tilespmem:s7+$0x8480]  }
0x209: {  	v25 =	vld [tilespmem:s7+$0x8490];
	v5 =	vadd.f32 v6, v5  }
0x20a: {  	s2 =	sshll.u32 s26, $0x8;
	v26 =	vld [tilespmem:s7+$0x84B0]  }
0x20b: {  	v6 =	vld [tilespmem:s7+$0x84A0];
	[tilespmem:s2+$0x10480] =	vst v5  }
0x20c: {  	v5 =	vld [tilespmem:s13+$0x8080]  }
0x20d: {  	v27 =	vld [tilespmem:s13+$0x8090]  }
0x20e: {  	v7 =	vmul.f32 v7, v1;
	v8 =	vmul.f32 v25, v2  }
0x20f: {  	v28 =	vld [tilespmem:s13+$0x80A0]  }
0x210: {  	v6 =	vmul.f32 v6, v3;
	v7 =	vadd.f32 v8, v7  }
0x211: {  	v30 =	vld [tilespmem:s13+$0x80B0];
	v29 =	vmul.f32 v26, v4  }
0x212: {  	v6 =	vadd.f32 v6, v7;
	v5 =	vmul.f32 v5, v1;
	v7 =	vmul.f32 v27, v2  }
0x213: {  	s28 =	sor.u32 $0x2, s25  }
0x214: {  	s11 =	sshll.u32 s28, $0xB;
	v6 =	vadd.f32 v29, v6;
	v5 =	vadd.f32 v7, v5;
	v7 =	vmul.f32 v28, v3  }
0x215: {  	s11 =	sand.u32 $0x3FFFF800, s11  }
0x216: {  	v12 =	vld [tilespmem:s11+$0x8000];
	[tilespmem:s31+$0x10510] =	vst v6;
	v5 =	vadd.f32 v7, v5;
	v6 =	vmul.f32 v30, v4  }
0x217: {  	v7 =	vld [tilespmem:s7+$0x8500]  }
0x218: {  	v31 =	vld [tilespmem:s7+$0x8510];
	v5 =	vadd.f32 v6, v5  }
0x219: {  	v32 =	vld [tilespmem:s7+$0x8530]  }
0x21a: {  	v6 =	vld [tilespmem:s7+$0x8520];
	[tilespmem:s2+$0x10490] =	vst v5  }
0x21b: {  	v5 =	vld [tilespmem:s13+$0x8100]  }
0x21c: {  	v33 =	vld [tilespmem:s13+$0x8110]  }
0x21d: {  	v35 =	vld [tilespmem:s11+$0x8010];
	v7 =	vmul.f32 v7, v1;
	v8 =	vmul.f32 v31, v2  }
0x21e: {  	v34 =	vld [tilespmem:s13+$0x8120]  }
0x21f: {  	v36 =	vld [tilespmem:s11+$0x8020];
	v6 =	vmul.f32 v6, v3;
	v7 =	vadd.f32 v8, v7  }
0x220: {  	v13 =	vld [tilespmem:s13+$0x8130];
	v9 =	vmul.f32 v32, v4  }
0x221: {  	v6 =	vadd.f32 v6, v7;
	v5 =	vmul.f32 v5, v1;
	v7 =	vmul.f32 v33, v2  }
0x222: {  	v37 =	vld [tilespmem:s11+$0x8030];
	v38 =	vmul.f32 v12, v1;
	v8 =	vmul.f32 v35, v2  }
0x223: {  	v6 =	vadd.f32 v9, v6;
	v5 =	vadd.f32 v7, v5;
	v7 =	vmul.f32 v34, v3  }
0x224: {  	v10 =	vmul.f32 v36, v3  }
0x225: {  	v8 =	vadd.f32 v8, v38;
	[tilespmem:s31+$0x10520] =	vst v6;
	v5 =	vadd.f32 v7, v5;
	v6 =	vmul.f32 v13, v4  }
0x226: {  	v7 =	vld [tilespmem:s7+$0x8580]  }
0x227: {  	v8 =	vadd.f32 v10, v8;
	v9 =	vmul.f32 v37, v4;
	v39 =	vld [tilespmem:s7+$0x8590];
	v5 =	vadd.f32 v6, v5  }
0x228: {  	v40 =	vld [tilespmem:s7+$0x85B0]  }
0x229: {  	v8 =	vadd.f32 v9, v8;
	v6 =	vld [tilespmem:s7+$0x85A0];
	[tilespmem:s2+$0x104A0] =	vst v5  }
0x22a: {  	s0 =	sshll.u32 s28, $0x8;
	v5 =	vld [tilespmem:s13+$0x8180]  }
0x22b: {  	[tilespmem:s0+$0x10480] =	vst v8;
	v41 =	vld [tilespmem:s13+$0x8190]  }
0x22c: {  	v8 =	vld [tilespmem:s11+$0x8080]  }
0x22d: {  	v42 =	vld [tilespmem:s13+$0x81A0]  }
0x22e: {  	s29 =	sor.u32 $0x3, s25;
	v43 =	vld [tilespmem:s11+$0x8090]  }
0x22f: {  	s1 =	sshll.u32 s29, $0xB;
	v14 =	vld [tilespmem:s13+$0x81B0];
	v7 =	vmul.f32 v7, v1;
	v11 =	vmul.f32 v39, v2  }
0x230: {  	s1 =	sand.u32 $0x3FFFF800, s1;
	v15 =	vld [tilespmem:s11+$0x80A0];
	v5 =	vmul.f32 v5, v1;
	v9 =	vmul.f32 v41, v2  }
0x231: {  	v46 =	vld [tilespmem:s1+$0x8000];
	v6 =	vmul.f32 v6, v3;
	v7 =	vadd.f32 v11, v7  }
0x232: {  	v44 =	vld [tilespmem:s11+$0x80B0];
	v10 =	vmul.f32 v40, v4;
	v45 =	vmul.f32 v42, v3;
	v5 =	vadd.f32 v9, v5  }
0x233: {  	v48 =	vld [tilespmem:s1+$0x8010];
	v47 =	vmul.f32 v43, v2;
	v6 =	vadd.f32 v6, v7;
	v7 =	vmul.f32 v8, v1  }
0x234: {  	v49 =	vmul.f32 v14, v4;
	v5 =	vadd.f32 v45, v5  }
0x235: {  	v51 =	vld [tilespmem:s1+$0x8020];
	v50 =	vmul.f32 v15, v3;
	v6 =	vadd.f32 v10, v6;
	v7 =	vadd.f32 v47, v7  }
0x236: {  	v5 =	vadd.f32 v49, v5  }
0x237: {  	v52 =	vld [tilespmem:s1+$0x8030];
	[tilespmem:s31+$0x10530] =	vst v6;
	v6 =	vadd.f32 v50, v7;
	v7 =	vmul.f32 v44, v4  }
0x238: {  	v54 =	vmul.f32 v48, v2;
	v53 =	vld [tilespmem:s7+$0x8600];
	[tilespmem:s2+$0x104B0] =	vst v5;
	v5 =	vmul.f32 v46, v1  }
0x239: {  	v6 =	vadd.f32 v7, v6;
	v55 =	vld [tilespmem:s13+$0x8200]  }
0x23a: {  	v10 =	vmul.f32 v51, v3;
	v7 =	vld [tilespmem:s13+$0x8210];
	v5 =	vadd.f32 v54, v5  }
0x23b: {  	[tilespmem:s0+$0x10490] =	vst v6;
	v56 =	vld [tilespmem:s13+$0x8220]  }
0x23c: {  	v8 =	vmul.f32 v52, v4;
	v6 =	vld [tilespmem:s11+$0x8100];
	v5 =	vadd.f32 v10, v5  }
0x23d: {  	v57 =	vld [tilespmem:s11+$0x8110]  }
0x23e: {  	v58 =	vld [tilespmem:s13+$0x8230];
	v5 =	vadd.f32 v8, v5  }
0x23f: {  	s30 =	sshll.u32 s29, $0x8;
	v60 =	vld [tilespmem:s11+$0x8120];
	v59 =	vmul.f32 v55, v1;
	v7 =	vmul.f32 v7, v2  }
0x240: {  	v61 =	vld [tilespmem:s11+$0x8130];
	[tilespmem:s30+$0x10480] =	vst v5  }
0x241: {  	v5 =	vadd.f32 v7, v59;
	v7 =	vmul.f32 v56, v3;
	v62 =	vld [tilespmem:s1+$0x8080]  }
0x242: {  	v6 =	vmul.f32 v6, v1;
	v10 =	vmul.f32 v57, v2;
	v63 =	vld [tilespmem:s1+$0x8090]  }
0x243: {  	v18 =	vld [tilespmem:s7+$0x8610];
	v5 =	vadd.f32 v7, v5;
	v7 =	vmul.f32 v58, v4  }
0x244: {  	v19 =	vmul.f32 v60, v3;
	v6 =	vadd.f32 v10, v6;
	v20 =	vld [tilespmem:s1+$0x80A0]  }
0x245: {  	v21 =	vld [tilespmem:s7+$0x8620];
	v5 =	vadd.f32 v7, v5  }
0x246: {  	v22 =	vld [tilespmem:s1+$0x80B0];
	v6 =	vadd.f32 v19, v6;
	v7 =	vmul.f32 v61, v4  }
0x247: {  	v23 =	vld [tilespmem:s7+$0x8630];
	[tilespmem:s2+$0x104C0] =	vst v5;
	v5 =	vmul.f32 v62, v1;
	v24 =	vmul.f32 v63, v2  }
0x248: {  	v6 =	vadd.f32 v7, v6;
	v25 =	vld [tilespmem:s13+$0x8280]  }
0x249: {  	v26 =	vmul.f32 v20, v3;
	v7 =	vld [tilespmem:s13+$0x8290];
	v5 =	vadd.f32 v24, v5  }
0x24a: {  	v27 =	vld [tilespmem:s13+$0x82A0];
	[tilespmem:s0+$0x104A0] =	vst v6  }
0x24b: {  	v28 =	vmul.f32 v22, v4;
	v6 =	vld [tilespmem:s11+$0x8180];
	v5 =	vadd.f32 v26, v5  }
0x24c: {  	v29 =	vld [tilespmem:s11+$0x8190]  }
0x24d: {  	v9 =	vmul.f32 v53, v1;
	v15 =	vmul.f32 v18, v2;
	v16 =	vld [tilespmem:s13+$0x82B0];
	v5 =	vadd.f32 v28, v5  }
0x24e: {  	v31 =	vld [tilespmem:s11+$0x81A0];
	v30 =	vmul.f32 v25, v1;
	v7 =	vmul.f32 v7, v2  }
0x24f: {  	v13 =	vmul.f32 v21, v3;
	v9 =	vadd.f32 v15, v9;
	v32 =	vld [tilespmem:s11+$0x81B0];
	[tilespmem:s30+$0x10490] =	vst v5  }
0x250: {  	v33 =	vmul.f32 v27, v3;
	v5 =	vmul.f32 v23, v4;
	v7 =	vadd.f32 v7, v30;
	v34 =	vld [tilespmem:s1+$0x8100]  }
0x251: {  	v9 =	vadd.f32 v13, v9;
	v6 =	vmul.f32 v6, v1;
	v10 =	vmul.f32 v29, v2;
	v35 =	vld [tilespmem:s1+$0x8110]  }
0x252: {  	v36 =	vmul.f32 v16, v4;
	v7 =	vadd.f32 v33, v7  }
0x253: {  	v37 =	vmul.f32 v31, v3;
	v38 =	vld [tilespmem:s1+$0x8120];
	v5 =	vadd.f32 v5, v9;
	v6 =	vadd.f32 v10, v6  }
0x254: {  	v7 =	vadd.f32 v36, v7  }
0x255: {  	v39 =	vld [tilespmem:s1+$0x8130];
	[tilespmem:s31+$0x10540] =	vst v5;
	v5 =	vadd.f32 v37, v6;
	v6 =	vmul.f32 v32, v4  }
0x256: {  	v40 =	vld [tilespmem:s7+$0x8680];
	[tilespmem:s2+$0x104D0] =	vst v7;
	v7 =	vmul.f32 v34, v1;
	v41 =	vmul.f32 v35, v2  }
0x257: {  	v5 =	vadd.f32 v6, v5;
	v42 =	vld [tilespmem:s13+$0x8300]  }
0x258: {  	v10 =	vmul.f32 v38, v3;
	v6 =	vld [tilespmem:s13+$0x8310];
	v7 =	vadd.f32 v41, v7  }
0x259: {  	v43 =	vld [tilespmem:s13+$0x8320];
	[tilespmem:s0+$0x104B0] =	vst v5  }
0x25a: {  	v8 =	vmul.f32 v39, v4;
	v5 =	vld [tilespmem:s11+$0x8200];
	v7 =	vadd.f32 v10, v7  }
0x25b: {  	v44 =	vld [tilespmem:s11+$0x8210]  }
0x25c: {  	v45 =	vld [tilespmem:s13+$0x8330];
	v7 =	vadd.f32 v8, v7  }
0x25d: {  	v47 =	vld [tilespmem:s11+$0x8220];
	v46 =	vmul.f32 v42, v1;
	v6 =	vmul.f32 v6, v2  }
0x25e: {  	v48 =	vld [tilespmem:s11+$0x8230];
	[tilespmem:s30+$0x104A0] =	vst v7  }
0x25f: {  	v6 =	vadd.f32 v6, v46;
	v7 =	vmul.f32 v43, v3;
	v49 =	vld [tilespmem:s1+$0x8180]  }
0x260: {  	v5 =	vmul.f32 v5, v1;
	v10 =	vmul.f32 v44, v2;
	v50 =	vld [tilespmem:s1+$0x8190]  }
0x261: {  	v51 =	vld [tilespmem:s7+$0x8690];
	v6 =	vadd.f32 v7, v6;
	v7 =	vmul.f32 v45, v4  }
0x262: {  	v52 =	vmul.f32 v47, v3;
	v53 =	vld [tilespmem:s1+$0x81A0];
	v5 =	vadd.f32 v10, v5  }
0x263: {  	v54 =	vld [tilespmem:s7+$0x86A0];
	v6 =	vadd.f32 v7, v6  }
0x264: {  	v55 =	vld [tilespmem:s1+$0x81B0];
	v5 =	vadd.f32 v52, v5;
	v7 =	vmul.f32 v48, v4  }
0x265: {  	v56 =	vld [tilespmem:s7+$0x86B0];
	[tilespmem:s2+$0x104E0] =	vst v6;
	v6 =	vmul.f32 v49, v1;
	v57 =	vmul.f32 v50, v2  }
0x266: {  	v5 =	vadd.f32 v7, v5;
	v58 =	vld [tilespmem:s13+$0x8380]  }
0x267: {  	v59 =	vmul.f32 v53, v3;
	v7 =	vld [tilespmem:s13+$0x8390];
	v6 =	vadd.f32 v57, v6  }
0x268: {  	v60 =	vld [tilespmem:s13+$0x83A0];
	[tilespmem:s0+$0x104C0] =	vst v5  }
0x269: {  	v61 =	vmul.f32 v55, v4;
	v5 =	vld [tilespmem:s11+$0x8280];
	v6 =	vadd.f32 v59, v6  }
0x26a: {  	v62 =	vld [tilespmem:s11+$0x8290]  }
0x26b: {  	v9 =	vmul.f32 v40, v1;
	v15 =	vmul.f32 v51, v2;
	v63 =	vld [tilespmem:s13+$0x83B0];
	v6 =	vadd.f32 v61, v6  }
0x26c: {  	v20 =	vld [tilespmem:s11+$0x82A0];
	v19 =	vmul.f32 v58, v1;
	v7 =	vmul.f32 v7, v2  }
0x26d: {  	v13 =	vmul.f32 v54, v3;
	v9 =	vadd.f32 v15, v9;
	v21 =	vld [tilespmem:s11+$0x82B0];
	[tilespmem:s30+$0x104B0] =	vst v6  }
0x26e: {  	v22 =	vmul.f32 v60, v3;
	v6 =	vmul.f32 v56, v4;
	v7 =	vadd.f32 v7, v19;
	v23 =	vld [tilespmem:s1+$0x8200]  }
0x26f: {  	v9 =	vadd.f32 v13, v9;
	v5 =	vmul.f32 v5, v1;
	v10 =	vmul.f32 v62, v2;
	v24 =	vld [tilespmem:s1+$0x8210]  }
0x270: {  	v25 =	vmul.f32 v63, v4;
	v7 =	vadd.f32 v22, v7  }
0x271: {  	v26 =	vmul.f32 v20, v3;
	v27 =	vld [tilespmem:s1+$0x8220];
	v6 =	vadd.f32 v6, v9;
	v5 =	vadd.f32 v10, v5  }
0x272: {  	v7 =	vadd.f32 v25, v7  }
0x273: {  	v28 =	vld [tilespmem:s1+$0x8230];
	[tilespmem:s31+$0x10550] =	vst v6;
	v5 =	vadd.f32 v26, v5;
	v6 =	vmul.f32 v21, v4  }
0x274: {  	v29 =	vld [tilespmem:s7+$0x8700];
	[tilespmem:s2+$0x104F0] =	vst v7;
	v7 =	vmul.f32 v23, v1;
	v30 =	vmul.f32 v24, v2  }
0x275: {  	v5 =	vadd.f32 v6, v5;
	v31 =	vld [tilespmem:s13+$0x8400]  }
0x276: {  	v10 =	vmul.f32 v27, v3;
	v6 =	vld [tilespmem:s13+$0x8410];
	v7 =	vadd.f32 v30, v7  }
0x277: {  	v32 =	vld [tilespmem:s13+$0x8420];
	[tilespmem:s0+$0x104D0] =	vst v5  }
0x278: {  	v8 =	vmul.f32 v28, v4;
	v5 =	vld [tilespmem:s11+$0x8300];
	v7 =	vadd.f32 v10, v7  }
0x279: {  	v33 =	vld [tilespmem:s11+$0x8310]  }
0x27a: {  	v34 =	vld [tilespmem:s13+$0x8430];
	v7 =	vadd.f32 v8, v7  }
0x27b: {  	v36 =	vld [tilespmem:s11+$0x8320];
	v35 =	vmul.f32 v31, v1;
	v6 =	vmul.f32 v6, v2  }
0x27c: {  	v37 =	vld [tilespmem:s11+$0x8330];
	[tilespmem:s30+$0x104C0] =	vst v7  }
0x27d: {  	v6 =	vadd.f32 v6, v35;
	v7 =	vmul.f32 v32, v3;
	v38 =	vld [tilespmem:s1+$0x8280]  }
0x27e: {  	v5 =	vmul.f32 v5, v1;
	v10 =	vmul.f32 v33, v2;
	v39 =	vld [tilespmem:s1+$0x8290]  }
0x27f: {  	v40 =	vld [tilespmem:s7+$0x8710];
	v6 =	vadd.f32 v7, v6;
	v7 =	vmul.f32 v34, v4  }
0x280: {  	v41 =	vmul.f32 v36, v3;
	v42 =	vld [tilespmem:s1+$0x82A0];
	v5 =	vadd.f32 v10, v5  }
0x281: {  	v43 =	vld [tilespmem:s7+$0x8720];
	v6 =	vadd.f32 v7, v6  }
0x282: {  	v44 =	vld [tilespmem:s1+$0x82B0];
	v5 =	vadd.f32 v41, v5;
	v7 =	vmul.f32 v37, v4  }
0x283: {  	v45 =	vld [tilespmem:s7+$0x8730];
	[tilespmem:s2+$0x10500] =	vst v6;
	v6 =	vmul.f32 v38, v1;
	v46 =	vmul.f32 v39, v2  }
0x284: {  	v5 =	vadd.f32 v7, v5;
	v47 =	vld [tilespmem:s13+$0x8480]  }
0x285: {  	v48 =	vmul.f32 v42, v3;
	v7 =	vld [tilespmem:s13+$0x8490];
	v6 =	vadd.f32 v46, v6  }
0x286: {  	v49 =	vld [tilespmem:s13+$0x84A0];
	[tilespmem:s0+$0x104E0] =	vst v5  }
0x287: {  	v50 =	vmul.f32 v44, v4;
	v5 =	vld [tilespmem:s11+$0x8380];
	v6 =	vadd.f32 v48, v6  }
0x288: {  	v51 =	vld [tilespmem:s11+$0x8390]  }
0x289: {  	v9 =	vmul.f32 v29, v1;
	v15 =	vmul.f32 v40, v2;
	v52 =	vld [tilespmem:s13+$0x84B0];
	v6 =	vadd.f32 v50, v6  }
0x28a: {  	v54 =	vld [tilespmem:s11+$0x83A0];
	v53 =	vmul.f32 v47, v1;
	v7 =	vmul.f32 v7, v2  }
0x28b: {  	v13 =	vmul.f32 v43, v3;
	v9 =	vadd.f32 v15, v9;
	v55 =	vld [tilespmem:s11+$0x83B0];
	[tilespmem:s30+$0x104D0] =	vst v6  }
0x28c: {  	v56 =	vmul.f32 v49, v3;
	v6 =	vmul.f32 v45, v4;
	v7 =	vadd.f32 v7, v53;
	v57 =	vld [tilespmem:s1+$0x8300]  }
0x28d: {  	v9 =	vadd.f32 v13, v9;
	v5 =	vmul.f32 v5, v1;
	v10 =	vmul.f32 v51, v2;
	v58 =	vld [tilespmem:s1+$0x8310]  }
0x28e: {  	v59 =	vmul.f32 v52, v4;
	v7 =	vadd.f32 v56, v7  }
0x28f: {  	v60 =	vmul.f32 v54, v3;
	v61 =	vld [tilespmem:s1+$0x8320];
	v6 =	vadd.f32 v6, v9;
	v5 =	vadd.f32 v10, v5  }
0x290: {  	v7 =	vadd.f32 v59, v7  }
0x291: {  	v62 =	vld [tilespmem:s1+$0x8330];
	[tilespmem:s31+$0x10560] =	vst v6;
	v5 =	vadd.f32 v60, v5;
	v6 =	vmul.f32 v55, v4  }
0x292: {  	v63 =	vld [tilespmem:s7+$0x8780];
	[tilespmem:s2+$0x10510] =	vst v7;
	v7 =	vmul.f32 v57, v1;
	v16 =	vmul.f32 v58, v2  }
0x293: {  	v5 =	vadd.f32 v6, v5;
	v17 =	vld [tilespmem:s13+$0x8500]  }
0x294: {  	v10 =	vmul.f32 v61, v3;
	v6 =	vld [tilespmem:s13+$0x8510];
	v7 =	vadd.f32 v16, v7  }
0x295: {  	v18 =	vld [tilespmem:s13+$0x8520];
	[tilespmem:s0+$0x104F0] =	vst v5  }
0x296: {  	v8 =	vmul.f32 v62, v4;
	v5 =	vld [tilespmem:s11+$0x8400];
	v7 =	vadd.f32 v10, v7  }
0x297: {  	v19 =	vld [tilespmem:s11+$0x8410]  }
0x298: {  	v20 =	vld [tilespmem:s13+$0x8530];
	v7 =	vadd.f32 v8, v7  }
0x299: {  	v22 =	vld [tilespmem:s11+$0x8420];
	v21 =	vmul.f32 v17, v1;
	v6 =	vmul.f32 v6, v2  }
0x29a: {  	v23 =	vld [tilespmem:s11+$0x8430];
	[tilespmem:s30+$0x104E0] =	vst v7  }
0x29b: {  	v6 =	vadd.f32 v6, v21;
	v7 =	vmul.f32 v18, v3;
	v24 =	vld [tilespmem:s1+$0x8380]  }
0x29c: {  	v5 =	vmul.f32 v5, v1;
	v10 =	vmul.f32 v19, v2;
	v25 =	vld [tilespmem:s1+$0x8390]  }
0x29d: {  	v26 =	vld [tilespmem:s7+$0x8790];
	v6 =	vadd.f32 v7, v6;
	v7 =	vmul.f32 v20, v4  }
0x29e: {  	v27 =	vmul.f32 v22, v3;
	v28 =	vld [tilespmem:s1+$0x83A0];
	v5 =	vadd.f32 v10, v5  }
0x29f: {  	v29 =	vld [tilespmem:s7+$0x87A0];
	v6 =	vadd.f32 v7, v6  }
0x2a0: {  	v30 =	vld [tilespmem:s1+$0x83B0];
	v5 =	vadd.f32 v27, v5;
	v7 =	vmul.f32 v23, v4  }
0x2a1: {  	v31 =	vld [tilespmem:s7+$0x87B0];
	[tilespmem:s2+$0x10520] =	vst v6;
	v6 =	vmul.f32 v24, v1;
	v32 =	vmul.f32 v25, v2  }
0x2a2: {  	v9 =	vmul.f32 v63, v1;
	v5 =	vadd.f32 v7, v5;
	v34 =	vld [tilespmem:s13+$0x8580]  }
0x2a3: {  	v33 =	vmul.f32 v26, v2;
	v35 =	vmul.f32 v28, v3;
	v7 =	vld [tilespmem:s13+$0x8590];
	v6 =	vadd.f32 v32, v6  }
0x2a4: {  	v36 =	vmul.f32 v29, v3;
	v37 =	vld [tilespmem:s13+$0x85A0];
	[tilespmem:s0+$0x10500] =	vst v5  }
0x2a5: {  	v9 =	vadd.f32 v33, v9;
	v38 =	vmul.f32 v30, v4;
	v5 =	vld [tilespmem:s11+$0x8480];
	v6 =	vadd.f32 v35, v6  }
0x2a6: {  	v41 =	vor.u32 s31, v0;
	v39 =	vld [tilespmem:s11+$0x8490]  }
0x2a7: {  	v40 =	vmul.f32 v31, v4;
	v9 =	vadd.f32 v36, v9;
	v42 =	vld [tilespmem:s13+$0x85B0];
	v6 =	vadd.f32 v38, v6  }
0x2a8: {  	v44 =	vld [tilespmem:s11+$0x84A0];
	v43 =	vmul.f32 v34, v1;
	v7 =	vmul.f32 v7, v2  }
0x2a9: {  	s7 =	sor.u32 $0x1, s31;
	v9 =	vadd.f32 v40, v9;
	v46 =	vld [tilespmem:s11+$0x84B0];
	[tilespmem:s30+$0x104F0] =	vst v6  }
0x2aa: {  	v45 =	vor.u32 s7, v0;
	s7 =	sor.u32 $0x2, s31;
	v6 =	vadd.f32 v7, v43;
	v7 =	vmul.f32 v37, v3;
	v47 =	vld [tilespmem:s1+$0x8400]  }
0x2ab: {  	v48 =	vor.u32 s7, v0;
	[tilespmem:s31+$0x10570] =	vst v9;
	v49 =	vmul.f32 v5, v1;
	v10 =	vmul.f32 v39, v2;
	v17 =	vld [tilespmem:s1+$0x8410]  }
0x2ac: {  	v50 =	vmul.f32 v42, v4;
	v5 =	vld.idx.msk [tilespmem:v41+s15+$0x0], $0xffff;
	v7 =	vadd.f32 v7, v6  }
0x2ad: {  	v51 =	vmul.f32 v44, v3;
	v52 =	vld [tilespmem:s1+$0x8420];
	v10 =	vadd.f32 v10, v49  }
0x2ae: {  	v55 =	vld [tilespmem:s1+$0x8430];
	v53 =	vadd.f32 v50, v7  }
0x2af: {  	v54 =	vmul.f32 v46, v4;
	v6 =	vld.idx.msk [tilespmem:v45+s15+$0x0], $0xffff;
	v10 =	vadd.f32 v51, v10  }
0x2b0: {  	v7 =	vld.idx.msk [tilespmem:v48+s15+$0x0], $0xffff;
	[tilespmem:s2+$0x10530] =	vst v53;
	v8 =	vmul.f32 v47, v1;
	v56 =	vmul.f32 v17, v2  }
0x2b1: {  	v10 =	vadd.f32 v54, v10;
	v11 =	vld [tilespmem:s13+$0x8600]  }
0x2b2: {  	v58 =	vmul.f32 v52, v3;
	v57 =	vld [tilespmem:s13+$0x8610];
	v8 =	vadd.f32 v56, v8  }
0x2b3: {  	v59 =	vld [tilespmem:s13+$0x8620];
	[tilespmem:s0+$0x10510] =	vst v10  }
0x2b4: {  	v60 =	vmul.f32 v55, v4;
	v10 =	vld [tilespmem:s11+$0x8500];
	v8 =	vadd.f32 v58, v8  }
0x2b5: {  	s7 =	sor.u32 $0x3, s31;
	v61 =	vld [tilespmem:s11+$0x8510]  }
0x2b6: {  	v62 =	vor.u32 s7, v0;
	v63 =	vld [tilespmem:s13+$0x8630];
	v8 =	vadd.f32 v60, v8  }
0x2b7: {  	v25 =	vld [tilespmem:s11+$0x8520];
	v23 =	vmul.f32 v11, v1;
	v24 =	vmul.f32 v57, v2  }
0x2b8: {  	s7 =	sor.u32 $0x4, s31;
	v18 =	vld [tilespmem:s11+$0x8530];
	[tilespmem:s30+$0x10500] =	vst v8  }
0x2b9: {  	v26 =	vor.u32 s7, v0;
	s7 =	sor.u32 $0x5, s31;
	v27 =	vmul.f32 v59, v3;
	v9 =	vadd.f32 v24, v23;
	v28 =	vld [tilespmem:s1+$0x8480]  }
0x2ba: {  	v19 =	vor.u32 s7, v0;
	v10 =	vmul.f32 v10, v1;
	v13 =	vmul.f32 v61, v2;
	v20 =	vld [tilespmem:s1+$0x8490]  }
0x2bb: {  	v29 =	vmul.f32 v63, v4;
	v8 =	vld.idx.msk [tilespmem:v62+s15+$0x0], $0xffff;
	v11 =	vadd.f32 v27, v9  }
0x2bc: {  	v12 =	vmul.f32 v25, v3;
	v30 =	vld [tilespmem:s1+$0x84A0];
	v10 =	vadd.f32 v13, v10  }
0x2bd: {  	v32 =	vld [tilespmem:s1+$0x84B0];
	v11 =	vadd.f32 v29, v11  }
0x2be: {  	v31 =	vmul.f32 v18, v4;
	v9 =	vld.idx.msk [tilespmem:v26+s15+$0x0], $0xffff;
	v12 =	vadd.f32 v12, v10  }
0x2bf: {  	v10 =	vld.idx.msk [tilespmem:v19+s15+$0x0], $0xffff;
	[tilespmem:s2+$0x10540] =	vst v11;
	v33 =	vmul.f32 v28, v1;
	v34 =	vmul.f32 v20, v2  }
0x2c0: {  	v12 =	vadd.f32 v31, v12;
	v35 =	vld [tilespmem:s13+$0x8680]  }
0x2c1: {  	v13 =	vmul.f32 v30, v3;
	v36 =	vld [tilespmem:s13+$0x8690];
	v11 =	vadd.f32 v34, v33  }
0x2c2: {  	v37 =	vld [tilespmem:s13+$0x86A0];
	[tilespmem:s0+$0x10520] =	vst v12  }
0x2c3: {  	v38 =	vmul.f32 v32, v4;
	v12 =	vld [tilespmem:s11+$0x8580];
	v11 =	vadd.f32 v13, v11  }
0x2c4: {  	s7 =	sor.u32 $0x6, s31;
	v39 =	vld [tilespmem:s11+$0x8590]  }
0x2c5: {  	v40 =	vor.u32 s7, v0;
	v41 =	vld [tilespmem:s13+$0x86B0];
	v11 =	vadd.f32 v38, v11  }
0x2c6: {  	v43 =	vld [tilespmem:s11+$0x85A0];
	v42 =	vmul.f32 v35, v1;
	v15 =	vmul.f32 v36, v2  }
0x2c7: {  	s7 =	sor.u32 $0x7, s31;
	v21 =	vld [tilespmem:s11+$0x85B0];
	[tilespmem:s30+$0x10510] =	vst v11  }
0x2c8: {  	v44 =	vor.u32 s7, v0;
	s7 =	sor.u32 $0x8, s31;
	v14 =	vmul.f32 v37, v3;
	v13 =	vadd.f32 v15, v42;
	v45 =	vld [tilespmem:s1+$0x8500]  }
0x2c9: {  	v22 =	vor.u32 s7, v0;
	v12 =	vmul.f32 v12, v1;
	v16 =	vmul.f32 v39, v2;
	v23 =	vld [tilespmem:s1+$0x8510]  }
0x2ca: {  	v46 =	vmul.f32 v41, v4;
	v11 =	vld.idx.msk [tilespmem:v40+s15+$0x0], $0xffff;
	v13 =	vadd.f32 v14, v13  }
0x2cb: {  	v17 =	vmul.f32 v43, v3;
	v47 =	vld [tilespmem:s1+$0x8520];
	v16 =	vadd.f32 v16, v12  }
0x2cc: {  	v49 =	vld [tilespmem:s1+$0x8530];
	v14 =	vadd.f32 v46, v13  }
0x2cd: {  	v48 =	vmul.f32 v21, v4;
	v12 =	vld.idx.msk [tilespmem:v44+s15+$0x0], $0xffff;
	v16 =	vadd.f32 v17, v16  }
0x2ce: {  	v13 =	vld.idx.msk [tilespmem:v22+s15+$0x0], $0xffff;
	[tilespmem:s2+$0x10550] =	vst v14;
	v50 =	vmul.f32 v45, v1;
	v51 =	vmul.f32 v23, v2  }
0x2cf: {  	v16 =	vadd.f32 v48, v16;
	v52 =	vld [tilespmem:s13+$0x8700]  }
0x2d0: {  	v54 =	vmul.f32 v47, v3;
	v53 =	vld [tilespmem:s13+$0x8710];
	v14 =	vadd.f32 v51, v50  }
0x2d1: {  	v55 =	vld [tilespmem:s13+$0x8720];
	[tilespmem:s0+$0x10530] =	vst v16  }
0x2d2: {  	v56 =	vmul.f32 v49, v4;
	v16 =	vld [tilespmem:s11+$0x8600];
	v14 =	vadd.f32 v54, v14  }
0x2d3: {  	s7 =	sor.u32 $0x9, s31;
	v57 =	vld [tilespmem:s11+$0x8610]  }
0x2d4: {  	v58 =	vor.u32 s7, v0;
	v59 =	vld [tilespmem:s13+$0x8730];
	v14 =	vadd.f32 v56, v14  }
0x2d5: {  	v61 =	vld [tilespmem:s11+$0x8620];
	v60 =	vmul.f32 v52, v1;
	v17 =	vmul.f32 v53, v2  }
0x2d6: {  	s7 =	sor.u32 $0xA, s31;
	v24 =	vld [tilespmem:s11+$0x8630];
	[tilespmem:s30+$0x10520] =	vst v14  }
0x2d7: {  	v62 =	vor.u32 s7, v0;
	s7 =	sor.u32 $0xB, s31;
	v63 =	vmul.f32 v55, v3;
	v15 =	vadd.f32 v17, v60;
	v28 =	vld [tilespmem:s1+$0x8580]  }
0x2d8: {  	v25 =	vor.u32 s7, v0;
	v16 =	vmul.f32 v16, v1;
	v19 =	vmul.f32 v57, v2;
	v26 =	vld [tilespmem:s1+$0x8590]  }
0x2d9: {  	v29 =	vmul.f32 v59, v4;
	v14 =	vld.idx.msk [tilespmem:v58+s15+$0x0], $0xffff;
	v17 =	vadd.f32 v63, v15  }
0x2da: {  	v30 =	vmul.f32 v61, v3;
	v31 =	vld [tilespmem:s1+$0x85A0];
	v16 =	vadd.f32 v19, v16  }
0x2db: {  	v33 =	vld [tilespmem:s1+$0x85B0];
	v17 =	vadd.f32 v29, v17  }
0x2dc: {  	v32 =	vmul.f32 v24, v4;
	v15 =	vld.idx.msk [tilespmem:v62+s15+$0x0], $0xffff;
	v19 =	vadd.f32 v30, v16  }
0x2dd: {  	v16 =	vld.idx.msk [tilespmem:v25+s15+$0x0], $0xffff;
	[tilespmem:s2+$0x10560] =	vst v17;
	v34 =	vmul.f32 v28, v1;
	v35 =	vmul.f32 v26, v2  }
0x2de: {  	v19 =	vadd.f32 v32, v19;
	v36 =	vld [tilespmem:s13+$0x8780]  }
0x2df: {  	v38 =	vmul.f32 v31, v3;
	v37 =	vld [tilespmem:s13+$0x8790];
	v17 =	vadd.f32 v35, v34  }
0x2e0: {  	v39 =	vld [tilespmem:s13+$0x87A0];
	[tilespmem:s0+$0x10540] =	vst v19  }
0x2e1: {  	v40 =	vmul.f32 v33, v4;
	v19 =	vld [tilespmem:s11+$0x8680];
	v17 =	vadd.f32 v38, v17  }
0x2e2: {  	s7 =	sor.u32 $0xC, s31;
	v41 =	vld [tilespmem:s11+$0x8690]  }
0x2e3: {  	v42 =	vor.u32 s7, v0;
	v43 =	vld [tilespmem:s13+$0x87B0];
	s13 =	sor.u32 $0xD, s31;
	v17 =	vadd.f32 v40, v17  }
0x2e4: {  	v46 =	vor.u32 s13, v0;
	s13 =	sor.u32 $0xE, s31;
	v45 =	vld [tilespmem:s11+$0x86A0]  }
0x2e5: {  	v27 =	vld [tilespmem:s11+$0x86B0];
	v47 =	vor.u32 s13, v0;
	v44 =	vmul.f32 v36, v1;
	v21 =	vmul.f32 v37, v2;
	[tilespmem:s30+$0x10530] =	vst v17  }
0x2e6: {  	v20 =	vmul.f32 v39, v3;
	v28 =	vld [tilespmem:s1+$0x8600]  }
0x2e7: {  	s13 =	sor.u32 $0xF, s31;
	v18 =	vadd.f32 v21, v44;
	v19 =	vmul.f32 v19, v1;
	v22 =	vmul.f32 v41, v2;
	v29 =	vld [tilespmem:s1+$0x8610]  }
0x2e8: {  	v50 =	vor.u32 s2, v0;
	v48 =	vor.u32 s13, v0;
	v49 =	vmul.f32 v43, v4;
	v17 =	vld.idx.msk [tilespmem:v42+s15+$0x0], $0xffff  }
0x2e9: {  	s31 =	sor.u32 $0x1, s2;
	v23 =	vmul.f32 v45, v3;
	v30 =	vld [tilespmem:s1+$0x8620];
	v18 =	vadd.f32 v20, v18;
	v22 =	vadd.f32 v22, v19  }
0x2ea: {  	v51 =	vor.u32 s31, v0;
	v21 =	vld.idx.msk [tilespmem:v47+s15+$0x0], $0xffff  }
0x2eb: {  	v53 =	vmul.f32 v27, v4;
	v54 =	vld [tilespmem:s1+$0x8630];
	v18 =	vadd.f32 v49, v18;
	v52 =	vadd.f32 v23, v22  }
0x2ec: {  	s31 =	sor.u32 $0x3, s2;
	v19 =	vld.idx.msk [tilespmem:v46+s15+$0x0], $0xffff;
	v28 =	vmul.f32 v28, v1;
	v29 =	vmul.f32 v29, v2  }
0x2ed: {  	v60 =	vor.u32 s31, v0;
	v23 =	vld.idx.msk [tilespmem:v48+s15+$0x0], $0xffff;
	[tilespmem:s2+$0x10570] =	vst v18;
	v22 =	vadd.f32 v53, v52  }
0x2ee: {  	v57 =	vmul.f32 v30, v3;
	v18 =	vld.idx.msk [tilespmem:v50+s15+$0x0], $0xffff;
	v56 =	vadd.f32 v29, v28  }
0x2ef: {  	v20 =	vld.idx.msk [tilespmem:v51+s15+$0x0], $0xffff;
	[tilespmem:s0+$0x10550] =	vst v22  }
0x2f0: {  	v27 =	vmul.f32 v54, v4;
	v58 =	vld [tilespmem:s11+$0x8700];
	v25 =	vadd.f32 v57, v56  }
0x2f1: {  	s13 =	sor.u32 $0x2, s2;
	v59 =	vld [tilespmem:s11+$0x8710]  }
0x2f2: {  	v55 =	vor.u32 s13, v0;
	s31 =	sor.u32 $0x5, s2;
	v24 =	vld.idx.msk [tilespmem:v60+s15+$0x0], $0xffff;
	v25 =	vadd.f32 v27, v25  }
0x2f3: {  	v32 =	vor.u32 s31, v0;
	s31 =	sor.u32 $0x7, s2;
	v61 =	vld [tilespmem:s11+$0x8720]  }
0x2f4: {  	v34 =	vor.u32 s31, v0;
	v63 =	vld [tilespmem:s11+$0x8730];
	[tilespmem:s30+$0x10540] =	vst v25  }
0x2f5: {  	s13 =	sor.u32 $0x4, s2;
	v31 =	vld [tilespmem:s1+$0x8680]  }
0x2f6: {  	v62 =	vor.u32 s13, v0;
	s13 =	sor.u32 $0x6, s2;
	v38 =	vmul.f32 v58, v1;
	v39 =	vmul.f32 v59, v2;
	v40 =	vld [tilespmem:s1+$0x8690]  }
0x2f7: {  	v33 =	vor.u32 s13, v0;
	s13 =	sor.u32 $0x8, s2;
	v22 =	vld.idx.msk [tilespmem:v55+s15+$0x0], $0xffff  }
0x2f8: {  	v36 =	vor.u32 s13, v0;
	s13 =	sor.u32 $0xA, s2;
	v27 =	vmul.f32 v61, v3;
	v35 =	vld [tilespmem:s1+$0x86A0];
	v26 =	vadd.f32 v39, v38  }
0x2f9: {  	v47 =	vor.u32 s13, v0;
	v29 =	vld.idx.msk [tilespmem:v34+s15+$0x0], $0xffff  }
0x2fa: {  	v30 =	vmul.f32 v63, v4;
	v37 =	vld [tilespmem:s1+$0x86B0];
	v41 =	vadd.f32 v27, v26  }
0x2fb: {  	v25 =	vld.idx.msk [tilespmem:v62+s15+$0x0], $0xffff;
	v31 =	vmul.f32 v31, v1;
	v28 =	vmul.f32 v40, v2  }
0x2fc: {  	v26 =	vld.idx.msk [tilespmem:v32+s15+$0x0], $0xffff;
	v30 =	vadd.f32 v30, v41  }
0x2fd: {  	v27 =	vld.idx.msk [tilespmem:v33+s15+$0x0], $0xffff;
	v43 =	vmul.f32 v35, v3;
	v31 =	vadd.f32 v28, v31  }
0x2fe: {  	v32 =	vld.idx.msk [tilespmem:v47+s15+$0x0], $0xffff;
	[tilespmem:s0+$0x10560] =	vst v30  }
0x2ff: {  	v45 =	vmul.f32 v37, v4;
	v44 =	vld [tilespmem:s11+$0x8780];
	v31 =	vadd.f32 v43, v31  }
0x300: {  	s31 =	sor.u32 $0x9, s2;
	v46 =	vld [tilespmem:s11+$0x8790]  }
0x301: {  	v42 =	vor.u32 s31, v0;
	v28 =	vld.idx.msk [tilespmem:v36+s15+$0x0], $0xffff;
	v31 =	vadd.f32 v45, v31  }
0x302: {  	s31 =	sor.u32 $0xB, s2;
	v48 =	vld [tilespmem:s11+$0x87A0]  }
0x303: {  	v49 =	vor.u32 s31, v0;
	v50 =	vld [tilespmem:s11+$0x87B0];
	[tilespmem:s30+$0x10550] =	vst v31  }
0x304: {  	s13 =	sor.u32 $0xD, s2;
	v31 =	vld [tilespmem:s1+$0x8700]  }
0x305: {  	s31 =	sor.u32 $0xE, s2;
	v40 =	vor.u32 s13, v0;
	v34 =	vmul.f32 v44, v1;
	v35 =	vmul.f32 v46, v2;
	v39 =	vld [tilespmem:s1+$0x8710]  }
0x306: {  	v41 =	vor.u32 s31, v0;
	v30 =	vld.idx.msk [tilespmem:v42+s15+$0x0], $0xffff;
	s11 =	sor.u32 $0xC, s2  }
0x307: {  	s2 =	sor.u32 $0xF, s2;
	v38 =	vor.u32 s11, v0;
	v33 =	vmul.f32 v48, v3;
	v51 =	vld [tilespmem:s1+$0x8720];
	v34 =	vadd.f32 v35, v34  }
0x308: {  	v36 =	vld.idx.msk [tilespmem:v49+s15+$0x0], $0xffff;
	v42 =	vor.u32 s2, v0  }
0x309: {  	v53 =	vor.u32 s0, v0;
	s11 =	sor.u32 $0x1, s0;
	v52 =	vmul.f32 v50, v4;
	v43 =	vld [tilespmem:s1+$0x8730];
	v33 =	vadd.f32 v33, v34  }
0x30a: {  	s13 =	sor.u32 $0x2, s0;
	v40 =	vld.idx.msk [tilespmem:v40+s15+$0x0], $0xffff;
	v44 =	vor.u32 s11, v0;
	v31 =	vmul.f32 v31, v1;
	v39 =	vmul.f32 v39, v2  }
0x30b: {  	s7 =	sor.u32 $0x4, s0;
	v54 =	vor.u32 s13, v0;
	v41 =	vld.idx.msk [tilespmem:v41+s15+$0x0], $0xffff;
	v33 =	vadd.f32 v52, v33  }
0x30c: {  	v55 =	vor.u32 s7, v0;
	s11 =	sor.u32 $0x5, s0;
	v38 =	vld.idx.msk [tilespmem:v38+s15+$0x0], $0xffff;
	v35 =	vmul.f32 v51, v3;
	v31 =	vadd.f32 v39, v31  }
0x30d: {  	v57 =	vor.u32 s11, v0;
	v39 =	vld.idx.msk [tilespmem:v42+s15+$0x0], $0xffff;
	[tilespmem:s0+$0x10570] =	vst v33  }
0x30e: {  	v56 =	vmul.f32 v43, v4;
	v37 =	vld.idx.msk [tilespmem:v53+s15+$0x0], $0xffff;
	v31 =	vadd.f32 v35, v31  }
0x30f: {  	s13 =	sor.u32 $0x6, s0;
	v42 =	vld.idx.msk [tilespmem:v44+s15+$0x0], $0xffff  }
0x310: {  	v58 =	vor.u32 s13, v0;
	v34 =	vld.idx.msk [tilespmem:v54+s15+$0x0], $0xffff;
	v31 =	vadd.f32 v56, v31  }
0x311: {  	s7 =	sor.u32 $0x8, s0;
	v33 =	vld.idx.msk [tilespmem:v55+s15+$0x0], $0xffff  }
0x312: {  	v47 =	vor.u32 s7, v0;
	v43 =	vld.idx.msk [tilespmem:v57+s15+$0x0], $0xffff;
	[tilespmem:s30+$0x10560] =	vst v31  }
0x313: {  	s13 =	sor.u32 $0xA, s0;
	v31 =	vld [tilespmem:s1+$0x8780]  }
0x314: {  	s31 =	sor.u32 $0x3, s0;
	v50 =	vor.u32 s13, v0;
	v46 =	vld [tilespmem:s1+$0x8790]  }
0x315: {  	v45 =	vor.u32 s31, v0;
	s31 =	sor.u32 $0x7, s0;
	v44 =	vld.idx.msk [tilespmem:v58+s15+$0x0], $0xffff  }
0x316: {  	s7 =	sor.u32 $0xC, s0;
	v59 =	vor.u32 s31, v0;
	s11 =	sor.u32 $0x9, s0;
	v49 =	vld [tilespmem:s1+$0x87A0]  }
0x317: {  	v48 =	vor.u32 s11, v0;
	s11 =	sor.u32 $0xD, s0;
	v53 =	vor.u32 s7, v0;
	v47 =	vld.idx.msk [tilespmem:v47+s15+$0x0], $0xffff  }
0x318: {  	v61 =	vadd.f32 v10, v9;
	s13 =	sor.u32 $0xE, s0;
	v54 =	vor.u32 s11, v0;
	v52 =	vld [tilespmem:s1+$0x87B0]  }
0x319: {  	s31 =	sor.u32 $0xB, s0;
	s0 =	sor.u32 $0xF, s0;
	v55 =	vor.u32 s13, v0;
	v9 =	vld.idx.msk [tilespmem:v50+s15+$0x0], $0xffff;
	v31 =	vmul.f32 v31, v1;
	v46 =	vmul.f32 v46, v2  }
0x31a: {  	v62 =	vor.u32 s0, v0;
	v35 =	vld.idx.msk [tilespmem:v45+s15+$0x0], $0xffff  }
0x31b: {  	v5 =	vadd.f32 v6, v5;
	v45 =	vld.idx.msk [tilespmem:v59+s15+$0x0], $0xffff;
	v60 =	vmul.f32 v49, v3;
	v6 =	vadd.f32 v46, v31  }
0x31c: {  	v15 =	vadd.f32 v16, v15;
	v51 =	vor.u32 s31, v0;
	v56 =	vadd.f32 v14, v13;
	v13 =	vld.idx.msk [tilespmem:v53+s15+$0x0], $0xffff  }
0x31d: {  	s31 =	sor.u32 $0x1, s30;
	v16 =	vld.idx.msk [tilespmem:v54+s15+$0x0], $0xffff;
	v63 =	vmul.f32 v52, v4;
	v52 =	vor.u32 s30, v0;
	v6 =	vadd.f32 v60, v6  }
0x31e: {  	v7 =	vadd.f32 v8, v7;
	v57 =	vor.u32 s31, v0;
	v59 =	vadd.f32 v23, v21;
	v21 =	vld.idx.msk [tilespmem:v55+s15+$0x0], $0xffff;
	s1 =	sor.u32 $0x2, s30  }
0x31f: {  	v11 =	vadd.f32 v12, v11;
	s2 =	sor.u32 $0x3, s30;
	v8 =	vld.idx.msk [tilespmem:v62+s15+$0x0], $0xffff;
	v58 =	vor.u32 s1, v0;
	v6 =	vadd.f32 v63, v6  }
0x320: {  	s11 =	sor.u32 $0x5, s30;
	v31 =	vld.idx.msk [tilespmem:v48+s15+$0x0], $0xffff;
	v60 =	vor.u32 s2, v0  }
0x321: {  	v5 =	vadd.f32 v7, v5;
	v7 =	vadd.f32 v11, v61;
	s13 =	sor.u32 $0x6, s30;
	v61 =	vor.u32 s11, v0;
	v48 =	vld.idx.msk [tilespmem:v51+s15+$0x0], $0xffff;
	[tilespmem:s30+$0x10570] =	vst v6  }
0x322: {  	v17 =	vadd.f32 v19, v17;
	s1 =	sor.u32 $0x8, s30;
	v49 =	vor.u32 s13, v0;
	v12 =	vld.idx.msk [tilespmem:v52+s15+$0x0], $0xffff  }
0x323: {  	v5 =	vadd.f32 v7, v5;
	v10 =	vadd.f32 v15, v56;
	v55 =	vor.u32 s1, v0;
	s13 =	sor.u32 $0xC, s30;
	v14 =	vld.idx.msk [tilespmem:v57+s15+$0x0], $0xffff  }
0x324: {  	v56 =	vadd.f32 v40, v38;
	s1 =	sor.u32 $0xE, s30;
	v38 =	vor.u32 s13, v0;
	v63 =	vadd.f32 v24, v22;
	v24 =	vld.idx.msk [tilespmem:v58+s15+$0x0], $0xffff  }
0x325: {  	s7 =	sor.u32 $0x4, s30;
	v50 =	vadd.f32 v26, v25;
	v62 =	vadd.f32 v20, v18;
	v46 =	vor.u32 s1, v0;
	v23 =	vld.idx.msk [tilespmem:v60+s15+$0x0], $0xffff  }
0x326: {  	s11 =	sor.u32 $0xB, s30;
	v11 =	vadd.f32 v59, v17;
	v53 =	vadd.f32 v30, v28;
	v6 =	vor.u32 s7, v0;
	v15 =	vld.idx.msk [tilespmem:v61+s15+$0x0], $0xffff  }
0x327: {  	s31 =	sor.u32 $0x7, s30;
	v54 =	vadd.f32 v36, v32;
	v17 =	vadd.f32 v63, v62;
	v63 =	vor.u32 s11, v0;
	v19 =	vld.idx.msk [tilespmem:v49+s15+$0x0], $0xffff  }
0x328: {  	v7 =	vadd.f32 v11, v10;
	s2 =	sor.u32 $0x9, s30;
	v52 =	vor.u32 s31, v0;
	v57 =	vadd.f32 v39, v41;
	v40 =	vld.idx.msk [tilespmem:v55+s15+$0x0], $0xffff  }
0x329: {  	v13 =	vadd.f32 v16, v13;
	v8 =	vadd.f32 v8, v21;
	s7 =	sor.u32 $0xA, s30;
	v58 =	vor.u32 s2, v0;
	v11 =	vld.idx.msk [tilespmem:v38+s15+$0x0], $0xffff  }
0x32a: {  	v51 =	vadd.f32 v29, v27;
	v60 =	vor.u32 s7, v0;
	s31 =	sor.u32 $0xD, s30;
	v62 =	vadd.f32 v57, v56;
	v56 =	vld.idx.msk [tilespmem:v46+s15+$0x0], $0xffff  }
0x32b: {  	v5 =	vadd.f32 v7, v5;
	v8 =	vadd.f32 v8, v13;
	s2 =	sor.u32 $0xF, s30;
	v41 =	vor.u32 s31, v0;
	v6 =	vld.idx.msk [tilespmem:v6+s15+$0x0], $0xffff  }
0x32c: {  	v59 =	vadd.f32 v51, v50;
	v31 =	vadd.f32 v31, v47;
	v51 =	vor.u32 s2, v0;
	v27 =	vld.idx.msk [tilespmem:v63+s15+$0x0], $0xffff  }
0x32d: {  	v9 =	vadd.f32 v48, v9;
	v61 =	vadd.f32 v54, v53;
	v36 =	vld.idx.msk [tilespmem:v52+s15+$0x0], $0xffff  }
0x32e: {  	v54 =	vadd.f32 v43, v33;
	v55 =	vadd.f32 v45, v44;
	v49 =	vld.idx.msk [tilespmem:v58+s15+$0x0], $0xffff  }
0x32f: {  	v53 =	vadd.f32 v35, v34;
	v9 =	vadd.f32 v9, v31;
	v50 =	vld.idx.msk [tilespmem:v60+s15+$0x0], $0xffff  }
0x330: {  	v17 =	vadd.f32 v59, v17;
	v57 =	vadd.f32 v55, v54;
	v25 =	vld.idx.msk [tilespmem:v41+s15+$0x0], $0xffff  }
0x331: {  	v8 =	vadd.f32 v8, v9;
	v52 =	vadd.f32 v42, v37;
	v18 =	vld.idx.msk [tilespmem:v51+s15+$0x0], $0xffff  }
0x332: {  	v39 =	vadd.f32 v62, v61;
	v12 =	vadd.f32 v14, v12  }
0x333: {  	v58 =	vadd.f32 v23, v24;
	v20 =	vadd.f32 v53, v52  }
0x334: {  	v6 =	vadd.f32 v15, v6;
	v10 =	vadd.f32 v36, v19  }
0x335: {  	v59 =	vadd.f32 v49, v40;
	v60 =	vadd.f32 v27, v50  }
0x336: {  	v11 =	vadd.f32 v25, v11;
	v16 =	vadd.f32 v18, v56  }
0x337: {  	v12 =	vadd.f32 v58, v12;
	v6 =	vadd.f32 v10, v6  }
0x338: {  	v61 =	vadd.f32 v60, v59;
	v11 =	vadd.f32 v16, v11  }
0x339: {  	p1 =	slt.u32 s25, $0xC;
	s7 =	sshll.u32 s25, $0x4;
	v7 =	vadd.f32 v39, v17;
	v62 =	vadd.f32 v57, v20  }
.Ltmp1:
0x33a: {  	s11 =	sshll.u32 s26, $0x4;
	s0 =	sand.u32 $0xC0, s7;
	v6 =	vadd.f32 v6, v12;
	v63 =	vadd.f32 v11, v61;
	(pc) =	sbr.rel @p1 .LBB2_5-.Ltmp1, $4  }
0x33b: {  	s26 =	sshll.u32 s28, $0x4;
	s13 =	sand.u32 $0xD0, s11;
	[tilespmem:s0+$0x10100] =	vst v5;
	v5 =	vadd.f32 v8, v62  }
0x33c: {  	s29 =	sshll.u32 s29, $0x4;
	s28 =	sand.u32 $0xE0, s26;
	[tilespmem:s13+$0x10100] =	vst v7;
	v6 =	vadd.f32 v63, v6  }
0x33d: {  	s30 =	sand.u32 $0xF0, s29;
	s31 =	sadd.s32 $0x4, s25;
	[tilespmem:s28+$0x10100] =	vst v5  }
0x33e: {  	s25 =	smov.u32 s31;
	[tilespmem:s30+$0x10100] =	vst v6  }
0x33f: {  	s0 =	sadd.s32 @!p0 s24, s8;
	s1 =	simm.s32 @!p0 $0x0;
	s2 =	simm.s32 @!p0 $0x8000  }
0x340: {  	[tilespmem:s2], [sflag:$0x2] =	stream.linear.gather @!p0 [hbm4b:s0+s1], $0x8000, $0x38;
	[tilespmem:$0x11480] =	vst v63  }
0x341: {  	v5 =	vimm.f32 $0.0e+00;
	s0 =	simm.s32 $0x0;
	s1 =	simm.s32 $0x40  }
.LBB2_7:
0x342: {  	p0 =	sne.s32 s1, $0xFC0;
	v6 =	vld [tilespmem:s0+$0x10000];
	_ =	sdelay $0x4  }
0x343: {  	v6 =	vmul.f32 $1.442695020e+00, v6;
	_ =	sdelay $0x1  }
0x344: {  	(erf) = vpow2.f32 v6;
	_ =	sdelay $0x5  }
.Ltmp2:
0x345: {  	(pc) =	sbr.rel @p0 .LBB2_7-.Ltmp2, $3  }
0x346: {  	_ =	sdelay $0x1  }
0x347: {  	v6 =	vpop (erf)  }
0x348: {  	[tilespmem:s0+$0x10000] =	vst v6;
	s0 =	sshra.s32 s1, $0x2;
	s1 =	sadd.s32 $0x40, s1;
	v5 =	vadd.f32 v6, v5  }
0x349: {  	v6 =	vld [tilespmem:s0+$0x10000];
	_ =	sdelay $0x4  }
0x34a: {  	v6 =	vmul.f32 $1.442695020e+00, v6;
	_ =	sdelay $0x1  }
0x34b: {  	(erf) = vpow2.f32 v6;
	_ =	sdelay $0x8  }
0x34c: {  	v6 =	vpop (erf)  }
0x34d: {  	v5 =	vadd.f32 v6, v5;
	_ =	sdelay $0x1  }
0x34e: {  	(xrf2) =	vadd.scan.msk.f32 $0xffff, v5;
	_ =	sdelay $0x9  }
0x34f: {  	v5, _, _ =	vpop (xrf2)  }
0x350: {  	v5 =	vadd.f32 $0.0e+00, v5;
	_ =	sdelay $0x1  }
0x351: {  	v5 =	vbroadcast v5, $0xF;
	_ =	sdelay $0x1  }
0x352: {  	(erf) = vrcp.f32 v5;
	_ =	sdelay $0x8  }
0x353: {  	s1 =	simm.s32 $0x40;
	[tilespmem:s0+$0x10000] =	vst v6;
	s0 =	simm.s32 $0x0;
	v5 =	vpop (erf)  }
.LBB2_9:
0x354: {  	p0 =	sne.s32 s1, $0xFC0;
	v6 =	vld [tilespmem:s0+$0x10000];
	_ =	sdelay $0x2  }
.Ltmp3:
0x355: {  	(pc) =	sbr.rel @p0 .LBB2_9-.Ltmp3, $3  }
0x356: {  	_ = 	snop  }
0x357: {  	v6 =	vmul.f32 v6, v5;
	_ =	sdelay $0x1  }
0x358: {  	[tilespmem:s0+$0x10000] =	vst v6;
	s0 =	sshra.s32 s1, $0x2;
	s1 =	sadd.s32 $0x40, s1  }
0x359: {  	v6 =	vld [tilespmem:s0+$0x10000];
	_ =	sdelay $0x3  }
0x35a: {  	s1 =	sshll.u32 s21, $0x4  }
0x35b: {  	s2 =	sshll.u32 s23, $0x7;
	s1 =	sand.u32 $0x70, s1;
	v5 =	vmul.f32 v6, v5  }
0x35c: {  	p0 =	sne.s32 s22, $0x20;
	s2 =	sand.u32 $0x1FC00, s2;
	s1 =	sadd.s32 s6, s1  }
.Ltmp4:
0x35d: {  	s31 =	sadd.s32 s2, s1;
	[tilespmem:s0+$0x10000] =	vst v5;
	(pc) =	sbr.rel @p0 .LBB2_2-.Ltmp4, $4  }
0x35e: {  	[hbm4b:s31+s17] =	stream.strided.scatter [tilespmem:s19], [sflag:$0x3], $0x400, s18, s17, $0x38;
	[tilespmem:$0x11480] =	vst v63  }
0x35f: {  	_ =	swait.ge [sflag:s12], $0x400  }
0x360: {  	[sflag:s12] =	ssyncset.done $0x0  }
0x361: {  	s21 =	smov.u32 s22;
	[sflag:s12] =	ssyncadd.s32 $0xFFFFFC00  }
0x362: {  	s20 =	sadd.s32 $0x1, s20  }
0x363: {  	p0 =	sne.s32 s20, s10  }
.Ltmp5:
0x364: {  	_ = 	snop;
	(pc) =	sbr.rel @p0 .LBB2_1-.Ltmp5, $1  }
0x365: {  	_ =	sdelay $0x3  }
0x366: {  	_ =	sfence.sel $0x180000  }
0x367: {  	[bflag:$0x0] =	sbarrier.arrive $0xFFFF  }
0x368: {  	_ =	strace $0x90000047  }
0x369: {  	s0 =	stileid.u32;
	[bflag:$0x2] =	sbarrier.arrive $0xFFFF  }
0x36a: {  	p0 =	sne.s32 s0, $0x0;
	s0 =	rddreg [dreg:$0x2]  }
0x36b: {  	s0 =	sadd.s32 @!p0 $0x100000, s0  }
0x36c: {  	[sflag:s0] =	ssyncadd.tile.s32 @!p0 $0x1;
	_ =	shalt  }
.Lfunc_end2:
_tile_overlayer_lowered:
.L_overlay_start_2:
0x36d: {  	(tag) =	ssettag $0x2  }
0x36e: {  	s0 =	rddreg [dreg:$0x0];
	s2 =	stileid.u32  }
0x36f: {  	s1 =	rddreg [dreg:$0x1];
	p0 =	sne.s32 s2, $0x0  }
0x370: {  	s3 =	rddreg [dreg:$0x2];
	[bflag:$0x3] =	sbarrier.arrive $0xFFFF;
	s2 =	simm.s32 @!p0 $0x1C03  }
0x371: {  	[timem:s3], [sflag:s2] =	dma.local @!p0 [hbm:s0], s1  }
0x372: {  	s0 =	simm.s32 @!p0 $0x3  }
0x373: {  	_ =	swait.ge @!p0 [sflag:s0], s1  }
0x374: {  	s1 =	ssub.s32 @!p0 $0x0, s1;
	[sflag:s0] =	ssyncset.done @!p0 $0x0  }
0x375: {  	[sflag:s0] =	ssyncadd.s32 @!p0 s1  }
0x376: {  	[bflag:$0x3] =	sbarrier.arrive $0xFFFF  }
0x377: {  	_ =	shalt  }

// kernel: kernel.7.cloned.1.call-start
scs
__scs_entry_jumppad:
0x0: {  	(pc) =	sbr.rel $0x88, $3  }
0x1: {  	(tag) =	ssettag $0x0;
	lr =	simm.s32 $0x1  }
0x2: {  	[smem:$0x3F9E] =	sst lr;
	_ =	strace $0xD0000000  }
0x3: {  	_ = 	snop  }
0x4: {  	_ = 	snop  }
0x5: {  	_ = 	snop  }
0x6: {  	_ = 	snop  }
0x7: {  	_ = 	snop  }
__scs_overlays_trampoline_lowered:
0x8: {  	[smem:$0x3FAD] =	sst s0  }
0x9: {  	[smem:$0x3FAE] =	sst s1  }
0xa: {  	[smem:$0x3FAF] =	sst s2  }
0xb: {  	[smem:$0x3FB0] =	sst s3  }
0xc: {  	[smem:$0x3FB1] =	sst s4  }
0xd: {  	[smem:$0x3FB2] =	sst s5  }
0xe: {  	[smem:$0x3FB3] =	sst s6  }
0xf: {  	[smem:$0x3FB4] =	sst s7  }
0x10: {  	[smem:$0x3FB5] =	sst s8  }
0x11: {  	[smem:$0x3FB6] =	sst s9;
	s0 =	simm.s32 @!p0 $0x0  }
0x12: {  	s1 =	sld [smem:$0x3F9C];
	s0 =	simm.s32 @p0 $0x1  }
0x13: {  	[smem:$0x3FB7] =	sst s0;
	s0 =	simm.s32 @!p1 $0x0  }
0x14: {  	s2 =	sld [smem:$0x3F9B];
	s0 =	simm.s32 @p1 $0x1  }
0x15: {  	[smem:$0x3FB8] =	sst s0;
	s0 =	simm.s32 @!p2 $0x0  }
0x16: {  	s3 =	sld [smem:$0x3FDB];
	s0 =	simm.s32 @p2 $0x1  }
0x17: {  	s4 =	simm.s32 $0x1BF5;
	[smem:$0x3FBA] =	sst s0  }
0x18: {  	s0 =	sld [smem:$0x3F9D];
	_ =	swait.ge [sflag:s4], $0x0  }
0x19: {  	s7 =	sld [smem:$0x3F9E]  }
0x1a: {  	s8 =	sadd.s32 $0xFFFFE003, lr  }
0x1b: {  	s9 =	sadd.s32 $0xFFFFFEF7, lr;
	s5 =	simm.s32 $0xFFFFFFFF;
	p2 =	slt.u32 s8, $0xFFFFF086  }
0x1c: {  	p1 =	slt.u32 s9, $0xF7A;
	s5 =	simm.s32 @!p2 $0x0  }
0x1d: {  	s5 =	simm.s32 @p1 $0x1;
	p0 =	seq.s32 s7, s2  }
0x1e: {  	s7 =	smul.u32 @!p0 $0xF7A, s2;
	p2 =	seq.s32 @!p0 s5, $0x0  }
0x1f: {  	s9 =	smul.u32 $0xF7A, s1;
	s8 =	simm.s32 @!p0 $0x1BF5;
	p2 =	por !p2, p0  }
0x20: {  	[sflag:s8] =	ssyncset.s32 @!p0 $0xFFFFF086;
	s6 =	sadd.s32 @!p0 s3, s7;
	s7 =	simm.s32 @!p0 $0x108  }
0x21: {  	s3 =	sadd.s32 s3, s9;
	s6 =	sadd.s32 @!p0 $0x88, s6;
	s7 =	simm.s32 @p2 $0x1082  }
0x22: {  	[simem:s7], [sflag:s8] =	dma.local @!p0 [hbm:s6], $0xF7A  }
0x23: {  	s9 =	sor.u32 $0xD0000000, s2;
	s6 =	simm.s32 $0x108;
	_ =	swait.ge @!p0 [sflag:s8], $0x0  }
0x24: {  	s3 =	sadd.s32 $0x88, s3;
	s6 =	simm.s32 @!p1 $0x1082;
	[sflag:s4] =	ssyncset.s32 $0xFFFFF086  }
0x25: {  	[simem:s6], [sflag:s4] =	dma.local [hbm:s3], $0xF7A  }
0x26: {  	[smem:$0x3F9E] =	sst s1;
	(tag) =	ssettag s2;
	_ =	strace s9  }
0x27: {  	s1 =	sld [smem:$0x3FAE]  }
0x28: {  	s2 =	sld [smem:$0x3FAF]  }
0x29: {  	s4 =	sld [smem:$0x3FB1]  }
0x2a: {  	p0 =	seq.s32 s5, $0x0;
	s5 =	sld [smem:$0x3FB2]  }
0x2b: {  	s6 =	sld [smem:$0x3FB3]  }
0x2c: {  	s7 =	sld [smem:$0x3FB4]  }
0x2d: {  	s3 =	simm.s32 $0x108;
	s8 =	sld [smem:$0x3FB5]  }
0x2e: {  	s3 =	simm.s32 @!p0 $0x1082;
	s9 =	sld [smem:$0x3FB6]  }
0x2f: {  	lr =	sadd.s32 s0, s3;
	s0 =	sld [smem:$0x3FAD]  }
0x30: {  	s3 =	sld [smem:$0x3FB0]  }
0x31: {  	[smem:$0x3FB9] =	sst s10  }
0x32: {  	s10 =	sld [smem:$0x3FB7];
	_ =	sdelay $0x3  }
0x33: {  	p0 =	seq.s32 s10, $0x1;
	s10 =	sld [smem:$0x3FB9];
	_ =	sdelay $0x3  }
0x34: {  	[smem:$0x3FB9] =	sst s10  }
0x35: {  	s10 =	sld [smem:$0x3FB8];
	_ =	sdelay $0x3  }
0x36: {  	p1 =	seq.s32 s10, $0x1;
	s10 =	sld [smem:$0x3FB9];
	_ =	sdelay $0x3  }
0x37: {  	[smem:$0x3FB9] =	sst s10  }
0x38: {  	s10 =	sld [smem:$0x3FBA]  }
0x39: {  	_ = 	snop;
	(pc) =	sbr.ind lr, $3  }
0x3a: {  	_ = 	snop  }
0x3b: {  	_ = 	snop  }
0x3c: {  	p2 =	seq.s32 s10, $0x1;
	s10 =	sld [smem:$0x3FB9]  }
0x3d: {  	_ =	shalt  }
0x3e: {  	_ =	shalt  }
0x3f: {  	_ =	shalt  }
0x40: {  	_ =	shalt  }
0x41: {  	_ =	shalt  }
0x42: {  	_ =	shalt  }
0x43: {  	_ =	shalt  }
0x44: {  	_ =	shalt  }
0x45: {  	_ =	shalt  }
0x46: {  	_ =	shalt  }
0x47: {  	_ =	shalt  }
0x48: {  	_ =	shalt  }
0x49: {  	_ =	shalt  }
0x4a: {  	_ =	shalt  }
0x4b: {  	_ =	shalt  }
0x4c: {  	_ =	shalt  }
0x4d: {  	_ =	shalt  }
0x4e: {  	_ =	shalt  }
0x4f: {  	_ =	shalt  }
0x50: {  	_ =	shalt  }
0x51: {  	_ =	shalt  }
0x52: {  	_ =	shalt  }
0x53: {  	_ =	shalt  }
0x54: {  	_ =	shalt  }
0x55: {  	_ =	shalt  }
0x56: {  	_ =	shalt  }
0x57: {  	_ =	shalt  }
0x58: {  	_ =	shalt  }
0x59: {  	_ =	shalt  }
0x5a: {  	_ =	shalt  }
0x5b: {  	_ =	shalt  }
0x5c: {  	_ =	shalt  }
0x5d: {  	_ =	shalt  }
0x5e: {  	_ =	shalt  }
0x5f: {  	_ =	shalt  }
0x60: {  	_ =	shalt  }
0x61: {  	_ =	shalt  }
0x62: {  	_ =	shalt  }
0x63: {  	_ =	shalt  }
0x64: {  	_ =	shalt  }
0x65: {  	_ =	shalt  }
0x66: {  	_ =	shalt  }
0x67: {  	_ =	shalt  }
0x68: {  	_ =	shalt  }
0x69: {  	_ =	shalt  }
0x6a: {  	_ =	shalt  }
0x6b: {  	_ =	shalt  }
0x6c: {  	_ =	shalt  }
0x6d: {  	_ =	shalt  }
0x6e: {  	_ =	shalt  }
0x6f: {  	_ =	shalt  }
0x70: {  	_ =	shalt  }
0x71: {  	_ =	shalt  }
0x72: {  	_ =	shalt  }
0x73: {  	_ =	shalt  }
0x74: {  	_ =	shalt  }
0x75: {  	_ =	shalt  }
0x76: {  	_ =	shalt  }
0x77: {  	_ =	shalt  }
0x78: {  	_ =	shalt  }
0x79: {  	_ =	shalt  }
0x7a: {  	_ =	shalt  }
0x7b: {  	_ =	shalt  }
0x7c: {  	_ =	shalt  }
0x7d: {  	_ =	shalt  }
0x7e: {  	_ =	shalt  }
0x7f: {  	_ =	shalt  }
0x80: {  	_ =	shalt  }
0x81: {  	_ =	shalt  }
0x82: {  	_ =	shalt  }
0x83: {  	_ =	shalt  }
0x84: {  	_ =	shalt  }
0x85: {  	_ =	shalt  }
0x86: {  	_ =	shalt  }
0x87: {  	_ =	shalt  }
.Lfunc_end0:
.L_simem_size_0:
called_computation.1_lowered:
.L_overlay_start_0:
0x88: {  	s2 =	sld [smem:$0x3FD9]  }
0x89: {  	s3 =	sld [smem:$0x3FFE];
	_ =	sdelay $0x1  }
0x8a: {  	s1 =	srdreg.scid  }
0x8b: {  	s0 =	sand.u32 $0x1, s1  }
0x8c: {  	s17 =	sshll.u32 s0, $0xA;
	s2 =	sadd.s32 s3, s2  }
0x8d: {  	s2 =	sadd.s32 s2, s17  }
0x8e: {  	[smem:$0x3FC5] =	sst s2  }
0x8f: {  	_ = 	snop  }
0x90: {  	s2 =	sld [smem:$0x3FC9]  }
0x91: {  	s18 =	sld [smem:$0x3FD0];
	(tm) =	ssettm $0x1  }
0x92: {  	s4 =	sld [smem:$0x3FFB];
	_ =	sdelay $0x3  }
0x93: {  	_ =	strace s4  }
0x94: {  	s4 =	sld [smem:$0x3FFC];
	_ =	sdelay $0x3  }
0x95: {  	_ =	strace s4  }
0x96: {  	s4 =	sld [smem:$0x3FFD];
	_ =	sdelay $0x3  }
0x97: {  	_ =	strace s4  }
0x98: {  	_ =	strace $0x8FFFFFFF  }
0x99: {  	s19 =	sld [smem:$0x3FDB];
	_ =	sdelay $0x1  }
0x9a: {  	s5 =	simm.s32 $_scs_section_size  }
0x9b: {  	s6 =	simm.s32 $_size__tile_overlayer_lowered;
	s7 =	simm.s32 $_tile_overlayer_lowered  }
0x9c: {  	s22 =	simm.s32 $0x1BFF;
	s21 =	sshll.u32 s7, $0x1;
	s4 =	sadd.s32 s5, s19  }
0x9d: {  	s8 =	simm.s32 $0x0;
	s20 =	sshll.u32 s6, $0x1;
	s6 =	sadd.s32 s21, s4  }
0x9e: {  	[timem:s8], [sflag:s22] =	dma.local [hbm:s6], s20  }
0x9f: {  	_ =	swait.ge [sflag:s22], s20  }
0xa0: {  	s5 =	ssub.s32 $0x0, s20;
	[sflag:s22] =	ssyncset.done $0x0  }
0xa1: {  	[sflag:s22] =	ssyncadd.s32 s5;
	_ =	sdelay $0x1  }
0xa2: {  	s23 =	simm.s32 $0x1B8B  }
0xa3: {  	_ =	swait.ge [sflag:s23], $0x1  }
0xa4: {  	[sflag:s23] =	ssyncset.done $0x0  }
0xa5: {  	s25 =	simm.s32 $0x1B8E;
	s24 =	sld [smem:$0x3FFE];
	[sflag:s23] =	ssyncadd.s32 $0xFFFFFFFF  }
0xa6: {  	s26 =	simm.s32 $execute0_lowered;
	[smem:$0x3FD2] =	sst s25  }
0xa7: {  	s6 =	sshll.u32 s26, $0x1;
	_ =	strace $0x80000049;
	[dreg:$0x1] =	wrdreg $0xFFFFFFFF  }
0xa8: {  	s28 =	simm.s32 $_size_execute0_lowered;
	s4 =	sadd.s32 s4, s6;
	[dreg:$0x0] =	wrdreg $0x0  }
0xa9: {  	s6 =	sshll.u32 s28, $0x1;
	[dreg:$0x2] =	wrdreg s4  }
0xaa: {  	[dreg:$0x3] =	wrdreg s6  }
0xab: {  	[dreg:$0x4] =	wrdreg $0xC0  }
0xac: {  	_ =	task [dreg:s8], $0x5FFFF  }
0xad: {  	[dreg:$0x1] =	wrdreg $0xFFFFFFFF  }
0xae: {  	[dreg:$0x0] =	wrdreg $0x60  }
0xaf: {  	[dreg:$0x2] =	wrdreg s24  }
0xb0: {  	[dreg:$0x3] =	wrdreg s2  }
0xb1: {  	[dreg:$0x4] =	wrdreg s18  }
0xb2: {  	[dreg:$0x5] =	wrdreg $0x9  }
0xb3: {  	_ =	task.clear_ibuf [dreg:s8], $0x6FFFF;
	_ =	strace $0x90000049  }
0xb4: {  	s29 =	simm.s32 $0x9;
	_ =	strace $0x8000004B  }
0xb5: {  	_ =	swait.ge [sflag:s29], $0x1  }
0xb6: {  	[sflag:s29] =	ssyncadd.s32 $0xFFFFFFFF  }
0xb7: {  	_ =	strace $0x9000004B  }
0xb8: {  	_ =	sfence  }
0xb9: {  	s30 =	sld [smem:$0x0];
	_ =	sdelay $0x2  }
0xba: {  	s31 =	sshll.u32 s1, $0xD;
	s1 =	sshrl.u32 s1, $0x2  }
0xbb: {  	s3 =	sand.u32 $0x4000, s31;
	s1 =	sadd.s32 s1, s30  }
0xbc: {  	s0 =	sor.u32 s3, s0;
	s1 =	sshll.u32 s1, $0x11  }
0xbd: {  	s0 =	sor.u32 s1, s0  }
0xbe: {  	s0 =	sadd.s32 $0x8F2B, s0  }
0xbf: {  	[sflag:s0] =	ssyncadd.remote.s32 $0x1  }
0xc0: {  	_ =	sfence.sel $0xFFFF  }
0xc1: {  	[dreg:$0x0] =	wrdreg $0xFFFFFFFF;
	(pc) =	sbr.abs _section_cstart, $3  }
0xc2: {  	[dreg:$0x1] =	wrdreg $0xFFFFFFFF  }
0xc3: {  	_ =	task.clear_ibuf [dreg:s8], $0x2FFFF;
	_ =	strace $0x9FFFFFFF  }
0xc4: {  	(tm) =	ssettm $0x7FFFFFFF  }
0xc5: {  	_ =	shalt  }
tec
execute0_lowered:
.L_overlay_start_1:
0x0: {  	(tag) =	ssettag $0x1  }
0x1: {  	s7 =	rddreg [dreg:$0x0]  }
0x2: {  	s4 =	rddreg [dreg:$0x1]  }
0x3: {  	s8 =	rddreg [dreg:$0x2];
	s2 =	srdreg.scid  }
0x4: {  	s0 =	rddreg [dreg:$0x3];
	s1 =	stileid.u32;
	s11 =	simm.s32 $0x80  }
0x5: {  	s12 =	simm.s32 $0x880;
	s13 =	simm.s32 $0x1080;
	s14 =	simm.s32 $0x1880  }
0x6: {  	s15 =	simm.s32 $0x2080;
	s16 =	simm.s32 $0x2880;
	s17 =	simm.s32 $0x3080  }
0x7: {  	s18 =	simm.s32 $0x3880;
	s19 =	simm.s32 $0x4080;
	s20 =	simm.s32 $0x4880  }
0x8: {  	s21 =	simm.s32 $0x5080;
	s22 =	simm.s32 $0x5880;
	s23 =	simm.s32 $0x6080  }
0x9: {  	s24 =	simm.s32 $0x6880;
	s25 =	simm.s32 $0x7080;
	s26 =	simm.s32 $0x7880  }
0xa: {  	s28 =	simm.s32 $0x1;
	s3 =	sand.u32 $0x1, s2;
	s2 =	simm.s32 $0x0  }
0xb: {  	s5 =	sshll.u32 s1, $0x6;
	s6 =	sshll.u32 s3, $0x5;
	[smem:$0x7FF] =	sst s2  }
0xc: {  	s9 =	ssub.s32 $0x2, s3;
	s3 =	sadd.s32 $0x1000800, s7;
	s10 =	sor.u32 s6, s5  }
0xd: {  	_ =	strace $0x8000004A;
	s31 =	sshrl.u32 s9, $0x1;
	s5 =	sadd.s32 $0x1000900, s7  }
0xe: {  	v2 =	vlaneseq.u32;
	s6 =	sshrl.u32 s10, $0x3;
	s9 =	ssub.s32 s9, s31;
	s10 =	sshll.u32 s10, $0x7  }
0xf: {  	vm0 =	vmmov $0xffff;
	v1 =	vshrl.u32 v2, $0x3;
	s4 =	sadd.s32 s4, s6;
	s6 =	sadd.s32 $0x1000A00, s7;
	s7 =	sadd.s32 $0x1000B00, s7  }
0x10: {  	v0 =	vand.u32 $0x7, v2;
	v2 =	vor.u32 $0x8, v2;
	v1 =	vmul.u32 $0x8, v1;
	s8 =	sadd.s32 s8, s10;
	s9 =	smax.u32 s9, $0x1;
	s10 =	simm.s32 $0x2  }
.LBB2_1:
0x11: {  	[tilespmem:s2], [sflag:$0x2] =	stream.linear.gather [hbm4b:s4+s2], $0x20, $0x38;
	[tilespmem:$0x8080] =	vst v63  }
0x12: {  	_ =	swait.ge [sflag:s10], $0x20  }
0x13: {  	[sflag:s10] =	ssyncset.done $0x0  }
0x14: {  	[sflag:s10] =	ssyncadd.s32 $0xFFFFFFE0  }
0x15: {  	v3 =	vld [tilespmem:$0x0];
	_ =	sdelay $0x4  }
0x16: {  	v4 =	vshll.u32 v3, $0x3  }
0x17: {  	v3 =	vand.u32 $0x7, v3;
	v4 =	vand.u32 $0xFFFFFFC0, v4  }
0x18: {  	v3 =	vor.u32 v3, v4  }
0x19: {  	v4 =	vperm.xlane v3, v0;
	_ =	sdelay $0x1  }
0x1a: {  	v4 =	vadd.s32 v1, v4;
	_ =	sdelay $0x4  }
0x1b: {  	[tilespmem:s11], [sflag:$0x1] =	stream.indirect_vreg.gather [hbm4b:s3+s2], $0x80, v4, vm0, $0xb8;
	[tilespmem:$0x8080] =	vst v63  }
0x1c: {  	v3 =	vperm.xlane v3, v2  }
0x1d: {  	[tilespmem:s12], [sflag:$0x1] =	stream.indirect_vreg.gather [hbm4b:s5+s2], $0x80, v4, vm0, $0xb8;
	[tilespmem:$0x8080] =	vst v63  }
0x1e: {  	v3 =	vadd.s32 v1, v3  }
0x1f: {  	[tilespmem:s13], [sflag:$0x1] =	stream.indirect_vreg.gather [hbm4b:s6+s2], $0x80, v4, vm0, $0xb8;
	[tilespmem:$0x8080] =	vst v63  }
0x20: {  	_ = 	snop  }
0x21: {  	[tilespmem:s14], [sflag:$0x1] =	stream.indirect_vreg.gather [hbm4b:s7+s2], $0x80, v4, vm0, $0xb8;
	[tilespmem:$0x8080] =	vst v63  }
0x22: {  	_ = 	snop  }
0x23: {  	[tilespmem:s15], [sflag:$0x1] =	stream.indirect_vreg.gather [hbm4b:s3+s2], $0x80, v3, vm0, $0xb8;
	[tilespmem:$0x8080] =	vst v63  }
0x24: {  	_ = 	snop  }
0x25: {  	[tilespmem:s16], [sflag:$0x1] =	stream.indirect_vreg.gather [hbm4b:s5+s2], $0x80, v3, vm0, $0xb8;
	[tilespmem:$0x8080] =	vst v63  }
0x26: {  	_ = 	snop  }
0x27: {  	[tilespmem:s17], [sflag:$0x1] =	stream.indirect_vreg.gather [hbm4b:s6+s2], $0x80, v3, vm0, $0xb8;
	[tilespmem:$0x8080] =	vst v63  }
0x28: {  	_ = 	snop  }
0x29: {  	[tilespmem:s18], [sflag:$0x1] =	stream.indirect_vreg.gather [hbm4b:s7+s2], $0x80, v3, vm0, $0xb8;
	[tilespmem:$0x8080] =	vst v63  }
0x2a: {  	v3 =	vld [tilespmem:$0x10];
	_ =	sdelay $0x4  }
0x2b: {  	v63 =	vshll.u32 v3, $0x3  }
0x2c: {  	v3 =	vand.u32 $0x7, v3;
	v4 =	vand.u32 $0xFFFFFFC0, v63  }
0x2d: {  	v3 =	vor.u32 v3, v4  }
0x2e: {  	v4 =	vperm.xlane v3, v0;
	_ =	sdelay $0x1  }
0x2f: {  	v4 =	vadd.s32 v1, v4;
	_ =	sdelay $0x4  }
0x30: {  	[tilespmem:s19], [sflag:$0x1] =	stream.indirect_vreg.gather [hbm4b:s3+s2], $0x80, v4, vm0, $0xb8;
	[tilespmem:$0x8080] =	vst v63  }
0x31: {  	v3 =	vperm.xlane v3, v2  }
0x32: {  	[tilespmem:s20], [sflag:$0x1] =	stream.indirect_vreg.gather [hbm4b:s5+s2], $0x80, v4, vm0, $0xb8;
	[tilespmem:$0x8080] =	vst v63  }
0x33: {  	v3 =	vadd.s32 v1, v3  }
0x34: {  	[tilespmem:s21], [sflag:$0x1] =	stream.indirect_vreg.gather [hbm4b:s6+s2], $0x80, v4, vm0, $0xb8;
	[tilespmem:$0x8080] =	vst v63  }
0x35: {  	_ = 	snop  }
0x36: {  	[tilespmem:s22], [sflag:$0x1] =	stream.indirect_vreg.gather [hbm4b:s7+s2], $0x80, v4, vm0, $0xb8;
	[tilespmem:$0x8080] =	vst v63  }
0x37: {  	_ = 	snop  }
0x38: {  	[tilespmem:s23], [sflag:$0x1] =	stream.indirect_vreg.gather [hbm4b:s3+s2], $0x80, v3, vm0, $0xb8;
	[tilespmem:$0x8080] =	vst v63  }
0x39: {  	_ = 	snop  }
0x3a: {  	[tilespmem:s24], [sflag:$0x1] =	stream.indirect_vreg.gather [hbm4b:s5+s2], $0x80, v3, vm0, $0xb8;
	[tilespmem:$0x8080] =	vst v63  }
0x3b: {  	_ = 	snop  }
0x3c: {  	[tilespmem:s25], [sflag:$0x1] =	stream.indirect_vreg.gather [hbm4b:s6+s2], $0x80, v3, vm0, $0xb8;
	[tilespmem:$0x8080] =	vst v63  }
0x3d: {  	_ = 	snop  }
0x3e: {  	[tilespmem:s26], [sflag:$0x1] =	stream.indirect_vreg.gather [hbm4b:s7+s2], $0x80, v3, vm0, $0xb8;
	[tilespmem:$0x8080] =	vst v63  }
0x3f: {  	_ =	swait.ge [sflag:s28], $0x8000  }
0x40: {  	p0 =	sne.s32 s9, $0x1;
	[sflag:s28] =	ssyncset.done $0x0  }
.Ltmp0:
0x41: {  	[sflag:s28] =	ssyncadd.s32 $0xFFFF8000;
	(pc) =	sbr.rel @p0 .LBB2_1-.Ltmp0, $4  }
0x42: {  	[hbm4b:s8+s2] =	stream.linear.scatter [tilespmem:s11], [sflag:$0x2], $0x8000, $0x38;
	[tilespmem:$0x8080] =	vst v63  }
0x43: {  	_ =	swait.ge [sflag:s10], $0x8000  }
0x44: {  	[sflag:s10] =	ssyncset.done $0x0  }
0x45: {  	s9 =	sadd.s32 $0xFFFFFFFF, s9;
	[sflag:s10] =	ssyncadd.s32 $0xFFFF8000  }
0x46: {  	_ =	sfence.sel $0x180000  }
0x47: {  	[bflag:$0x0] =	sbarrier.arrive $0xFFFF  }
0x48: {  	p0 =	sne.s32 s1, $0x0;
	_ =	strace $0x9000004A  }
0x49: {  	s0 =	sadd.s32 @!p0 $0x100000, s0;
	[bflag:$0x2] =	sbarrier.arrive $0xFFFF  }
0x4a: {  	[sflag:s0] =	ssyncadd.tile.s32 @!p0 $0x1;
	_ =	shalt  }
.Lfunc_end2:
_tile_overlayer_lowered:
.L_overlay_start_2:
0x4b: {  	(tag) =	ssettag $0x2  }
0x4c: {  	s0 =	rddreg [dreg:$0x0];
	s2 =	stileid.u32  }
0x4d: {  	s1 =	rddreg [dreg:$0x1];
	p0 =	sne.s32 s2, $0x0  }
0x4e: {  	s3 =	rddreg [dreg:$0x2];
	[bflag:$0x3] =	sbarrier.arrive $0xFFFF;
	s2 =	simm.s32 @!p0 $0x1C02  }
0x4f: {  	[timem:s3], [sflag:s2] =	dma.local @!p0 [hbm:s0], s1  }
0x50: {  	s0 =	simm.s32 @!p0 $0x2  }
0x51: {  	_ =	swait.ge @!p0 [sflag:s0], s1  }
0x52: {  	s1 =	ssub.s32 @!p0 $0x0, s1;
	[sflag:s0] =	ssyncset.done @!p0 $0x0  }
0x53: {  	[sflag:s0] =	ssyncadd.s32 @!p0 s1  }
0x54: {  	[bflag:$0x3] =	sbarrier.arrive $0xFFFF  }
0x55: {  	_ =	shalt  }

</sc_bundles>
